<compile_context>
chip_gen: v7x
topology: tpu7x:2x2x1
jax: 0.10.2.dev20260603
libtpu: 0.0.44.dev20260713+nightly
codegen_flags: <defaults>
</compile_context>

<pallas_src>
import functools

import jax
import jax.numpy as jnp
from jax import lax
from jax.experimental import pallas as pl
from jax.experimental.pallas import tpu as pltpu
from jax.experimental.pallas import tpu_sc as plsc

N_NODES = 100000
N_PAD = 100352
ROWS2D = 784
WSEG = N_PAD // 16

LANES = 16
NC = 2
NS = 16
NW = NC * NS
CH_ROWS = 125
CHUNK = CH_ROWS * LANES
NBUF = 3

_f32 = jnp.float32


def _mesh():
    return plsc.VectorSubcoreMesh(core_axis_name="c", subcore_axis_name="s")


def _zero_fill(wbuf):
    z = jnp.zeros((LANES,), _f32)
    for k in range(WSEG // LANES):
        wbuf[pl.ds(k * LANES, LANES)] = z


def _acc_init(s, wbuf, acc):
    _zero_fill(wbuf)
    pltpu.sync_copy(wbuf, acc.at[pl.ds(s * WSEG, WSEG)])


def _acc_writeout(c, s, wbuf, acc, out_hbm):
    pltpu.sync_copy(acc.at[pl.ds(s * WSEG, WSEG)], wbuf)
    pltpu.sync_copy(wbuf, out_hbm.at[c, pl.ds(s * WSEG, WSEG)])


def _deg_body(nchunks, dst_hbm, out_hbm, dbuf0, dbuf1, dbuf2, dbuf3,
              vbuf, wbuf, acc, sin, sout):
    dbuf = [dbuf0, dbuf1, dbuf2, dbuf3]
    c = lax.axis_index("c")
    s = lax.axis_index("s")
    one = jnp.ones((LANES,), _f32)
    for k in range(CH_ROWS):
        vbuf[pl.ds(k * LANES, LANES)] = one
    _acc_init(s, wbuf, acc)
    plsc.subcore_barrier()
    base0 = (c * NS + s) * (nchunks * CHUNK)

    def start_in(j, b4):
        pltpu.async_copy(dst_hbm.at[pl.ds(base0 + j * CHUNK, CHUNK)],
                         dbuf[b4], sin[b4])

    def wait_in(b4):
        pltpu.make_async_copy(dst_hbm.at[pl.ds(0, CHUNK)], dbuf[b4],
                              sin[b4]).wait()

    def wait_out(b2):
        pltpu.make_async_copy(vbuf, acc.at[dbuf[0]], sout[b2]).wait()

    def visit(j, b4, b2, do_wait_out, prefetch_guard):
        wait_in(b4)
        if do_wait_out:
            wait_out(b2)
        pltpu.async_copy(vbuf, acc.at[dbuf[b4]], sout[b2], add=True)
        if prefetch_guard is not None:
            @pl.when(prefetch_guard)
            def _():
                start_in(j + 2, (b4 + 2) % 4)

    start_in(0, 0)
    start_in(1, 1)
    visit(jnp.int32(0), 0, 0, False, True)
    visit(jnp.int32(1), 1, 1, False, True)

    def loop(i2, carry):
        for t in range(4):
            j = 4 * i2 + 2 + t
            visit(j, (2 + t) % 4, t % 2, True, j + 2 < nchunks)
        return carry

    lax.fori_loop(0, (nchunks - 2) // 4, loop, 0)
    wait_out(0)
    wait_out(1)
    plsc.subcore_barrier()
    _acc_writeout(c, s, wbuf, acc, out_hbm)


def _edge_body(nchunks, vals_hbm, src_hbm, dst_hbm, out_hbm,
               sbuf0, sbuf1, dbuf0, dbuf1, dbuf2, dbuf3, vbuf0, vbuf1,
               wbuf, s_local, acc, sin_s, sin_d, sout):
    sbuf = [sbuf0, sbuf1]
    dbuf = [dbuf0, dbuf1, dbuf2, dbuf3]
    vbuf = [vbuf0, vbuf1]
    c = lax.axis_index("c")
    s = lax.axis_index("s")
    pltpu.sync_copy(vals_hbm, s_local)
    _acc_init(s, wbuf, acc)
    plsc.subcore_barrier()
    base0 = (c * NS + s) * (nchunks * CHUNK)

    def start_in(j, b4, b2):
        r = base0 + j * CHUNK
        pltpu.async_copy(src_hbm.at[pl.ds(r, CHUNK)], sbuf[b2], sin_s[b2])
        pltpu.async_copy(dst_hbm.at[pl.ds(r, CHUNK)], dbuf[b4],
                         sin_d[b4])

    def wait_in(b4, b2):
        pltpu.make_async_copy(src_hbm.at[pl.ds(0, CHUNK)], sbuf[b2],
                              sin_s[b2]).wait()
        pltpu.make_async_copy(dst_hbm.at[pl.ds(0, CHUNK)], dbuf[b4],
                              sin_d[b4]).wait()

    def wait_out(b2):
        pltpu.make_async_copy(vbuf[b2], acc.at[dbuf[0]], sout[b2]).wait()

    def visit(j, b4, b2, do_wait_out, prefetch_guard):
        wait_in(b4, b2)
        if do_wait_out:
            wait_out(b2)
        for k0 in range(0, CH_ROWS, 25):
            idxs = [sbuf[b2][pl.ds((k0 + i) * LANES, LANES)]
                    for i in range(25)]
            vals = [plsc.load_gather(s_local, [ix]) for ix in idxs]
            for i in range(25):
                vbuf[b2][pl.ds((k0 + i) * LANES, LANES)] = vals[i]
        pltpu.async_copy(vbuf[b2], acc.at[dbuf[b4]], sout[b2], add=True)
        if prefetch_guard is not None:
            @pl.when(prefetch_guard)
            def _():
                start_in(j + 2, (b4 + 2) % 4, b2)
        return

    start_in(0, 0, 0)
    start_in(1, 1, 1)
    visit(jnp.int32(0), 0, 0, False, True)
    visit(jnp.int32(1), 1, 1, False, True)

    def loop(i2, carry):
        for t in range(4):
            j = 4 * i2 + 2 + t
            visit(j, (2 + t) % 4, t % 2, True, j + 2 < nchunks)
        return carry

    lax.fori_loop(0, (nchunks - 2) // 4, loop, 0)
    wait_out(0)
    wait_out(1)
    plsc.subcore_barrier()
    _acc_writeout(c, s, wbuf, acc, out_hbm)


@functools.partial(jax.jit, static_argnames=("nchunks",))
def _deg_pass(dst, nchunks):
    return pl.kernel(
        functools.partial(_deg_body, nchunks),
        out_type=jax.ShapeDtypeStruct((NC, N_PAD), _f32),
        mesh=_mesh(),
        compiler_params=pltpu.CompilerParams(needs_layout_passes=False),
        scratch_types=[
            pltpu.VMEM((CHUNK,), jnp.int32),
            pltpu.VMEM((CHUNK,), jnp.int32),
            pltpu.VMEM((CHUNK,), jnp.int32),
            pltpu.VMEM((CHUNK,), jnp.int32),
            pltpu.VMEM((CHUNK,), _f32),
            pltpu.VMEM((WSEG,), _f32),
            pltpu.VMEM_SHARED((N_PAD,), _f32),
            [pltpu.SemaphoreType.DMA] * 4,
            [pltpu.SemaphoreType.DMA] * 2,
        ],
    )(dst)


@functools.partial(jax.jit, static_argnames=("nchunks",))
def _edge_pass(vals, src, dst, nchunks):
    return pl.kernel(
        functools.partial(_edge_body, nchunks),
        out_type=jax.ShapeDtypeStruct((NC, N_PAD), _f32),
        mesh=_mesh(),
        compiler_params=pltpu.CompilerParams(needs_layout_passes=False),
        scratch_types=[
            pltpu.VMEM((CHUNK,), jnp.int32),
            pltpu.VMEM((CHUNK,), jnp.int32),
            pltpu.VMEM((CHUNK,), jnp.int32),
            pltpu.VMEM((CHUNK,), jnp.int32),
            pltpu.VMEM((CHUNK,), jnp.int32),
            pltpu.VMEM((CHUNK,), jnp.int32),
            pltpu.VMEM((CHUNK,), _f32),
            pltpu.VMEM((CHUNK,), _f32),
            pltpu.VMEM((WSEG,), _f32),
            pltpu.VMEM((N_PAD,), _f32),
            pltpu.VMEM_SHARED((N_PAD,), _f32),
            [pltpu.SemaphoreType.DMA] * 2,
            [pltpu.SemaphoreType.DMA] * 4,
            [pltpu.SemaphoreType.DMA] * 2,
        ],
    )(vals, src, dst)


def _tc1_body(degp_ref, x_ref, dis_ref, s1_ref):
    deg = degp_ref[0] + degp_ref[1] + 1.0
    dis = jnp.where(deg > 0.0, lax.rsqrt(deg), 0.0)
    dis_ref[...] = dis
    s1_ref[...] = dis * x_ref[...]


def _tc2_body(hid_dim, ap_ref, dis_ref, x_ref, w1_ref, b1_ref,
              w2_ref, s2_ref, v_ref):
    dis = dis_ref[...]
    p1 = dis * (ap_ref[0] + ap_ref[1]) + dis * dis * x_ref[...]
    v = jnp.zeros_like(p1)
    for j in range(hid_dim):
        v = v + jnp.maximum(p1 * w1_ref[0, j] + b1_ref[j], 0.0) * w2_ref[j, 0]
    v_ref[...] = v
    s2_ref[...] = dis * v


def _tc3_body(ap_ref, dis_ref, v_ref, b2_ref, out_ref):
    dis = dis_ref[...]
    out_ref[...] = (dis * (ap_ref[0] + ap_ref[1])
                    + dis * dis * v_ref[...] + b2_ref[0])


_NODE2D = jax.ShapeDtypeStruct((ROWS2D, 128), _f32)


def _smem_spec():
    return pl.BlockSpec(memory_space=pltpu.SMEM)


@jax.jit
def _tc1(degp, x2d):
    return pl.pallas_call(
        _tc1_body,
        out_shape=(_NODE2D, _NODE2D),
    )(degp, x2d)


@jax.jit
def _tc2(ap, dis, x2d, W1, b1, W2):
    return pl.pallas_call(
        functools.partial(_tc2_body, W1.shape[1]),
        in_specs=[pl.BlockSpec(memory_space=pltpu.VMEM)] * 3
        + [_smem_spec(), _smem_spec(), _smem_spec()],
        out_shape=(_NODE2D, _NODE2D),
    )(ap, dis, x2d, W1, b1, W2)


@jax.jit
def _tc3(ap, dis, v, b2):
    return pl.pallas_call(
        _tc3_body,
        in_specs=[pl.BlockSpec(memory_space=pltpu.VMEM)] * 3 + [_smem_spec()],
        out_shape=_NODE2D,
    )(ap, dis, v, b2)


def kernel(x, edge_index, W1, b1, W2, b2):
    n = x.shape[0]
    e = edge_index.shape[1]
    nchunks = e // (CHUNK * NW)
    ei = edge_index.astype(jnp.int32)
    src, dst = ei[0], ei[1]
    x2d = jnp.pad(x[:, 0], (0, N_PAD - n)).reshape(ROWS2D, 128)

    deg_p = _deg_pass(dst, nchunks)
    dis, s1 = _tc1(deg_p.reshape(NC, ROWS2D, 128), x2d)

    a1_p = _edge_pass(s1.reshape(N_PAD), src, dst, nchunks)
    s2, v = _tc2(a1_p.reshape(NC, ROWS2D, 128), dis, x2d, W1, b1, W2)

    a2_p = _edge_pass(s2.reshape(N_PAD), src, dst, nchunks)
    out2d = _tc3(a2_p.reshape(NC, ROWS2D, 128), dis, v, b2)

    return out2d.reshape(N_PAD)[:n, None]

# --- scband reference (transcript-rebuilt; emitter-appended) ---
"""Pipeline reference for scband-gnn-6141803233890 (READ-ONLY COPY).

The authoritative reference and input builder live on the scoring server;
editing this copy changes nothing except your own understanding.
"""

import jax, jax.numpy as jnp
import numpy as np

N_NODES = 100000
N_EDGES = 3200000
IN_DIM = 1
HID_DIM = 8
OUT_DIM = 1


def _glorot(key, shape):
    fan_in, fan_out = shape[0], shape[1]
    limit = float(np.sqrt(6.0 / (fan_in + fan_out)))
    return jax.random.uniform(key, shape, dtype=jnp.float32, minval=-limit, maxval=limit)


def setup_inputs(seed: int = 0) -> dict:
    key = jax.random.key(seed)
    k_x, k_e, k_w1, k_w2 = jax.random.split(key, 4)
    x = jax.random.normal(k_x, (N_NODES, IN_DIM), dtype=jnp.float32)
    edge_index = jax.random.randint(k_e, (2, N_EDGES), 0, N_NODES, dtype=jnp.int64)
    W1 = _glorot(k_w1, (IN_DIM, HID_DIM))
    b1 = jnp.zeros((HID_DIM,), dtype=jnp.float32)
    W2 = _glorot(k_w2, (HID_DIM, OUT_DIM))
    b2 = jnp.zeros((OUT_DIM,), dtype=jnp.float32)
    return {"x": x, "edge_index": edge_index, "W1": W1, "b1": b1, "W2": W2, "b2": b2}


def _gcn_conv(x, edge_index, W, b):
    # PyG GCNConv: add self-loops, symmetric normalization, sum aggregation
    N = x.shape[0]
    loop = jnp.arange(N, dtype=edge_index.dtype)
    src = jnp.concatenate([edge_index[0], loop])
    dst = jnp.concatenate([edge_index[1], loop])
    h = x @ W  # linear transform first (standard GCNConv)
    deg = jnp.zeros((N,), dtype=h.dtype).at[dst].add(1.0)
    deg_inv_sqrt = jnp.where(deg > 0, deg ** -0.5, 0.0)
    norm = deg_inv_sqrt[src] * deg_inv_sqrt[dst]  # gather
    msg = h[src] * norm[:, None]                   # gather
    out = jnp.zeros((N, h.shape[1]), dtype=h.dtype).at[dst].add(msg)  # scatter-add
    return out + b


def reference(x, edge_index, W1, b1, W2, b2):
    h = _gcn_conv(x, edge_index, W1, b1)
    h = jax.nn.relu(h)
    out = _gcn_conv(h, edge_index, W2, b2)
    return out

if __name__ == "__main__":
    import jax
    _d = setup_inputs()
    print(jax.jit(kernel)(*tuple(_d.values())))

</pallas_src>

<mosaic_0001>
#map = affine_map<(d0, d1) -> (0)>
#map1 = affine_map<(d0, d1) -> (0, 0)>
module attributes {stable_mosaic.version = 14 : i64} {
  func.func @_deg_body(%arg0: i32, %arg1: i32, %arg2: memref<3200000xi32, #tpu.memory_space<hbm>>, %arg3: memref<2x100352xf32, #tpu.memory_space<hbm>>, %arg4: memref<2000xi32, #tpu.memory_space<vmem>>, %arg5: memref<2000xi32, #tpu.memory_space<vmem>>, %arg6: memref<2000xi32, #tpu.memory_space<vmem>>, %arg7: memref<2000xi32, #tpu.memory_space<vmem>>, %arg8: memref<2000xf32, #tpu.memory_space<vmem>>, %arg9: memref<6272xf32, #tpu.memory_space<vmem>>, %arg10: memref<100352xf32, #tpu.memory_space<vmem_shared>>, %arg11: memref<!tpu.dma_semaphore, #tpu.memory_space<semaphore_mem>>, %arg12: memref<!tpu.dma_semaphore, #tpu.memory_space<semaphore_mem>>, %arg13: memref<!tpu.dma_semaphore, #tpu.memory_space<semaphore_mem>>, %arg14: memref<!tpu.dma_semaphore, #tpu.memory_space<semaphore_mem>>, %arg15: memref<!tpu.dma_semaphore, #tpu.memory_space<semaphore_mem>>, %arg16: memref<!tpu.dma_semaphore, #tpu.memory_space<semaphore_mem>>) attributes {dimension_semantics = [#tpu.dimension_semantics<core_parallel>, #tpu.dimension_semantics<subcore_parallel>], iteration_bounds = array<i64: 2, 16>, scalar_prefetch = 0 : i64, scratch_operands = 13 : i64, tpu.core_type = #tpu.core_type<sc_vector_subcore>, window_params = [{transform_indices = #map}, {transform_indices = #map1}]} {
    %broadcast_in_dim3A = arith.constant 1.000000e+00 : f32
    %broadcast_in_dim3A_0 = vector.broadcast %broadcast_in_dim3A : f32 to vector<16xf32>
    %swap3A = arith.constant 0 : index
    %swap3A_1 = tpu.vector_load %arg8[%swap3A] {strides = array<i32>} : memref<2000xf32, #tpu.memory_space<vmem>>, vector<16xf32>,
    tpu.vector_store %arg8[%swap3A], %broadcast_in_dim3A_0 {strides = array<i32>} : memref<2000xf32, #tpu.memory_space<vmem>>, vector<16xf32>,
    %swap3A_2 = arith.constant 16 : index
    %swap3A_3 = tpu.vector_load %arg8[%swap3A_2] {strides = array<i32>} : memref<2000xf32, #tpu.memory_space<vmem>>, vector<16xf32>,
    tpu.vector_store %arg8[%swap3A_2], %broadcast_in_dim3A_0 {strides = array<i32>} : memref<2000xf32, #tpu.memory_space<vmem>>, vector<16xf32>,
    %swap3A_4 = arith.constant 32 : index
    %swap3A_5 = tpu.vector_load %arg8[%swap3A_4] {strides = array<i32>} : memref<2000xf32, #tpu.memory_space<vmem>>, vector<16xf32>,
    tpu.vector_store %arg8[%swap3A_4], %broadcast_in_dim3A_0 {strides = array<i32>} : memref<2000xf32, #tpu.memory_space<vmem>>, vector<16xf32>,
    %swap3A_6 = arith.constant 48 : index
    %swap3A_7 = tpu.vector_load %arg8[%swap3A_6] {strides = array<i32>} : memref<2000xf32, #tpu.memory_space<vmem>>, vector<16xf32>,
    tpu.vector_store %arg8[%swap3A_6], %broadcast_in_dim3A_0 {strides = array<i32>} : memref<2000xf32, #tpu.memory_space<vmem>>, vector<16xf32>,
    %swap3A_8 = arith.constant 64 : index
    %swap3A_9 = tpu.vector_load %arg8[%swap3A_8] {strides = array<i32>} : memref<2000xf32, #tpu.memory_space<vmem>>, vector<16xf32>,
    tpu.vector_store %arg8[%swap3A_8], %broadcast_in_dim3A_0 {strides = array<i32>} : memref<2000xf32, #tpu.memory_space<vmem>>, vector<16xf32>,
    %swap3A_10 = arith.constant 80 : index
    %swap3A_11 = tpu.vector_load %arg8[%swap3A_10] {strides = array<i32>} : memref<2000xf32, #tpu.memory_space<vmem>>, vector<16xf32>,
    tpu.vector_store %arg8[%swap3A_10], %broadcast_in_dim3A_0 {strides = array<i32>} : memref<2000xf32, #tpu.memory_space<vmem>>, vector<16xf32>,
    %swap3A_12 = arith.constant 96 : index
    %swap3A_13 = tpu.vector_load %arg8[%swap3A_12] {strides = array<i32>} : memref<2000xf32, #tpu.memory_space<vmem>>, vector<16xf32>,
    tpu.vector_store %arg8[%swap3A_12], %broadcast_in_dim3A_0 {strides = array<i32>} : memref<2000xf32, #tpu.memory_space<vmem>>, vector<16xf32>,
    %swap3A_14 = arith.constant 112 : index
    %swap3A_15 = tpu.vector_load %arg8[%swap3A_14] {strides = array<i32>} : memref<2000xf32, #tpu.memory_space<vmem>>, vector<16xf32>,
    tpu.vector_store %arg8[%swap3A_14], %broadcast_in_dim3A_0 {strides = array<i32>} : memref<2000xf32, #tpu.memory_space<vmem>>, vector<16xf32>,
    %swap3A_16 = arith.constant 128 : index
    %swap3A_17 = tpu.vector_load %arg8[%swap3A_16] {strides = array<i32>} : memref<2000xf32, #tpu.memory_space<vmem>>, vector<16xf32>,
    tpu.vector_store %arg8[%swap3A_16], %broadcast_in_dim3A_0 {strides = array<i32>} : memref<2000xf32, #tpu.memory_space<vmem>>, vector<16xf32>,
    %swap3A_18 = arith.constant 144 : index
    %swap3A_19 = tpu.vector_load %arg8[%swap3A_18] {strides = array<i32>} : memref<2000xf32, #tpu.memory_space<vmem>>, vector<16xf32>,
    tpu.vector_store %arg8[%swap3A_18], %broadcast_in_dim3A_0 {strides = array<i32>} : memref<2000xf32, #tpu.memory_space<vmem>>, vector<16xf32>,
    %swap3A_20 = arith.constant 160 : index
    %swap3A_21 = tpu.vector_load %arg8[%swap3A_20] {strides = array<i32>} : memref<2000xf32, #tpu.memory_space<vmem>>, vector<16xf32>,
    tpu.vector_store %arg8[%swap3A_20], %broadcast_in_dim3A_0 {strides = array<i32>} : memref<2000xf32, #tpu.memory_space<vmem>>, vector<16xf32>,
    %swap3A_22 = arith.constant 176 : index
    %swap3A_23 = tpu.vector_load %arg8[%swap3A_22] {strides = array<i32>} : memref<2000xf32, #tpu.memory_space<vmem>>, vector<16xf32>,
    tpu.vector_store %arg8[%swap3A_22], %broadcast_in_dim3A_0 {strides = array<i32>} : memref<2000xf32, #tpu.memory_space<vmem>>, vector<16xf32>,
    %swap3A_24 = arith.constant 192 : index
    %swap3A_25 = tpu.vector_load %arg8[%swap3A_24] {strides = array<i32>} : memref<2000xf32, #tpu.memory_space<vmem>>, vector<16xf32>,
    tpu.vector_store %arg8[%swap3A_24], %broadcast_in_dim3A_0 {strides = array<i32>} : memref<2000xf32, #tpu.memory_space<vmem>>, vector<16xf32>,
    %swap3A_26 = arith.constant 208 : index
    %swap3A_27 = tpu.vector_load %arg8[%swap3A_26] {strides = array<i32>} : memref<2000xf32, #tpu.memory_space<vmem>>, vector<16xf32>,
    tpu.vector_store %arg8[%swap3A_26], %broadcast_in_dim3A_0 {strides = array<i32>} : memref<2000xf32, #tpu.memory_space<vmem>>, vector<16xf32>,
    %swap3A_28 = arith.constant 224 : index
    %swap3A_29 = tpu.vector_load %arg8[%swap3A_28] {strides = array<i32>} : memref<2000xf32, #tpu.memory_space<vmem>>, vector<16xf32>,
    tpu.vector_store %arg8[%swap3A_28], %broadcast_in_dim3A_0 {strides = array<i32>} : memref<2000xf32, #tpu.memory_space<vmem>>, vector<16xf32>,
    %swap3A_30 = arith.constant 240 : index
    %swap3A_31 = tpu.vector_load %arg8[%swap3A_30] {strides = array<i32>} : memref<2000xf32, #tpu.memory_space<vmem>>, vector<16xf32>,
    tpu.vector_store %arg8[%swap3A_30], %broadcast_in_dim3A_0 {strides = array<i32>} : memref<2000xf32, #tpu.memory_space<vmem>>, vector<16xf32>,
    %swap3A_32 = arith.constant 256 : index
    %swap3A_33 = tpu.vector_load %arg8[%swap3A_32] {strides = array<i32>} : memref<2000xf32, #tpu.memory_space<vmem>>, vector<16xf32>,
    tpu.vector_store %arg8[%swap3A_32], %broadcast_in_dim3A_0 {strides = array<i32>} : memref<2000xf32, #tpu.memory_space<vmem>>, vector<16xf32>,
    %swap3A_34 = arith.constant 272 : index
    %swap3A_35 = tpu.vector_load %arg8[%swap3A_34] {strides = array<i32>} : memref<2000xf32, #tpu.memory_space<vmem>>, vector<16xf32>,
    tpu.vector_store %arg8[%swap3A_34], %broadcast_in_dim3A_0 {strides = array<i32>} : memref<2000xf32, #tpu.memory_space<vmem>>, vector<16xf32>,
    %swap3A_36 = arith.constant 288 : index
    %swap3A_37 = tpu.vector_load %arg8[%swap3A_36] {strides = array<i32>} : memref<2000xf32, #tpu.memory_space<vmem>>, vector<16xf32>,
    tpu.vector_store %arg8[%swap3A_36], %broadcast_in_dim3A_0 {strides = array<i32>} : memref<2000xf32, #tpu.memory_space<vmem>>, vector<16xf32>,
    %swap3A_38 = arith.constant 304 : index
    %swap3A_39 = tpu.vector_load %arg8[%swap3A_38] {strides = array<i32>} : memref<2000xf32, #tpu.memory_space<vmem>>, vector<16xf32>,
    tpu.vector_store %arg8[%swap3A_38], %broadcast_in_dim3A_0 {strides = array<i32>} : memref<2000xf32, #tpu.memory_space<vmem>>, vector<16xf32>,
    %swap3A_40 = arith.constant 320 : index
    %swap3A_41 = tpu.vector_load %arg8[%swap3A_40] {strides = array<i32>} : memref<2000xf32, #tpu.memory_space<vmem>>, vector<16xf32>,
    tpu.vector_store %arg8[%swap3A_40], %broadcast_in_dim3A_0 {strides = array<i32>} : memref<2000xf32, #tpu.memory_space<vmem>>, vector<16xf32>,
    %swap3A_42 = arith.constant 336 : index
    %swap3A_43 = tpu.vector_load %arg8[%swap3A_42] {strides = array<i32>} : memref<2000xf32, #tpu.memory_space<vmem>>, vector<16xf32>,
    tpu.vector_store %arg8[%swap3A_42], %broadcast_in_dim3A_0 {strides = array<i32>} : memref<2000xf32, #tpu.memory_space<vmem>>, vector<16xf32>,
    %swap3A_44 = arith.constant 352 : index
    %swap3A_45 = tpu.vector_load %arg8[%swap3A_44] {strides = array<i32>} : memref<2000xf32, #tpu.memory_space<vmem>>, vector<16xf32>,
    tpu.vector_store %arg8[%swap3A_44], %broadcast_in_dim3A_0 {strides = array<i32>} : memref<2000xf32, #tpu.memory_space<vmem>>, vector<16xf32>,
    %swap3A_46 = arith.constant 368 : index
    %swap3A_47 = tpu.vector_load %arg8[%swap3A_46] {strides = array<i32>} : memref<2000xf32, #tpu.memory_space<vmem>>, vector<16xf32>,
    tpu.vector_store %arg8[%swap3A_46], %broadcast_in_dim3A_0 {strides = array<i32>} : memref<2000xf32, #tpu.memory_space<vmem>>, vector<16xf32>,
    %swap3A_48 = arith.constant 384 : index
    %swap3A_49 = tpu.vector_load %arg8[%swap3A_48] {strides = array<i32>} : memref<2000xf32, #tpu.memory_space<vmem>>, vector<16xf32>,
    tpu.vector_store %arg8[%swap3A_48], %broadcast_in_dim3A_0 {strides = array<i32>} : memref<2000xf32, #tpu.memory_space<vmem>>, vector<16xf32>,
    %swap3A_50 = arith.constant 400 : index
    %swap3A_51 = tpu.vector_load %arg8[%swap3A_50] {strides = array<i32>} : memref<2000xf32, #tpu.memory_space<vmem>>, vector<16xf32>,
    tpu.vector_store %arg8[%swap3A_50], %broadcast_in_dim3A_0 {strides = array<i32>} : memref<2000xf32, #tpu.memory_space<vmem>>, vector<16xf32>,
    %swap3A_52 = arith.constant 416 : index
    %swap3A_53 = tpu.vector_load %arg8[%swap3A_52] {strides = array<i32>} : memref<2000xf32, #tpu.memory_space<vmem>>, vector<16xf32>,
    tpu.vector_store %arg8[%swap3A_52], %broadcast_in_dim3A_0 {strides = array<i32>} : memref<2000xf32, #tpu.memory_space<vmem>>, vector<16xf32>,
    %swap3A_54 = arith.constant 432 : index
    %swap3A_55 = tpu.vector_load %arg8[%swap3A_54] {strides = array<i32>} : memref<2000xf32, #tpu.memory_space<vmem>>, vector<16xf32>,
    tpu.vector_store %arg8[%swap3A_54], %broadcast_in_dim3A_0 {strides = array<i32>} : memref<2000xf32, #tpu.memory_space<vmem>>, vector<16xf32>,
    %swap3A_56 = arith.constant 448 : index
    %swap3A_57 = tpu.vector_load %arg8[%swap3A_56] {strides = array<i32>} : memref<2000xf32, #tpu.memory_space<vmem>>, vector<16xf32>,
    tpu.vector_store %arg8[%swap3A_56], %broadcast_in_dim3A_0 {strides = array<i32>} : memref<2000xf32, #tpu.memory_space<vmem>>, vector<16xf32>,
    %swap3A_58 = arith.constant 464 : index
    %swap3A_59 = tpu.vector_load %arg8[%swap3A_58] {strides = array<i32>} : memref<2000xf32, #tpu.memory_space<vmem>>, vector<16xf32>,
    tpu.vector_store %arg8[%swap3A_58], %broadcast_in_dim3A_0 {strides = array<i32>} : memref<2000xf32, #tpu.memory_space<vmem>>, vector<16xf32>,
    %swap3A_60 = arith.constant 480 : index
    %swap3A_61 = tpu.vector_load %arg8[%swap3A_60] {strides = array<i32>} : memref<2000xf32, #tpu.memory_space<vmem>>, vector<16xf32>,
    tpu.vector_store %arg8[%swap3A_60], %broadcast_in_dim3A_0 {strides = array<i32>} : memref<2000xf32, #tpu.memory_space<vmem>>, vector<16xf32>,
    %swap3A_62 = arith.constant 496 : index
    %swap3A_63 = tpu.vector_load %arg8[%swap3A_62] {strides = array<i32>} : memref<2000xf32, #tpu.memory_space<vmem>>, vector<16xf32>,
    tpu.vector_store %arg8[%swap3A_62], %broadcast_in_dim3A_0 {strides = array<i32>} : memref<2000xf32, #tpu.memory_space<vmem>>, vector<16xf32>,
    %swap3A_64 = arith.constant 512 : index
    %swap3A_65 = tpu.vector_load %arg8[%swap3A_64] {strides = array<i32>} : memref<2000xf32, #tpu.memory_space<vmem>>, vector<16xf32>,
    tpu.vector_store %arg8[%swap3A_64], %broadcast_in_dim3A_0 {strides = array<i32>} : memref<2000xf32, #tpu.memory_space<vmem>>, vector<16xf32>,
    %swap3A_66 = arith.constant 528 : index
    %swap3A_67 = tpu.vector_load %arg8[%swap3A_66] {strides = array<i32>} : memref<2000xf32, #tpu.memory_space<vmem>>, vector<16xf32>,
    tpu.vector_store %arg8[%swap3A_66], %broadcast_in_dim3A_0 {strides = array<i32>} : memref<2000xf32, #tpu.memory_space<vmem>>, vector<16xf32>,
    %swap3A_68 = arith.constant 544 : index
    %swap3A_69 = tpu.vector_load %arg8[%swap3A_68] {strides = array<i32>} : memref<2000xf32, #tpu.memory_space<vmem>>, vector<16xf32>,
    tpu.vector_store %arg8[%swap3A_68], %broadcast_in_dim3A_0 {strides = array<i32>} : memref<2000xf32, #tpu.memory_space<vmem>>, vector<16xf32>,
    %swap3A_70 = arith.constant 560 : index
    %swap3A_71 = tpu.vector_load %arg8[%swap3A_70] {strides = array<i32>} : memref<2000xf32, #tpu.memory_space<vmem>>, vector<16xf32>,
    tpu.vector_store %arg8[%swap3A_70], %broadcast_in_dim3A_0 {strides = array<i32>} : memref<2000xf32, #tpu.memory_space<vmem>>, vector<16xf32>,
    %swap3A_72 = arith.constant 576 : index
    %swap3A_73 = tpu.vector_load %arg8[%swap3A_72] {strides = array<i32>} : memref<2000xf32, #tpu.memory_space<vmem>>, vector<16xf32>,
    tpu.vector_store %arg8[%swap3A_72], %broadcast_in_dim3A_0 {strides = array<i32>} : memref<2000xf32, #tpu.memory_space<vmem>>, vector<16xf32>,
    %swap3A_74 = arith.constant 592 : index
    %swap3A_75 = tpu.vector_load %arg8[%swap3A_74] {strides = array<i32>} : memref<2000xf32, #tpu.memory_space<vmem>>, vector<16xf32>,
    tpu.vector_store %arg8[%swap3A_74], %broadcast_in_dim3A_0 {strides = array<i32>} : memref<2000xf32, #tpu.memory_space<vmem>>, vector<16xf32>,
    %swap3A_76 = arith.constant 608 : index
    %swap3A_77 = tpu.vector_load %arg8[%swap3A_76] {strides = array<i32>} : memref<2000xf32, #tpu.memory_space<vmem>>, vector<16xf32>,
    tpu.vector_store %arg8[%swap3A_76], %broadcast_in_dim3A_0 {strides = array<i32>} : memref<2000xf32, #tpu.memory_space<vmem>>, vector<16xf32>,
    %swap3A_78 = arith.constant 624 : index
    %swap3A_79 = tpu.vector_load %arg8[%swap3A_78] {strides = array<i32>} : memref<2000xf32, #tpu.memory_space<vmem>>, vector<16xf32>,
    tpu.vector_store %arg8[%swap3A_78], %broadcast_in_dim3A_0 {strides = array<i32>} : memref<2000xf32, #tpu.memory_space<vmem>>, vector<16xf32>,
    %swap3A_80 = arith.constant 640 : index
    %swap3A_81 = tpu.vector_load %arg8[%swap3A_80] {strides = array<i32>} : memref<2000xf32, #tpu.memory_space<vmem>>, vector<16xf32>,
    tpu.vector_store %arg8[%swap3A_80], %broadcast_in_dim3A_0 {strides = array<i32>} : memref<2000xf32, #tpu.memory_space<vmem>>, vector<16xf32>,
    %swap3A_82 = arith.constant 656 : index
    %swap3A_83 = tpu.vector_load %arg8[%swap3A_82] {strides = array<i32>} : memref<2000xf32, #tpu.memory_space<vmem>>, vector<16xf32>,
    tpu.vector_store %arg8[%swap3A_82], %broadcast_in_dim3A_0 {strides = array<i32>} : memref<2000xf32, #tpu.memory_space<vmem>>, vector<16xf32>,
    %swap3A_84 = arith.constant 672 : index
    %swap3A_85 = tpu.vector_load %arg8[%swap3A_84] {strides = array<i32>} : memref<2000xf32, #tpu.memory_space<vmem>>, vector<16xf32>,
    tpu.vector_store %arg8[%swap3A_84], %broadcast_in_dim3A_0 {strides = array<i32>} : memref<2000xf32, #tpu.memory_space<vmem>>, vector<16xf32>,
    %swap3A_86 = arith.constant 688 : index
    %swap3A_87 = tpu.vector_load %arg8[%swap3A_86] {strides = array<i32>} : memref<2000xf32, #tpu.memory_space<vmem>>, vector<16xf32>,
    tpu.vector_store %arg8[%swap3A_86], %broadcast_in_dim3A_0 {strides = array<i32>} : memref<2000xf32, #tpu.memory_space<vmem>>, vector<16xf32>,
    %swap3A_88 = arith.constant 704 : index
    %swap3A_89 = tpu.vector_load %arg8[%swap3A_88] {strides = array<i32>} : memref<2000xf32, #tpu.memory_space<vmem>>, vector<16xf32>,
    tpu.vector_store %arg8[%swap3A_88], %broadcast_in_dim3A_0 {strides = array<i32>} : memref<2000xf32, #tpu.memory_space<vmem>>, vector<16xf32>,
    %swap3A_90 = arith.constant 720 : index
    %swap3A_91 = tpu.vector_load %arg8[%swap3A_90] {strides = array<i32>} : memref<2000xf32, #tpu.memory_space<vmem>>, vector<16xf32>,
    tpu.vector_store %arg8[%swap3A_90], %broadcast_in_dim3A_0 {strides = array<i32>} : memref<2000xf32, #tpu.memory_space<vmem>>, vector<16xf32>,
    %swap3A_92 = arith.constant 736 : index
    %swap3A_93 = tpu.vector_load %arg8[%swap3A_92] {strides = array<i32>} : memref<2000xf32, #tpu.memory_space<vmem>>, vector<16xf32>,
    tpu.vector_store %arg8[%swap3A_92], %broadcast_in_dim3A_0 {strides = array<i32>} : memref<2000xf32, #tpu.memory_space<vmem>>, vector<16xf32>,
    %swap3A_94 = arith.constant 752 : index
    %swap3A_95 = tpu.vector_load %arg8[%swap3A_94] {strides = array<i32>} : memref<2000xf32, #tpu.memory_space<vmem>>, vector<16xf32>,
    tpu.vector_store %arg8[%swap3A_94], %broadcast_in_dim3A_0 {strides = array<i32>} : memref<2000xf32, #tpu.memory_space<vmem>>, vector<16xf32>,
    %swap3A_96 = arith.constant 768 : index
    %swap3A_97 = tpu.vector_load %arg8[%swap3A_96] {strides = array<i32>} : memref<2000xf32, #tpu.memory_space<vmem>>, vector<16xf32>,
    tpu.vector_store %arg8[%swap3A_96], %broadcast_in_dim3A_0 {strides = array<i32>} : memref<2000xf32, #tpu.memory_space<vmem>>, vector<16xf32>,
    %swap3A_98 = arith.constant 784 : index
    %swap3A_99 = tpu.vector_load %arg8[%swap3A_98] {strides = array<i32>} : memref<2000xf32, #tpu.memory_space<vmem>>, vector<16xf32>,
    tpu.vector_store %arg8[%swap3A_98], %broadcast_in_dim3A_0 {strides = array<i32>} : memref<2000xf32, #tpu.memory_space<vmem>>, vector<16xf32>,
    %swap3A_100 = arith.constant 800 : index
    %swap3A_101 = tpu.vector_load %arg8[%swap3A_100] {strides = array<i32>} : memref<2000xf32, #tpu.memory_space<vmem>>, vector<16xf32>,
    tpu.vector_store %arg8[%swap3A_100], %broadcast_in_dim3A_0 {strides = array<i32>} : memref<2000xf32, #tpu.memory_space<vmem>>, vector<16xf32>,
    %swap3A_102 = arith.constant 816 : index
    %swap3A_103 = tpu.vector_load %arg8[%swap3A_102] {strides = array<i32>} : memref<2000xf32, #tpu.memory_space<vmem>>, vector<16xf32>,
    tpu.vector_store %arg8[%swap3A_102], %broadcast_in_dim3A_0 {strides = array<i32>} : memref<2000xf32, #tpu.memory_space<vmem>>, vector<16xf32>,
    %swap3A_104 = arith.constant 832 : index
    %swap3A_105 = tpu.vector_load %arg8[%swap3A_104] {strides = array<i32>} : memref<2000xf32, #tpu.memory_space<vmem>>, vector<16xf32>,
    tpu.vector_store %arg8[%swap3A_104], %broadcast_in_dim3A_0 {strides = array<i32>} : memref<2000xf32, #tpu.memory_space<vmem>>, vector<16xf32>,
    %swap3A_106 = arith.constant 848 : index
    %swap3A_107 = tpu.vector_load %arg8[%swap3A_106] {strides = array<i32>} : memref<2000xf32, #tpu.memory_space<vmem>>, vector<16xf32>,
    tpu.vector_store %arg8[%swap3A_106], %broadcast_in_dim3A_0 {strides = array<i32>} : memref<2000xf32, #tpu.memory_space<vmem>>, vector<16xf32>,
    %swap3A_108 = arith.constant 864 : index
    %swap3A_109 = tpu.vector_load %arg8[%swap3A_108] {strides = array<i32>} : memref<2000xf32, #tpu.memory_space<vmem>>, vector<16xf32>,
    tpu.vector_store %arg8[%swap3A_108], %broadcast_in_dim3A_0 {strides = array<i32>} : memref<2000xf32, #tpu.memory_space<vmem>>, vector<16xf32>,
    %swap3A_110 = arith.constant 880 : index
    %swap3A_111 = tpu.vector_load %arg8[%swap3A_110] {strides = array<i32>} : memref<2000xf32, #tpu.memory_space<vmem>>, vector<16xf32>,
    tpu.vector_store %arg8[%swap3A_110], %broadcast_in_dim3A_0 {strides = array<i32>} : memref<2000xf32, #tpu.memory_space<vmem>>, vector<16xf32>,
    %swap3A_112 = arith.constant 896 : index
    %swap3A_113 = tpu.vector_load %arg8[%swap3A_112] {strides = array<i32>} : memref<2000xf32, #tpu.memory_space<vmem>>, vector<16xf32>,
    tpu.vector_store %arg8[%swap3A_112], %broadcast_in_dim3A_0 {strides = array<i32>} : memref<2000xf32, #tpu.memory_space<vmem>>, vector<16xf32>,
    %swap3A_114 = arith.constant 912 : index
    %swap3A_115 = tpu.vector_load %arg8[%swap3A_114] {strides = array<i32>} : memref<2000xf32, #tpu.memory_space<vmem>>, vector<16xf32>,
    tpu.vector_store %arg8[%swap3A_114], %broadcast_in_dim3A_0 {strides = array<i32>} : memref<2000xf32, #tpu.memory_space<vmem>>, vector<16xf32>,
    %swap3A_116 = arith.constant 928 : index
    %swap3A_117 = tpu.vector_load %arg8[%swap3A_116] {strides = array<i32>} : memref<2000xf32, #tpu.memory_space<vmem>>, vector<16xf32>,
    tpu.vector_store %arg8[%swap3A_116], %broadcast_in_dim3A_0 {strides = array<i32>} : memref<2000xf32, #tpu.memory_space<vmem>>, vector<16xf32>,
    %swap3A_118 = arith.constant 944 : index
    %swap3A_119 = tpu.vector_load %arg8[%swap3A_118] {strides = array<i32>} : memref<2000xf32, #tpu.memory_space<vmem>>, vector<16xf32>,
    tpu.vector_store %arg8[%swap3A_118], %broadcast_in_dim3A_0 {strides = array<i32>} : memref<2000xf32, #tpu.memory_space<vmem>>, vector<16xf32>,
    %swap3A_120 = arith.constant 960 : index
    %swap3A_121 = tpu.vector_load %arg8[%swap3A_120] {strides = array<i32>} : memref<2000xf32, #tpu.memory_space<vmem>>, vector<16xf32>,
    tpu.vector_store %arg8[%swap3A_120], %broadcast_in_dim3A_0 {strides = array<i32>} : memref<2000xf32, #tpu.memory_space<vmem>>, vector<16xf32>,
    %swap3A_122 = arith.constant 976 : index
    %swap3A_123 = tpu.vector_load %arg8[%swap3A_122] {strides = array<i32>} : memref<2000xf32, #tpu.memory_space<vmem>>, vector<16xf32>,
    tpu.vector_store %arg8[%swap3A_122], %broadcast_in_dim3A_0 {strides = array<i32>} : memref<2000xf32, #tpu.memory_space<vmem>>, vector<16xf32>,
    %swap3A_124 = arith.constant 992 : index
    %swap3A_125 = tpu.vector_load %arg8[%swap3A_124] {strides = array<i32>} : memref<2000xf32, #tpu.memory_space<vmem>>, vector<16xf32>,
    tpu.vector_store %arg8[%swap3A_124], %broadcast_in_dim3A_0 {strides = array<i32>} : memref<2000xf32, #tpu.memory_space<vmem>>, vector<16xf32>,
    %swap3A_126 = arith.constant 1008 : index
    %swap3A_127 = tpu.vector_load %arg8[%swap3A_126] {strides = array<i32>} : memref<2000xf32, #tpu.memory_space<vmem>>, vector<16xf32>,
    tpu.vector_store %arg8[%swap3A_126], %broadcast_in_dim3A_0 {strides = array<i32>} : memref<2000xf32, #tpu.memory_space<vmem>>, vector<16xf32>,
    %swap3A_128 = arith.constant 1024 : index
    %swap3A_129 = tpu.vector_load %arg8[%swap3A_128] {strides = array<i32>} : memref<2000xf32, #tpu.memory_space<vmem>>, vector<16xf32>,
    tpu.vector_store %arg8[%swap3A_128], %broadcast_in_dim3A_0 {strides = array<i32>} : memref<2000xf32, #tpu.memory_space<vmem>>, vector<16xf32>,
    %swap3A_130 = arith.constant 1040 : index
    %swap3A_131 = tpu.vector_load %arg8[%swap3A_130] {strides = array<i32>} : memref<2000xf32, #tpu.memory_space<vmem>>, vector<16xf32>,
    tpu.vector_store %arg8[%swap3A_130], %broadcast_in_dim3A_0 {strides = array<i32>} : memref<2000xf32, #tpu.memory_space<vmem>>, vector<16xf32>,
    %swap3A_132 = arith.constant 1056 : index
    %swap3A_133 = tpu.vector_load %arg8[%swap3A_132] {strides = array<i32>} : memref<2000xf32, #tpu.memory_space<vmem>>, vector<16xf32>,
    tpu.vector_store %arg8[%swap3A_132], %broadcast_in_dim3A_0 {strides = array<i32>} : memref<2000xf32, #tpu.memory_space<vmem>>, vector<16xf32>,
    %swap3A_134 = arith.constant 1072 : index
    %swap3A_135 = tpu.vector_load %arg8[%swap3A_134] {strides = array<i32>} : memref<2000xf32, #tpu.memory_space<vmem>>, vector<16xf32>,
    tpu.vector_store %arg8[%swap3A_134], %broadcast_in_dim3A_0 {strides = array<i32>} : memref<2000xf32, #tpu.memory_space<vmem>>, vector<16xf32>,
    %swap3A_136 = arith.constant 1088 : index
    %swap3A_137 = tpu.vector_load %arg8[%swap3A_136] {strides = array<i32>} : memref<2000xf32, #tpu.memory_space<vmem>>, vector<16xf32>,
    tpu.vector_store %arg8[%swap3A_136], %broadcast_in_dim3A_0 {strides = array<i32>} : memref<2000xf32, #tpu.memory_space<vmem>>, vector<16xf32>,
    %swap3A_138 = arith.constant 1104 : index
    %swap3A_139 = tpu.vector_load %arg8[%swap3A_138] {strides = array<i32>} : memref<2000xf32, #tpu.memory_space<vmem>>, vector<16xf32>,
    tpu.vector_store %arg8[%swap3A_138], %broadcast_in_dim3A_0 {strides = array<i32>} : memref<2000xf32, #tpu.memory_space<vmem>>, vector<16xf32>,
    %swap3A_140 = arith.constant 1120 : index
    %swap3A_141 = tpu.vector_load %arg8[%swap3A_140] {strides = array<i32>} : memref<2000xf32, #tpu.memory_space<vmem>>, vector<16xf32>,
    tpu.vector_store %arg8[%swap3A_140], %broadcast_in_dim3A_0 {strides = array<i32>} : memref<2000xf32, #tpu.memory_space<vmem>>, vector<16xf32>,
    %swap3A_142 = arith.constant 1136 : index
    %swap3A_143 = tpu.vector_load %arg8[%swap3A_142] {strides = array<i32>} : memref<2000xf32, #tpu.memory_space<vmem>>, vector<16xf32>,
    tpu.vector_store %arg8[%swap3A_142], %broadcast_in_dim3A_0 {strides = array<i32>} : memref<2000xf32, #tpu.memory_space<vmem>>, vector<16xf32>,
    %swap3A_144 = arith.constant 1152 : index
    %swap3A_145 = tpu.vector_load %arg8[%swap3A_144] {strides = array<i32>} : memref<2000xf32, #tpu.memory_space<vmem>>, vector<16xf32>,
    tpu.vector_store %arg8[%swap3A_144], %broadcast_in_dim3A_0 {strides = array<i32>} : memref<2000xf32, #tpu.memory_space<vmem>>, vector<16xf32>,
    %swap3A_146 = arith.constant 1168 : index
    %swap3A_147 = tpu.vector_load %arg8[%swap3A_146] {strides = array<i32>} : memref<2000xf32, #tpu.memory_space<vmem>>, vector<16xf32>,
    tpu.vector_store %arg8[%swap3A_146], %broadcast_in_dim3A_0 {strides = array<i32>} : memref<2000xf32, #tpu.memory_space<vmem>>, vector<16xf32>,
    %swap3A_148 = arith.constant 1184 : index
    %swap3A_149 = tpu.vector_load %arg8[%swap3A_148] {strides = array<i32>} : memref<2000xf32, #tpu.memory_space<vmem>>, vector<16xf32>,
    tpu.vector_store %arg8[%swap3A_148], %broadcast_in_dim3A_0 {strides = array<i32>} : memref<2000xf32, #tpu.memory_space<vmem>>, vector<16xf32>,
    %swap3A_150 = arith.constant 1200 : index
    %swap3A_151 = tpu.vector_load %arg8[%swap3A_150] {strides = array<i32>} : memref<2000xf32, #tpu.memory_space<vmem>>, vector<16xf32>,
    tpu.vector_store %arg8[%swap3A_150], %broadcast_in_dim3A_0 {strides = array<i32>} : memref<2000xf32, #tpu.memory_space<vmem>>, vector<16xf32>,
    %swap3A_152 = arith.constant 1216 : index
    %swap3A_153 = tpu.vector_load %arg8[%swap3A_152] {strides = array<i32>} : memref<2000xf32, #tpu.memory_space<vmem>>, vector<16xf32>,
    tpu.vector_store %arg8[%swap3A_152], %broadcast_in_dim3A_0 {strides = array<i32>} : memref<2000xf32, #tpu.memory_space<vmem>>, vector<16xf32>,
    %swap3A_154 = arith.constant 1232 : index
    %swap3A_155 = tpu.vector_load %arg8[%swap3A_154] {strides = array<i32>} : memref<2000xf32, #tpu.memory_space<vmem>>, vector<16xf32>,
    tpu.vector_store %arg8[%swap3A_154], %broadcast_in_dim3A_0 {strides = array<i32>} : memref<2000xf32, #tpu.memory_space<vmem>>, vector<16xf32>,
    %swap3A_156 = arith.constant 1248 : index
    %swap3A_157 = tpu.vector_load %arg8[%swap3A_156] {strides = array<i32>} : memref<2000xf32, #tpu.memory_space<vmem>>, vector<16xf32>,
    tpu.vector_store %arg8[%swap3A_156], %broadcast_in_dim3A_0 {strides = array<i32>} : memref<2000xf32, #tpu.memory_space<vmem>>, vector<16xf32>,
    %swap3A_158 = arith.constant 1264 : index
    %swap3A_159 = tpu.vector_load %arg8[%swap3A_158] {strides = array<i32>} : memref<2000xf32, #tpu.memory_space<vmem>>, vector<16xf32>,
    tpu.vector_store %arg8[%swap3A_158], %broadcast_in_dim3A_0 {strides = array<i32>} : memref<2000xf32, #tpu.memory_space<vmem>>, vector<16xf32>,
    %swap3A_160 = arith.constant 1280 : index
    %swap3A_161 = tpu.vector_load %arg8[%swap3A_160] {strides = array<i32>} : memref<2000xf32, #tpu.memory_space<vmem>>, vector<16xf32>,
    tpu.vector_store %arg8[%swap3A_160], %broadcast_in_dim3A_0 {strides = array<i32>} : memref<2000xf32, #tpu.memory_space<vmem>>, vector<16xf32>,
    %swap3A_162 = arith.constant 1296 : index
    %swap3A_163 = tpu.vector_load %arg8[%swap3A_162] {strides = array<i32>} : memref<2000xf32, #tpu.memory_space<vmem>>, vector<16xf32>,
    tpu.vector_store %arg8[%swap3A_162], %broadcast_in_dim3A_0 {strides = array<i32>} : memref<2000xf32, #tpu.memory_space<vmem>>, vector<16xf32>,
    %swap3A_164 = arith.constant 1312 : index
    %swap3A_165 = tpu.vector_load %arg8[%swap3A_164] {strides = array<i32>} : memref<2000xf32, #tpu.memory_space<vmem>>, vector<16xf32>,
    tpu.vector_store %arg8[%swap3A_164], %broadcast_in_dim3A_0 {strides = array<i32>} : memref<2000xf32, #tpu.memory_space<vmem>>, vector<16xf32>,
    %swap3A_166 = arith.constant 1328 : index
    %swap3A_167 = tpu.vector_load %arg8[%swap3A_166] {strides = array<i32>} : memref<2000xf32, #tpu.memory_space<vmem>>, vector<16xf32>,
    tpu.vector_store %arg8[%swap3A_166], %broadcast_in_dim3A_0 {strides = array<i32>} : memref<2000xf32, #tpu.memory_space<vmem>>, vector<16xf32>,
    %swap3A_168 = arith.constant 1344 : index
    %swap3A_169 = tpu.vector_load %arg8[%swap3A_168] {strides = array<i32>} : memref<2000xf32, #tpu.memory_space<vmem>>, vector<16xf32>,
    tpu.vector_store %arg8[%swap3A_168], %broadcast_in_dim3A_0 {strides = array<i32>} : memref<2000xf32, #tpu.memory_space<vmem>>, vector<16xf32>,
    %swap3A_170 = arith.constant 1360 : index
    %swap3A_171 = tpu.vector_load %arg8[%swap3A_170] {strides = array<i32>} : memref<2000xf32, #tpu.memory_space<vmem>>, vector<16xf32>,
    tpu.vector_store %arg8[%swap3A_170], %broadcast_in_dim3A_0 {strides = array<i32>} : memref<2000xf32, #tpu.memory_space<vmem>>, vector<16xf32>,
    %swap3A_172 = arith.constant 1376 : index
    %swap3A_173 = tpu.vector_load %arg8[%swap3A_172] {strides = array<i32>} : memref<2000xf32, #tpu.memory_space<vmem>>, vector<16xf32>,
    tpu.vector_store %arg8[%swap3A_172], %broadcast_in_dim3A_0 {strides = array<i32>} : memref<2000xf32, #tpu.memory_space<vmem>>, vector<16xf32>,
    %swap3A_174 = arith.constant 1392 : index
    %swap3A_175 = tpu.vector_load %arg8[%swap3A_174] {strides = array<i32>} : memref<2000xf32, #tpu.memory_space<vmem>>, vector<16xf32>,
    tpu.vector_store %arg8[%swap3A_174], %broadcast_in_dim3A_0 {strides = array<i32>} : memref<2000xf32, #tpu.memory_space<vmem>>, vector<16xf32>,
    %swap3A_176 = arith.constant 1408 : index
    %swap3A_177 = tpu.vector_load %arg8[%swap3A_176] {strides = array<i32>} : memref<2000xf32, #tpu.memory_space<vmem>>, vector<16xf32>,
    tpu.vector_store %arg8[%swap3A_176], %broadcast_in_dim3A_0 {strides = array<i32>} : memref<2000xf32, #tpu.memory_space<vmem>>, vector<16xf32>,
    %swap3A_178 = arith.constant 1424 : index
    %swap3A_179 = tpu.vector_load %arg8[%swap3A_178] {strides = array<i32>} : memref<2000xf32, #tpu.memory_space<vmem>>, vector<16xf32>,
    tpu.vector_store %arg8[%swap3A_178], %broadcast_in_dim3A_0 {strides = array<i32>} : memref<2000xf32, #tpu.memory_space<vmem>>, vector<16xf32>,
    %swap3A_180 = arith.constant 1440 : index
    %swap3A_181 = tpu.vector_load %arg8[%swap3A_180] {strides = array<i32>} : memref<2000xf32, #tpu.memory_space<vmem>>, vector<16xf32>,
    tpu.vector_store %arg8[%swap3A_180], %broadcast_in_dim3A_0 {strides = array<i32>} : memref<2000xf32, #tpu.memory_space<vmem>>, vector<16xf32>,
    %swap3A_182 = arith.constant 1456 : index
    %swap3A_183 = tpu.vector_load %arg8[%swap3A_182] {strides = array<i32>} : memref<2000xf32, #tpu.memory_space<vmem>>, vector<16xf32>,
    tpu.vector_store %arg8[%swap3A_182], %broadcast_in_dim3A_0 {strides = array<i32>} : memref<2000xf32, #tpu.memory_space<vmem>>, vector<16xf32>,
    %swap3A_184 = arith.constant 1472 : index
    %swap3A_185 = tpu.vector_load %arg8[%swap3A_184] {strides = array<i32>} : memref<2000xf32, #tpu.memory_space<vmem>>, vector<16xf32>,
    tpu.vector_store %arg8[%swap3A_184], %broadcast_in_dim3A_0 {strides = array<i32>} : memref<2000xf32, #tpu.memory_space<vmem>>, vector<16xf32>,
    %swap3A_186 = arith.constant 1488 : index
    %swap3A_187 = tpu.vector_load %arg8[%swap3A_186] {strides = array<i32>} : memref<2000xf32, #tpu.memory_space<vmem>>, vector<16xf32>,
    tpu.vector_store %arg8[%swap3A_186], %broadcast_in_dim3A_0 {strides = array<i32>} : memref<2000xf32, #tpu.memory_space<vmem>>, vector<16xf32>,
    %swap3A_188 = arith.constant 1504 : index
    %swap3A_189 = tpu.vector_load %arg8[%swap3A_188] {strides = array<i32>} : memref<2000xf32, #tpu.memory_space<vmem>>, vector<16xf32>,
    tpu.vector_store %arg8[%swap3A_188], %broadcast_in_dim3A_0 {strides = array<i32>} : memref<2000xf32, #tpu.memory_space<vmem>>, vector<16xf32>,
    %swap3A_190 = arith.constant 1520 : index
    %swap3A_191 = tpu.vector_load %arg8[%swap3A_190] {strides = array<i32>} : memref<2000xf32, #tpu.memory_space<vmem>>, vector<16xf32>,
    tpu.vector_store %arg8[%swap3A_190], %broadcast_in_dim3A_0 {strides = array<i32>} : memref<2000xf32, #tpu.memory_space<vmem>>, vector<16xf32>,
    %swap3A_192 = arith.constant 1536 : index
    %swap3A_193 = tpu.vector_load %arg8[%swap3A_192] {strides = array<i32>} : memref<2000xf32, #tpu.memory_space<vmem>>, vector<16xf32>,
    tpu.vector_store %arg8[%swap3A_192], %broadcast_in_dim3A_0 {strides = array<i32>} : memref<2000xf32, #tpu.memory_space<vmem>>, vector<16xf32>,
    %swap3A_194 = arith.constant 1552 : index
    %swap3A_195 = tpu.vector_load %arg8[%swap3A_194] {strides = array<i32>} : memref<2000xf32, #tpu.memory_space<vmem>>, vector<16xf32>,
    tpu.vector_store %arg8[%swap3A_194], %broadcast_in_dim3A_0 {strides = array<i32>} : memref<2000xf32, #tpu.memory_space<vmem>>, vector<16xf32>,
    %swap3A_196 = arith.constant 1568 : index
    %swap3A_197 = tpu.vector_load %arg8[%swap3A_196] {strides = array<i32>} : memref<2000xf32, #tpu.memory_space<vmem>>, vector<16xf32>,
    tpu.vector_store %arg8[%swap3A_196], %broadcast_in_dim3A_0 {strides = array<i32>} : memref<2000xf32, #tpu.memory_space<vmem>>, vector<16xf32>,
    %swap3A_198 = arith.constant 1584 : index
    %swap3A_199 = tpu.vector_load %arg8[%swap3A_198] {strides = array<i32>} : memref<2000xf32, #tpu.memory_space<vmem>>, vector<16xf32>,
    tpu.vector_store %arg8[%swap3A_198], %broadcast_in_dim3A_0 {strides = array<i32>} : memref<2000xf32, #tpu.memory_space<vmem>>, vector<16xf32>,
    %swap3A_200 = arith.constant 1600 : index
    %swap3A_201 = tpu.vector_load %arg8[%swap3A_200] {strides = array<i32>} : memref<2000xf32, #tpu.memory_space<vmem>>, vector<16xf32>,
    tpu.vector_store %arg8[%swap3A_200], %broadcast_in_dim3A_0 {strides = array<i32>} : memref<2000xf32, #tpu.memory_space<vmem>>, vector<16xf32>,
    %swap3A_202 = arith.constant 1616 : index
    %swap3A_203 = tpu.vector_load %arg8[%swap3A_202] {strides = array<i32>} : memref<2000xf32, #tpu.memory_space<vmem>>, vector<16xf32>,
    tpu.vector_store %arg8[%swap3A_202], %broadcast_in_dim3A_0 {strides = array<i32>} : memref<2000xf32, #tpu.memory_space<vmem>>, vector<16xf32>,
    %swap3A_204 = arith.constant 1632 : index
    %swap3A_205 = tpu.vector_load %arg8[%swap3A_204] {strides = array<i32>} : memref<2000xf32, #tpu.memory_space<vmem>>, vector<16xf32>,
    tpu.vector_store %arg8[%swap3A_204], %broadcast_in_dim3A_0 {strides = array<i32>} : memref<2000xf32, #tpu.memory_space<vmem>>, vector<16xf32>,
    %swap3A_206 = arith.constant 1648 : index
    %swap3A_207 = tpu.vector_load %arg8[%swap3A_206] {strides = array<i32>} : memref<2000xf32, #tpu.memory_space<vmem>>, vector<16xf32>,
    tpu.vector_store %arg8[%swap3A_206], %broadcast_in_dim3A_0 {strides = array<i32>} : memref<2000xf32, #tpu.memory_space<vmem>>, vector<16xf32>,
    %swap3A_208 = arith.constant 1664 : index
    %swap3A_209 = tpu.vector_load %arg8[%swap3A_208] {strides = array<i32>} : memref<2000xf32, #tpu.memory_space<vmem>>, vector<16xf32>,
    tpu.vector_store %arg8[%swap3A_208], %broadcast_in_dim3A_0 {strides = array<i32>} : memref<2000xf32, #tpu.memory_space<vmem>>, vector<16xf32>,
    %swap3A_210 = arith.constant 1680 : index
    %swap3A_211 = tpu.vector_load %arg8[%swap3A_210] {strides = array<i32>} : memref<2000xf32, #tpu.memory_space<vmem>>, vector<16xf32>,
    tpu.vector_store %arg8[%swap3A_210], %broadcast_in_dim3A_0 {strides = array<i32>} : memref<2000xf32, #tpu.memory_space<vmem>>, vector<16xf32>,
    %swap3A_212 = arith.constant 1696 : index
    %swap3A_213 = tpu.vector_load %arg8[%swap3A_212] {strides = array<i32>} : memref<2000xf32, #tpu.memory_space<vmem>>, vector<16xf32>,
    tpu.vector_store %arg8[%swap3A_212], %broadcast_in_dim3A_0 {strides = array<i32>} : memref<2000xf32, #tpu.memory_space<vmem>>, vector<16xf32>,
    %swap3A_214 = arith.constant 1712 : index
    %swap3A_215 = tpu.vector_load %arg8[%swap3A_214] {strides = array<i32>} : memref<2000xf32, #tpu.memory_space<vmem>>, vector<16xf32>,
    tpu.vector_store %arg8[%swap3A_214], %broadcast_in_dim3A_0 {strides = array<i32>} : memref<2000xf32, #tpu.memory_space<vmem>>, vector<16xf32>,
    %swap3A_216 = arith.constant 1728 : index
    %swap3A_217 = tpu.vector_load %arg8[%swap3A_216] {strides = array<i32>} : memref<2000xf32, #tpu.memory_space<vmem>>, vector<16xf32>,
    tpu.vector_store %arg8[%swap3A_216], %broadcast_in_dim3A_0 {strides = array<i32>} : memref<2000xf32, #tpu.memory_space<vmem>>, vector<16xf32>,
    %swap3A_218 = arith.constant 1744 : index
    %swap3A_219 = tpu.vector_load %arg8[%swap3A_218] {strides = array<i32>} : memref<2000xf32, #tpu.memory_space<vmem>>, vector<16xf32>,
    tpu.vector_store %arg8[%swap3A_218], %broadcast_in_dim3A_0 {strides = array<i32>} : memref<2000xf32, #tpu.memory_space<vmem>>, vector<16xf32>,
    %swap3A_220 = arith.constant 1760 : index
    %swap3A_221 = tpu.vector_load %arg8[%swap3A_220] {strides = array<i32>} : memref<2000xf32, #tpu.memory_space<vmem>>, vector<16xf32>,
    tpu.vector_store %arg8[%swap3A_220], %broadcast_in_dim3A_0 {strides = array<i32>} : memref<2000xf32, #tpu.memory_space<vmem>>, vector<16xf32>,
    %swap3A_222 = arith.constant 1776 : index
    %swap3A_223 = tpu.vector_load %arg8[%swap3A_222] {strides = array<i32>} : memref<2000xf32, #tpu.memory_space<vmem>>, vector<16xf32>,
    tpu.vector_store %arg8[%swap3A_222], %broadcast_in_dim3A_0 {strides = array<i32>} : memref<2000xf32, #tpu.memory_space<vmem>>, vector<16xf32>,
    %swap3A_224 = arith.constant 1792 : index
    %swap3A_225 = tpu.vector_load %arg8[%swap3A_224] {strides = array<i32>} : memref<2000xf32, #tpu.memory_space<vmem>>, vector<16xf32>,
    tpu.vector_store %arg8[%swap3A_224], %broadcast_in_dim3A_0 {strides = array<i32>} : memref<2000xf32, #tpu.memory_space<vmem>>, vector<16xf32>,
    %swap3A_226 = arith.constant 1808 : index
    %swap3A_227 = tpu.vector_load %arg8[%swap3A_226] {strides = array<i32>} : memref<2000xf32, #tpu.memory_space<vmem>>, vector<16xf32>,
    tpu.vector_store %arg8[%swap3A_226], %broadcast_in_dim3A_0 {strides = array<i32>} : memref<2000xf32, #tpu.memory_space<vmem>>, vector<16xf32>,
    %swap3A_228 = arith.constant 1824 : index
    %swap3A_229 = tpu.vector_load %arg8[%swap3A_228] {strides = array<i32>} : memref<2000xf32, #tpu.memory_space<vmem>>, vector<16xf32>,
    tpu.vector_store %arg8[%swap3A_228], %broadcast_in_dim3A_0 {strides = array<i32>} : memref<2000xf32, #tpu.memory_space<vmem>>, vector<16xf32>,
    %swap3A_230 = arith.constant 1840 : index
    %swap3A_231 = tpu.vector_load %arg8[%swap3A_230] {strides = array<i32>} : memref<2000xf32, #tpu.memory_space<vmem>>, vector<16xf32>,
    tpu.vector_store %arg8[%swap3A_230], %broadcast_in_dim3A_0 {strides = array<i32>} : memref<2000xf32, #tpu.memory_space<vmem>>, vector<16xf32>,
    %swap3A_232 = arith.constant 1856 : index
    %swap3A_233 = tpu.vector_load %arg8[%swap3A_232] {strides = array<i32>} : memref<2000xf32, #tpu.memory_space<vmem>>, vector<16xf32>,
    tpu.vector_store %arg8[%swap3A_232], %broadcast_in_dim3A_0 {strides = array<i32>} : memref<2000xf32, #tpu.memory_space<vmem>>, vector<16xf32>,
    %swap3A_234 = arith.constant 1872 : index
    %swap3A_235 = tpu.vector_load %arg8[%swap3A_234] {strides = array<i32>} : memref<2000xf32, #tpu.memory_space<vmem>>, vector<16xf32>,
    tpu.vector_store %arg8[%swap3A_234], %broadcast_in_dim3A_0 {strides = array<i32>} : memref<2000xf32, #tpu.memory_space<vmem>>, vector<16xf32>,
    %swap3A_236 = arith.constant 1888 : index
    %swap3A_237 = tpu.vector_load %arg8[%swap3A_236] {strides = array<i32>} : memref<2000xf32, #tpu.memory_space<vmem>>, vector<16xf32>,
    tpu.vector_store %arg8[%swap3A_236], %broadcast_in_dim3A_0 {strides = array<i32>} : memref<2000xf32, #tpu.memory_space<vmem>>, vector<16xf32>,
    %swap3A_238 = arith.constant 1904 : index
    %swap3A_239 = tpu.vector_load %arg8[%swap3A_238] {strides = array<i32>} : memref<2000xf32, #tpu.memory_space<vmem>>, vector<16xf32>,
    tpu.vector_store %arg8[%swap3A_238], %broadcast_in_dim3A_0 {strides = array<i32>} : memref<2000xf32, #tpu.memory_space<vmem>>, vector<16xf32>,
    %swap3A_240 = arith.constant 1920 : index
    %swap3A_241 = tpu.vector_load %arg8[%swap3A_240] {strides = array<i32>} : memref<2000xf32, #tpu.memory_space<vmem>>, vector<16xf32>,
    tpu.vector_store %arg8[%swap3A_240], %broadcast_in_dim3A_0 {strides = array<i32>} : memref<2000xf32, #tpu.memory_space<vmem>>, vector<16xf32>,
    %swap3A_242 = arith.constant 1936 : index
    %swap3A_243 = tpu.vector_load %arg8[%swap3A_242] {strides = array<i32>} : memref<2000xf32, #tpu.memory_space<vmem>>, vector<16xf32>,
    tpu.vector_store %arg8[%swap3A_242], %broadcast_in_dim3A_0 {strides = array<i32>} : memref<2000xf32, #tpu.memory_space<vmem>>, vector<16xf32>,
    %swap3A_244 = arith.constant 1952 : index
    %swap3A_245 = tpu.vector_load %arg8[%swap3A_244] {strides = array<i32>} : memref<2000xf32, #tpu.memory_space<vmem>>, vector<16xf32>,
    tpu.vector_store %arg8[%swap3A_244], %broadcast_in_dim3A_0 {strides = array<i32>} : memref<2000xf32, #tpu.memory_space<vmem>>, vector<16xf32>,
    %swap3A_246 = arith.constant 1968 : index
    %swap3A_247 = tpu.vector_load %arg8[%swap3A_246] {strides = array<i32>} : memref<2000xf32, #tpu.memory_space<vmem>>, vector<16xf32>,
    tpu.vector_store %arg8[%swap3A_246], %broadcast_in_dim3A_0 {strides = array<i32>} : memref<2000xf32, #tpu.memory_space<vmem>>, vector<16xf32>,
    %swap3A_248 = arith.constant 1984 : index
    %swap3A_249 = tpu.vector_load %arg8[%swap3A_248] {strides = array<i32>} : memref<2000xf32, #tpu.memory_space<vmem>>, vector<16xf32>,
    tpu.vector_store %arg8[%swap3A_248], %broadcast_in_dim3A_0 {strides = array<i32>} : memref<2000xf32, #tpu.memory_space<vmem>>, vector<16xf32>,
    %broadcast_in_dim3A_250 = arith.constant 0.000000e+00 : f32
    %broadcast_in_dim3A_251 = vector.broadcast %broadcast_in_dim3A_250 : f32 to vector<16xf32>
    %swap3A_252 = arith.constant 0 : index
    %swap3A_253 = tpu.vector_load %arg9[%swap3A_252] {strides = array<i32>} : memref<6272xf32, #tpu.memory_space<vmem>>, vector<16xf32>,
    tpu.vector_store %arg9[%swap3A_252], %broadcast_in_dim3A_251 {strides = array<i32>} : memref<6272xf32, #tpu.memory_space<vmem>>, vector<16xf32>,
    %swap3A_254 = arith.constant 16 : index
    %swap3A_255 = tpu.vector_load %arg9[%swap3A_254] {strides = array<i32>} : memref<6272xf32, #tpu.memory_space<vmem>>, vector<16xf32>,
    tpu.vector_store %arg9[%swap3A_254], %broadcast_in_dim3A_251 {strides = array<i32>} : memref<6272xf32, #tpu.memory_space<vmem>>, vector<16xf32>,
    %swap3A_256 = arith.constant 32 : index
    %swap3A_257 = tpu.vector_load %arg9[%swap3A_256] {strides = array<i32>} : memref<6272xf32, #tpu.memory_space<vmem>>, vector<16xf32>,
    tpu.vector_store %arg9[%swap3A_256], %broadcast_in_dim3A_251 {strides = array<i32>} : memref<6272xf32, #tpu.memory_space<vmem>>, vector<16xf32>,
    %swap3A_258 = arith.constant 48 : index
    %swap3A_259 = tpu.vector_load %arg9[%swap3A_258] {strides = array<i32>} : memref<6272xf32, #tpu.memory_space<vmem>>, vector<16xf32>,
    tpu.vector_store %arg9[%swap3A_258], %broadcast_in_dim3A_251 {strides = array<i32>} : memref<6272xf32, #tpu.memory_space<vmem>>, vector<16xf32>,
    %swap3A_260 = arith.constant 64 : index
    %swap3A_261 = tpu.vector_load %arg9[%swap3A_260] {strides = array<i32>} : memref<6272xf32, #tpu.memory_space<vmem>>, vector<16xf32>,
    tpu.vector_store %arg9[%swap3A_260], %broadcast_in_dim3A_251 {strides = array<i32>} : memref<6272xf32, #tpu.memory_space<vmem>>, vector<16xf32>,
    %swap3A_262 = arith.constant 80 : index
    %swap3A_263 = tpu.vector_load %arg9[%swap3A_262] {strides = array<i32>} : memref<6272xf32, #tpu.memory_space<vmem>>, vector<16xf32>,
    tpu.vector_store %arg9[%swap3A_262], %broadcast_in_dim3A_251 {strides = array<i32>} : memref<6272xf32, #tpu.memory_space<vmem>>, vector<16xf32>,
    %swap3A_264 = arith.constant 96 : index
    %swap3A_265 = tpu.vector_load %arg9[%swap3A_264] {strides = array<i32>} : memref<6272xf32, #tpu.memory_space<vmem>>, vector<16xf32>,
    tpu.vector_store %arg9[%swap3A_264], %broadcast_in_dim3A_251 {strides = array<i32>} : memref<6272xf32, #tpu.memory_space<vmem>>, vector<16xf32>,
    %swap3A_266 = arith.constant 112 : index
    %swap3A_267 = tpu.vector_load %arg9[%swap3A_266] {strides = array<i32>} : memref<6272xf32, #tpu.memory_space<vmem>>, vector<16xf32>,
    tpu.vector_store %arg9[%swap3A_266], %broadcast_in_dim3A_251 {strides = array<i32>} : memref<6272xf32, #tpu.memory_space<vmem>>, vector<16xf32>,
    %swap3A_268 = arith.constant 128 : index
    %swap3A_269 = tpu.vector_load %arg9[%swap3A_268] {strides = array<i32>} : memref<6272xf32, #tpu.memory_space<vmem>>, vector<16xf32>,
    tpu.vector_store %arg9[%swap3A_268], %broadcast_in_dim3A_251 {strides = array<i32>} : memref<6272xf32, #tpu.memory_space<vmem>>, vector<16xf32>,
    %swap3A_270 = arith.constant 144 : index
    %swap3A_271 = tpu.vector_load %arg9[%swap3A_270] {strides = array<i32>} : memref<6272xf32, #tpu.memory_space<vmem>>, vector<16xf32>,
    tpu.vector_store %arg9[%swap3A_270], %broadcast_in_dim3A_251 {strides = array<i32>} : memref<6272xf32, #tpu.memory_space<vmem>>, vector<16xf32>,
    %swap3A_272 = arith.constant 160 : index
    %swap3A_273 = tpu.vector_load %arg9[%swap3A_272] {strides = array<i32>} : memref<6272xf32, #tpu.memory_space<vmem>>, vector<16xf32>,
    tpu.vector_store %arg9[%swap3A_272], %broadcast_in_dim3A_251 {strides = array<i32>} : memref<6272xf32, #tpu.memory_space<vmem>>, vector<16xf32>,
    %swap3A_274 = arith.constant 176 : index
    %swap3A_275 = tpu.vector_load %arg9[%swap3A_274] {strides = array<i32>} : memref<6272xf32, #tpu.memory_space<vmem>>, vector<16xf32>,
    tpu.vector_store %arg9[%swap3A_274], %broadcast_in_dim3A_251 {strides = array<i32>} : memref<6272xf32, #tpu.memory_space<vmem>>, vector<16xf32>,
    %swap3A_276 = arith.constant 192 : index
    %swap3A_277 = tpu.vector_load %arg9[%swap3A_276] {strides = array<i32>} : memref<6272xf32, #tpu.memory_space<vmem>>, vector<16xf32>,
    tpu.vector_store %arg9[%swap3A_276], %broadcast_in_dim3A_251 {strides = array<i32>} : memref<6272xf32, #tpu.memory_space<vmem>>, vector<16xf32>,
    %swap3A_278 = arith.constant 208 : index
    %swap3A_279 = tpu.vector_load %arg9[%swap3A_278] {strides = array<i32>} : memref<6272xf32, #tpu.memory_space<vmem>>, vector<16xf32>,
    tpu.vector_store %arg9[%swap3A_278], %broadcast_in_dim3A_251 {strides = array<i32>} : memref<6272xf32, #tpu.memory_space<vmem>>, vector<16xf32>,
    %swap3A_280 = arith.constant 224 : index
    %swap3A_281 = tpu.vector_load %arg9[%swap3A_280] {strides = array<i32>} : memref<6272xf32, #tpu.memory_space<vmem>>, vector<16xf32>,
    tpu.vector_store %arg9[%swap3A_280], %broadcast_in_dim3A_251 {strides = array<i32>} : memref<6272xf32, #tpu.memory_space<vmem>>, vector<16xf32>,
    %swap3A_282 = arith.constant 240 : index
    %swap3A_283 = tpu.vector_load %arg9[%swap3A_282] {strides = array<i32>} : memref<6272xf32, #tpu.memory_space<vmem>>, vector<16xf32>,
    tpu.vector_store %arg9[%swap3A_282], %broadcast_in_dim3A_251 {strides = array<i32>} : memref<6272xf32, #tpu.memory_space<vmem>>, vector<16xf32>,
    %swap3A_284 = arith.constant 256 : index
    %swap3A_285 = tpu.vector_load %arg9[%swap3A_284] {strides = array<i32>} : memref<6272xf32, #tpu.memory_space<vmem>>, vector<16xf32>,
    tpu.vector_store %arg9[%swap3A_284], %broadcast_in_dim3A_251 {strides = array<i32>} : memref<6272xf32, #tpu.memory_space<vmem>>, vector<16xf32>,
    %swap3A_286 = arith.constant 272 : index
    %swap3A_287 = tpu.vector_load %arg9[%swap3A_286] {strides = array<i32>} : memref<6272xf32, #tpu.memory_space<vmem>>, vector<16xf32>,
    tpu.vector_store %arg9[%swap3A_286], %broadcast_in_dim3A_251 {strides = array<i32>} : memref<6272xf32, #tpu.memory_space<vmem>>, vector<16xf32>,
    %swap3A_288 = arith.constant 288 : index
    %swap3A_289 = tpu.vector_load %arg9[%swap3A_288] {strides = array<i32>} : memref<6272xf32, #tpu.memory_space<vmem>>, vector<16xf32>,
    tpu.vector_store %arg9[%swap3A_288], %broadcast_in_dim3A_251 {strides = array<i32>} : memref<6272xf32, #tpu.memory_space<vmem>>, vector<16xf32>,
    %swap3A_290 = arith.constant 304 : index
    %swap3A_291 = tpu.vector_load %arg9[%swap3A_290] {strides = array<i32>} : memref<6272xf32, #tpu.memory_space<vmem>>, vector<16xf32>,
    tpu.vector_store %arg9[%swap3A_290], %broadcast_in_dim3A_251 {strides = array<i32>} : memref<6272xf32, #tpu.memory_space<vmem>>, vector<16xf32>,
    %swap3A_292 = arith.constant 320 : index
    %swap3A_293 = tpu.vector_load %arg9[%swap3A_292] {strides = array<i32>} : memref<6272xf32, #tpu.memory_space<vmem>>, vector<16xf32>,
    tpu.vector_store %arg9[%swap3A_292], %broadcast_in_dim3A_251 {strides = array<i32>} : memref<6272xf32, #tpu.memory_space<vmem>>, vector<16xf32>,
    %swap3A_294 = arith.constant 336 : index
    %swap3A_295 = tpu.vector_load %arg9[%swap3A_294] {strides = array<i32>} : memref<6272xf32, #tpu.memory_space<vmem>>, vector<16xf32>,
    tpu.vector_store %arg9[%swap3A_294], %broadcast_in_dim3A_251 {strides = array<i32>} : memref<6272xf32, #tpu.memory_space<vmem>>, vector<16xf32>,
    %swap3A_296 = arith.constant 352 : index
    %swap3A_297 = tpu.vector_load %arg9[%swap3A_296] {strides = array<i32>} : memref<6272xf32, #tpu.memory_space<vmem>>, vector<16xf32>,
    tpu.vector_store %arg9[%swap3A_296], %broadcast_in_dim3A_251 {strides = array<i32>} : memref<6272xf32, #tpu.memory_space<vmem>>, vector<16xf32>,
    %swap3A_298 = arith.constant 368 : index
    %swap3A_299 = tpu.vector_load %arg9[%swap3A_298] {strides = array<i32>} : memref<6272xf32, #tpu.memory_space<vmem>>, vector<16xf32>,
    tpu.vector_store %arg9[%swap3A_298], %broadcast_in_dim3A_251 {strides = array<i32>} : memref<6272xf32, #tpu.memory_space<vmem>>, vector<16xf32>,
    %swap3A_300 = arith.constant 384 : index
    %swap3A_301 = tpu.vector_load %arg9[%swap3A_300] {strides = array<i32>} : memref<6272xf32, #tpu.memory_space<vmem>>, vector<16xf32>,
    tpu.vector_store %arg9[%swap3A_300], %broadcast_in_dim3A_251 {strides = array<i32>} : memref<6272xf32, #tpu.memory_space<vmem>>, vector<16xf32>,
    %swap3A_302 = arith.constant 400 : index
    %swap3A_303 = tpu.vector_load %arg9[%swap3A_302] {strides = array<i32>} : memref<6272xf32, #tpu.memory_space<vmem>>, vector<16xf32>,
    tpu.vector_store %arg9[%swap3A_302], %broadcast_in_dim3A_251 {strides = array<i32>} : memref<6272xf32, #tpu.memory_space<vmem>>, vector<16xf32>,
    %swap3A_304 = arith.constant 416 : index
    %swap3A_305 = tpu.vector_load %arg9[%swap3A_304] {strides = array<i32>} : memref<6272xf32, #tpu.memory_space<vmem>>, vector<16xf32>,
    tpu.vector_store %arg9[%swap3A_304], %broadcast_in_dim3A_251 {strides = array<i32>} : memref<6272xf32, #tpu.memory_space<vmem>>, vector<16xf32>,
    %swap3A_306 = arith.constant 432 : index
    %swap3A_307 = tpu.vector_load %arg9[%swap3A_306] {strides = array<i32>} : memref<6272xf32, #tpu.memory_space<vmem>>, vector<16xf32>,
    tpu.vector_store %arg9[%swap3A_306], %broadcast_in_dim3A_251 {strides = array<i32>} : memref<6272xf32, #tpu.memory_space<vmem>>, vector<16xf32>,
    %swap3A_308 = arith.constant 448 : index
    %swap3A_309 = tpu.vector_load %arg9[%swap3A_308] {strides = array<i32>} : memref<6272xf32, #tpu.memory_space<vmem>>, vector<16xf32>,
    tpu.vector_store %arg9[%swap3A_308], %broadcast_in_dim3A_251 {strides = array<i32>} : memref<6272xf32, #tpu.memory_space<vmem>>, vector<16xf32>,
    %swap3A_310 = arith.constant 464 : index
    %swap3A_311 = tpu.vector_load %arg9[%swap3A_310] {strides = array<i32>} : memref<6272xf32, #tpu.memory_space<vmem>>, vector<16xf32>,
    tpu.vector_store %arg9[%swap3A_310], %broadcast_in_dim3A_251 {strides = array<i32>} : memref<6272xf32, #tpu.memory_space<vmem>>, vector<16xf32>,
    %swap3A_312 = arith.constant 480 : index
    %swap3A_313 = tpu.vector_load %arg9[%swap3A_312] {strides = array<i32>} : memref<6272xf32, #tpu.memory_space<vmem>>, vector<16xf32>,
    tpu.vector_store %arg9[%swap3A_312], %broadcast_in_dim3A_251 {strides = array<i32>} : memref<6272xf32, #tpu.memory_space<vmem>>, vector<16xf32>,
    %swap3A_314 = arith.constant 496 : index
    %swap3A_315 = tpu.vector_load %arg9[%swap3A_314] {strides = array<i32>} : memref<6272xf32, #tpu.memory_space<vmem>>, vector<16xf32>,
    tpu.vector_store %arg9[%swap3A_314], %broadcast_in_dim3A_251 {strides = array<i32>} : memref<6272xf32, #tpu.memory_space<vmem>>, vector<16xf32>,
    %swap3A_316 = arith.constant 512 : index
    %swap3A_317 = tpu.vector_load %arg9[%swap3A_316] {strides = array<i32>} : memref<6272xf32, #tpu.memory_space<vmem>>, vector<16xf32>,
    tpu.vector_store %arg9[%swap3A_316], %broadcast_in_dim3A_251 {strides = array<i32>} : memref<6272xf32, #tpu.memory_space<vmem>>, vector<16xf32>,
    %swap3A_318 = arith.constant 528 : index
    %swap3A_319 = tpu.vector_load %arg9[%swap3A_318] {strides = array<i32>} : memref<6272xf32, #tpu.memory_space<vmem>>, vector<16xf32>,
    tpu.vector_store %arg9[%swap3A_318], %broadcast_in_dim3A_251 {strides = array<i32>} : memref<6272xf32, #tpu.memory_space<vmem>>, vector<16xf32>,
    %swap3A_320 = arith.constant 544 : index
    %swap3A_321 = tpu.vector_load %arg9[%swap3A_320] {strides = array<i32>} : memref<6272xf32, #tpu.memory_space<vmem>>, vector<16xf32>,
    tpu.vector_store %arg9[%swap3A_320], %broadcast_in_dim3A_251 {strides = array<i32>} : memref<6272xf32, #tpu.memory_space<vmem>>, vector<16xf32>,
    %swap3A_322 = arith.constant 560 : index
    %swap3A_323 = tpu.vector_load %arg9[%swap3A_322] {strides = array<i32>} : memref<6272xf32, #tpu.memory_space<vmem>>, vector<16xf32>,
    tpu.vector_store %arg9[%swap3A_322], %broadcast_in_dim3A_251 {strides = array<i32>} : memref<6272xf32, #tpu.memory_space<vmem>>, vector<16xf32>,
    %swap3A_324 = arith.constant 576 : index
    %swap3A_325 = tpu.vector_load %arg9[%swap3A_324] {strides = array<i32>} : memref<6272xf32, #tpu.memory_space<vmem>>, vector<16xf32>,
    tpu.vector_store %arg9[%swap3A_324], %broadcast_in_dim3A_251 {strides = array<i32>} : memref<6272xf32, #tpu.memory_space<vmem>>, vector<16xf32>,
    %swap3A_326 = arith.constant 592 : index
    %swap3A_327 = tpu.vector_load %arg9[%swap3A_326] {strides = array<i32>} : memref<6272xf32, #tpu.memory_space<vmem>>, vector<16xf32>,
    tpu.vector_store %arg9[%swap3A_326], %broadcast_in_dim3A_251 {strides = array<i32>} : memref<6272xf32, #tpu.memory_space<vmem>>, vector<16xf32>,
    %swap3A_328 = arith.constant 608 : index
    %swap3A_329 = tpu.vector_load %arg9[%swap3A_328] {strides = array<i32>} : memref<6272xf32, #tpu.memory_space<vmem>>, vector<16xf32>,
    tpu.vector_store %arg9[%swap3A_328], %broadcast_in_dim3A_251 {strides = array<i32>} : memref<6272xf32, #tpu.memory_space<vmem>>, vector<16xf32>,
    %swap3A_330 = arith.constant 624 : index
    %swap3A_331 = tpu.vector_load %arg9[%swap3A_330] {strides = array<i32>} : memref<6272xf32, #tpu.memory_space<vmem>>, vector<16xf32>,
    tpu.vector_store %arg9[%swap3A_330], %broadcast_in_dim3A_251 {strides = array<i32>} : memref<6272xf32, #tpu.memory_space<vmem>>, vector<16xf32>,
    %swap3A_332 = arith.constant 640 : index
    %swap3A_333 = tpu.vector_load %arg9[%swap3A_332] {strides = array<i32>} : memref<6272xf32, #tpu.memory_space<vmem>>, vector<16xf32>,
    tpu.vector_store %arg9[%swap3A_332], %broadcast_in_dim3A_251 {strides = array<i32>} : memref<6272xf32, #tpu.memory_space<vmem>>, vector<16xf32>,
    %swap3A_334 = arith.constant 656 : index
    %swap3A_335 = tpu.vector_load %arg9[%swap3A_334] {strides = array<i32>} : memref<6272xf32, #tpu.memory_space<vmem>>, vector<16xf32>,
    tpu.vector_store %arg9[%swap3A_334], %broadcast_in_dim3A_251 {strides = array<i32>} : memref<6272xf32, #tpu.memory_space<vmem>>, vector<16xf32>,
    %swap3A_336 = arith.constant 672 : index
    %swap3A_337 = tpu.vector_load %arg9[%swap3A_336] {strides = array<i32>} : memref<6272xf32, #tpu.memory_space<vmem>>, vector<16xf32>,
    tpu.vector_store %arg9[%swap3A_336], %broadcast_in_dim3A_251 {strides = array<i32>} : memref<6272xf32, #tpu.memory_space<vmem>>, vector<16xf32>,
    %swap3A_338 = arith.constant 688 : index
    %swap3A_339 = tpu.vector_load %arg9[%swap3A_338] {strides = array<i32>} : memref<6272xf32, #tpu.memory_space<vmem>>, vector<16xf32>,
    tpu.vector_store %arg9[%swap3A_338], %broadcast_in_dim3A_251 {strides = array<i32>} : memref<6272xf32, #tpu.memory_space<vmem>>, vector<16xf32>,
    %swap3A_340 = arith.constant 704 : index
    %swap3A_341 = tpu.vector_load %arg9[%swap3A_340] {strides = array<i32>} : memref<6272xf32, #tpu.memory_space<vmem>>, vector<16xf32>,
    tpu.vector_store %arg9[%swap3A_340], %broadcast_in_dim3A_251 {strides = array<i32>} : memref<6272xf32, #tpu.memory_space<vmem>>, vector<16xf32>,
    %swap3A_342 = arith.constant 720 : index
    %swap3A_343 = tpu.vector_load %arg9[%swap3A_342] {strides = array<i32>} : memref<6272xf32, #tpu.memory_space<vmem>>, vector<16xf32>,
    tpu.vector_store %arg9[%swap3A_342], %broadcast_in_dim3A_251 {strides = array<i32>} : memref<6272xf32, #tpu.memory_space<vmem>>, vector<16xf32>,
    %swap3A_344 = arith.constant 736 : index
    %swap3A_345 = tpu.vector_load %arg9[%swap3A_344] {strides = array<i32>} : memref<6272xf32, #tpu.memory_space<vmem>>, vector<16xf32>,
    tpu.vector_store %arg9[%swap3A_344], %broadcast_in_dim3A_251 {strides = array<i32>} : memref<6272xf32, #tpu.memory_space<vmem>>, vector<16xf32>,
    %swap3A_346 = arith.constant 752 : index
    %swap3A_347 = tpu.vector_load %arg9[%swap3A_346] {strides = array<i32>} : memref<6272xf32, #tpu.memory_space<vmem>>, vector<16xf32>,
    tpu.vector_store %arg9[%swap3A_346], %broadcast_in_dim3A_251 {strides = array<i32>} : memref<6272xf32, #tpu.memory_space<vmem>>, vector<16xf32>,
    %swap3A_348 = arith.constant 768 : index
    %swap3A_349 = tpu.vector_load %arg9[%swap3A_348] {strides = array<i32>} : memref<6272xf32, #tpu.memory_space<vmem>>, vector<16xf32>,
    tpu.vector_store %arg9[%swap3A_348], %broadcast_in_dim3A_251 {strides = array<i32>} : memref<6272xf32, #tpu.memory_space<vmem>>, vector<16xf32>,
    %swap3A_350 = arith.constant 784 : index
    %swap3A_351 = tpu.vector_load %arg9[%swap3A_350] {strides = array<i32>} : memref<6272xf32, #tpu.memory_space<vmem>>, vector<16xf32>,
    tpu.vector_store %arg9[%swap3A_350], %broadcast_in_dim3A_251 {strides = array<i32>} : memref<6272xf32, #tpu.memory_space<vmem>>, vector<16xf32>,
    %swap3A_352 = arith.constant 800 : index
    %swap3A_353 = tpu.vector_load %arg9[%swap3A_352] {strides = array<i32>} : memref<6272xf32, #tpu.memory_space<vmem>>, vector<16xf32>,
    tpu.vector_store %arg9[%swap3A_352], %broadcast_in_dim3A_251 {strides = array<i32>} : memref<6272xf32, #tpu.memory_space<vmem>>, vector<16xf32>,
    %swap3A_354 = arith.constant 816 : index
    %swap3A_355 = tpu.vector_load %arg9[%swap3A_354] {strides = array<i32>} : memref<6272xf32, #tpu.memory_space<vmem>>, vector<16xf32>,
    tpu.vector_store %arg9[%swap3A_354], %broadcast_in_dim3A_251 {strides = array<i32>} : memref<6272xf32, #tpu.memory_space<vmem>>, vector<16xf32>,
    %swap3A_356 = arith.constant 832 : index
    %swap3A_357 = tpu.vector_load %arg9[%swap3A_356] {strides = array<i32>} : memref<6272xf32, #tpu.memory_space<vmem>>, vector<16xf32>,
    tpu.vector_store %arg9[%swap3A_356], %broadcast_in_dim3A_251 {strides = array<i32>} : memref<6272xf32, #tpu.memory_space<vmem>>, vector<16xf32>,
    %swap3A_358 = arith.constant 848 : index
    %swap3A_359 = tpu.vector_load %arg9[%swap3A_358] {strides = array<i32>} : memref<6272xf32, #tpu.memory_space<vmem>>, vector<16xf32>,
    tpu.vector_store %arg9[%swap3A_358], %broadcast_in_dim3A_251 {strides = array<i32>} : memref<6272xf32, #tpu.memory_space<vmem>>, vector<16xf32>,
    %swap3A_360 = arith.constant 864 : index
    %swap3A_361 = tpu.vector_load %arg9[%swap3A_360] {strides = array<i32>} : memref<6272xf32, #tpu.memory_space<vmem>>, vector<16xf32>,
    tpu.vector_store %arg9[%swap3A_360], %broadcast_in_dim3A_251 {strides = array<i32>} : memref<6272xf32, #tpu.memory_space<vmem>>, vector<16xf32>,
    %swap3A_362 = arith.constant 880 : index
    %swap3A_363 = tpu.vector_load %arg9[%swap3A_362] {strides = array<i32>} : memref<6272xf32, #tpu.memory_space<vmem>>, vector<16xf32>,
    tpu.vector_store %arg9[%swap3A_362], %broadcast_in_dim3A_251 {strides = array<i32>} : memref<6272xf32, #tpu.memory_space<vmem>>, vector<16xf32>,
    %swap3A_364 = arith.constant 896 : index
    %swap3A_365 = tpu.vector_load %arg9[%swap3A_364] {strides = array<i32>} : memref<6272xf32, #tpu.memory_space<vmem>>, vector<16xf32>,
    tpu.vector_store %arg9[%swap3A_364], %broadcast_in_dim3A_251 {strides = array<i32>} : memref<6272xf32, #tpu.memory_space<vmem>>, vector<16xf32>,
    %swap3A_366 = arith.constant 912 : index
    %swap3A_367 = tpu.vector_load %arg9[%swap3A_366] {strides = array<i32>} : memref<6272xf32, #tpu.memory_space<vmem>>, vector<16xf32>,
    tpu.vector_store %arg9[%swap3A_366], %broadcast_in_dim3A_251 {strides = array<i32>} : memref<6272xf32, #tpu.memory_space<vmem>>, vector<16xf32>,
    %swap3A_368 = arith.constant 928 : index
    %swap3A_369 = tpu.vector_load %arg9[%swap3A_368] {strides = array<i32>} : memref<6272xf32, #tpu.memory_space<vmem>>, vector<16xf32>,
    tpu.vector_store %arg9[%swap3A_368], %broadcast_in_dim3A_251 {strides = array<i32>} : memref<6272xf32, #tpu.memory_space<vmem>>, vector<16xf32>,
    %swap3A_370 = arith.constant 944 : index
    %swap3A_371 = tpu.vector_load %arg9[%swap3A_370] {strides = array<i32>} : memref<6272xf32, #tpu.memory_space<vmem>>, vector<16xf32>,
    tpu.vector_store %arg9[%swap3A_370], %broadcast_in_dim3A_251 {strides = array<i32>} : memref<6272xf32, #tpu.memory_space<vmem>>, vector<16xf32>,
    %swap3A_372 = arith.constant 960 : index
    %swap3A_373 = tpu.vector_load %arg9[%swap3A_372] {strides = array<i32>} : memref<6272xf32, #tpu.memory_space<vmem>>, vector<16xf32>,
    tpu.vector_store %arg9[%swap3A_372], %broadcast_in_dim3A_251 {strides = array<i32>} : memref<6272xf32, #tpu.memory_space<vmem>>, vector<16xf32>,
    %swap3A_374 = arith.constant 976 : index
    %swap3A_375 = tpu.vector_load %arg9[%swap3A_374] {strides = array<i32>} : memref<6272xf32, #tpu.memory_space<vmem>>, vector<16xf32>,
    tpu.vector_store %arg9[%swap3A_374], %broadcast_in_dim3A_251 {strides = array<i32>} : memref<6272xf32, #tpu.memory_space<vmem>>, vector<16xf32>,
    %swap3A_376 = arith.constant 992 : index
    %swap3A_377 = tpu.vector_load %arg9[%swap3A_376] {strides = array<i32>} : memref<6272xf32, #tpu.memory_space<vmem>>, vector<16xf32>,
    tpu.vector_store %arg9[%swap3A_376], %broadcast_in_dim3A_251 {strides = array<i32>} : memref<6272xf32, #tpu.memory_space<vmem>>, vector<16xf32>,
    %swap3A_378 = arith.constant 1008 : index
    %swap3A_379 = tpu.vector_load %arg9[%swap3A_378] {strides = array<i32>} : memref<6272xf32, #tpu.memory_space<vmem>>, vector<16xf32>,
    tpu.vector_store %arg9[%swap3A_378], %broadcast_in_dim3A_251 {strides = array<i32>} : memref<6272xf32, #tpu.memory_space<vmem>>, vector<16xf32>,
    %swap3A_380 = arith.constant 1024 : index
    %swap3A_381 = tpu.vector_load %arg9[%swap3A_380] {strides = array<i32>} : memref<6272xf32, #tpu.memory_space<vmem>>, vector<16xf32>,
    tpu.vector_store %arg9[%swap3A_380], %broadcast_in_dim3A_251 {strides = array<i32>} : memref<6272xf32, #tpu.memory_space<vmem>>, vector<16xf32>,
    %swap3A_382 = arith.constant 1040 : index
    %swap3A_383 = tpu.vector_load %arg9[%swap3A_382] {strides = array<i32>} : memref<6272xf32, #tpu.memory_space<vmem>>, vector<16xf32>,
    tpu.vector_store %arg9[%swap3A_382], %broadcast_in_dim3A_251 {strides = array<i32>} : memref<6272xf32, #tpu.memory_space<vmem>>, vector<16xf32>,
    %swap3A_384 = arith.constant 1056 : index
    %swap3A_385 = tpu.vector_load %arg9[%swap3A_384] {strides = array<i32>} : memref<6272xf32, #tpu.memory_space<vmem>>, vector<16xf32>,
    tpu.vector_store %arg9[%swap3A_384], %broadcast_in_dim3A_251 {strides = array<i32>} : memref<6272xf32, #tpu.memory_space<vmem>>, vector<16xf32>,
    %swap3A_386 = arith.constant 1072 : index
    %swap3A_387 = tpu.vector_load %arg9[%swap3A_386] {strides = array<i32>} : memref<6272xf32, #tpu.memory_space<vmem>>, vector<16xf32>,
    tpu.vector_store %arg9[%swap3A_386], %broadcast_in_dim3A_251 {strides = array<i32>} : memref<6272xf32, #tpu.memory_space<vmem>>, vector<16xf32>,
    %swap3A_388 = arith.constant 1088 : index
    %swap3A_389 = tpu.vector_load %arg9[%swap3A_388] {strides = array<i32>} : memref<6272xf32, #tpu.memory_space<vmem>>, vector<16xf32>,
    tpu.vector_store %arg9[%swap3A_388], %broadcast_in_dim3A_251 {strides = array<i32>} : memref<6272xf32, #tpu.memory_space<vmem>>, vector<16xf32>,
    %swap3A_390 = arith.constant 1104 : index
    %swap3A_391 = tpu.vector_load %arg9[%swap3A_390] {strides = array<i32>} : memref<6272xf32, #tpu.memory_space<vmem>>, vector<16xf32>,
    tpu.vector_store %arg9[%swap3A_390], %broadcast_in_dim3A_251 {strides = array<i32>} : memref<6272xf32, #tpu.memory_space<vmem>>, vector<16xf32>,
    %swap3A_392 = arith.constant 1120 : index
    %swap3A_393 = tpu.vector_load %arg9[%swap3A_392] {strides = array<i32>} : memref<6272xf32, #tpu.memory_space<vmem>>, vector<16xf32>,
    tpu.vector_store %arg9[%swap3A_392], %broadcast_in_dim3A_251 {strides = array<i32>} : memref<6272xf32, #tpu.memory_space<vmem>>, vector<16xf32>,
    %swap3A_394 = arith.constant 1136 : index
    %swap3A_395 = tpu.vector_load %arg9[%swap3A_394] {strides = array<i32>} : memref<6272xf32, #tpu.memory_space<vmem>>, vector<16xf32>,
    tpu.vector_store %arg9[%swap3A_394], %broadcast_in_dim3A_251 {strides = array<i32>} : memref<6272xf32, #tpu.memory_space<vmem>>, vector<16xf32>,
    %swap3A_396 = arith.constant 1152 : index
    %swap3A_397 = tpu.vector_load %arg9[%swap3A_396] {strides = array<i32>} : memref<6272xf32, #tpu.memory_space<vmem>>, vector<16xf32>,
    tpu.vector_store %arg9[%swap3A_396], %broadcast_in_dim3A_251 {strides = array<i32>} : memref<6272xf32, #tpu.memory_space<vmem>>, vector<16xf32>,
    %swap3A_398 = arith.constant 1168 : index
    %swap3A_399 = tpu.vector_load %arg9[%swap3A_398] {strides = array<i32>} : memref<6272xf32, #tpu.memory_space<vmem>>, vector<16xf32>,
    tpu.vector_store %arg9[%swap3A_398], %broadcast_in_dim3A_251 {strides = array<i32>} : memref<6272xf32, #tpu.memory_space<vmem>>, vector<16xf32>,
    %swap3A_400 = arith.constant 1184 : index
    %swap3A_401 = tpu.vector_load %arg9[%swap3A_400] {strides = array<i32>} : memref<6272xf32, #tpu.memory_space<vmem>>, vector<16xf32>,
    tpu.vector_store %arg9[%swap3A_400], %broadcast_in_dim3A_251 {strides = array<i32>} : memref<6272xf32, #tpu.memory_space<vmem>>, vector<16xf32>,
    %swap3A_402 = arith.constant 1200 : index
    %swap3A_403 = tpu.vector_load %arg9[%swap3A_402] {strides = array<i32>} : memref<6272xf32, #tpu.memory_space<vmem>>, vector<16xf32>,
    tpu.vector_store %arg9[%swap3A_402], %broadcast_in_dim3A_251 {strides = array<i32>} : memref<6272xf32, #tpu.memory_space<vmem>>, vector<16xf32>,
    %swap3A_404 = arith.constant 1216 : index
    %swap3A_405 = tpu.vector_load %arg9[%swap3A_404] {strides = array<i32>} : memref<6272xf32, #tpu.memory_space<vmem>>, vector<16xf32>,
    tpu.vector_store %arg9[%swap3A_404], %broadcast_in_dim3A_251 {strides = array<i32>} : memref<6272xf32, #tpu.memory_space<vmem>>, vector<16xf32>,
    %swap3A_406 = arith.constant 1232 : index
    %swap3A_407 = tpu.vector_load %arg9[%swap3A_406] {strides = array<i32>} : memref<6272xf32, #tpu.memory_space<vmem>>, vector<16xf32>,
    tpu.vector_store %arg9[%swap3A_406], %broadcast_in_dim3A_251 {strides = array<i32>} : memref<6272xf32, #tpu.memory_space<vmem>>, vector<16xf32>,
    %swap3A_408 = arith.constant 1248 : index
    %swap3A_409 = tpu.vector_load %arg9[%swap3A_408] {strides = array<i32>} : memref<6272xf32, #tpu.memory_space<vmem>>, vector<16xf32>,
    tpu.vector_store %arg9[%swap3A_408], %broadcast_in_dim3A_251 {strides = array<i32>} : memref<6272xf32, #tpu.memory_space<vmem>>, vector<16xf32>,
    %swap3A_410 = arith.constant 1264 : index
    %swap3A_411 = tpu.vector_load %arg9[%swap3A_410] {strides = array<i32>} : memref<6272xf32, #tpu.memory_space<vmem>>, vector<16xf32>,
    tpu.vector_store %arg9[%swap3A_410], %broadcast_in_dim3A_251 {strides = array<i32>} : memref<6272xf32, #tpu.memory_space<vmem>>, vector<16xf32>,
    %swap3A_412 = arith.constant 1280 : index
    %swap3A_413 = tpu.vector_load %arg9[%swap3A_412] {strides = array<i32>} : memref<6272xf32, #tpu.memory_space<vmem>>, vector<16xf32>,
    tpu.vector_store %arg9[%swap3A_412], %broadcast_in_dim3A_251 {strides = array<i32>} : memref<6272xf32, #tpu.memory_space<vmem>>, vector<16xf32>,
    %swap3A_414 = arith.constant 1296 : index
    %swap3A_415 = tpu.vector_load %arg9[%swap3A_414] {strides = array<i32>} : memref<6272xf32, #tpu.memory_space<vmem>>, vector<16xf32>,
    tpu.vector_store %arg9[%swap3A_414], %broadcast_in_dim3A_251 {strides = array<i32>} : memref<6272xf32, #tpu.memory_space<vmem>>, vector<16xf32>,
    %swap3A_416 = arith.constant 1312 : index
    %swap3A_417 = tpu.vector_load %arg9[%swap3A_416] {strides = array<i32>} : memref<6272xf32, #tpu.memory_space<vmem>>, vector<16xf32>,
    tpu.vector_store %arg9[%swap3A_416], %broadcast_in_dim3A_251 {strides = array<i32>} : memref<6272xf32, #tpu.memory_space<vmem>>, vector<16xf32>,
    %swap3A_418 = arith.constant 1328 : index
    %swap3A_419 = tpu.vector_load %arg9[%swap3A_418] {strides = array<i32>} : memref<6272xf32, #tpu.memory_space<vmem>>, vector<16xf32>,
    tpu.vector_store %arg9[%swap3A_418], %broadcast_in_dim3A_251 {strides = array<i32>} : memref<6272xf32, #tpu.memory_space<vmem>>, vector<16xf32>,
    %swap3A_420 = arith.constant 1344 : index
    %swap3A_421 = tpu.vector_load %arg9[%swap3A_420] {strides = array<i32>} : memref<6272xf32, #tpu.memory_space<vmem>>, vector<16xf32>,
    tpu.vector_store %arg9[%swap3A_420], %broadcast_in_dim3A_251 {strides = array<i32>} : memref<6272xf32, #tpu.memory_space<vmem>>, vector<16xf32>,
    %swap3A_422 = arith.constant 1360 : index
    %swap3A_423 = tpu.vector_load %arg9[%swap3A_422] {strides = array<i32>} : memref<6272xf32, #tpu.memory_space<vmem>>, vector<16xf32>,
    tpu.vector_store %arg9[%swap3A_422], %broadcast_in_dim3A_251 {strides = array<i32>} : memref<6272xf32, #tpu.memory_space<vmem>>, vector<16xf32>,
    %swap3A_424 = arith.constant 1376 : index
    %swap3A_425 = tpu.vector_load %arg9[%swap3A_424] {strides = array<i32>} : memref<6272xf32, #tpu.memory_space<vmem>>, vector<16xf32>,
    tpu.vector_store %arg9[%swap3A_424], %broadcast_in_dim3A_251 {strides = array<i32>} : memref<6272xf32, #tpu.memory_space<vmem>>, vector<16xf32>,
    %swap3A_426 = arith.constant 1392 : index
    %swap3A_427 = tpu.vector_load %arg9[%swap3A_426] {strides = array<i32>} : memref<6272xf32, #tpu.memory_space<vmem>>, vector<16xf32>,
    tpu.vector_store %arg9[%swap3A_426], %broadcast_in_dim3A_251 {strides = array<i32>} : memref<6272xf32, #tpu.memory_space<vmem>>, vector<16xf32>,
    %swap3A_428 = arith.constant 1408 : index
    %swap3A_429 = tpu.vector_load %arg9[%swap3A_428] {strides = array<i32>} : memref<6272xf32, #tpu.memory_space<vmem>>, vector<16xf32>,
    tpu.vector_store %arg9[%swap3A_428], %broadcast_in_dim3A_251 {strides = array<i32>} : memref<6272xf32, #tpu.memory_space<vmem>>, vector<16xf32>,
    %swap3A_430 = arith.constant 1424 : index
    %swap3A_431 = tpu.vector_load %arg9[%swap3A_430] {strides = array<i32>} : memref<6272xf32, #tpu.memory_space<vmem>>, vector<16xf32>,
    tpu.vector_store %arg9[%swap3A_430], %broadcast_in_dim3A_251 {strides = array<i32>} : memref<6272xf32, #tpu.memory_space<vmem>>, vector<16xf32>,
    %swap3A_432 = arith.constant 1440 : index
    %swap3A_433 = tpu.vector_load %arg9[%swap3A_432] {strides = array<i32>} : memref<6272xf32, #tpu.memory_space<vmem>>, vector<16xf32>,
    tpu.vector_store %arg9[%swap3A_432], %broadcast_in_dim3A_251 {strides = array<i32>} : memref<6272xf32, #tpu.memory_space<vmem>>, vector<16xf32>,
    %swap3A_434 = arith.constant 1456 : index
    %swap3A_435 = tpu.vector_load %arg9[%swap3A_434] {strides = array<i32>} : memref<6272xf32, #tpu.memory_space<vmem>>, vector<16xf32>,
    tpu.vector_store %arg9[%swap3A_434], %broadcast_in_dim3A_251 {strides = array<i32>} : memref<6272xf32, #tpu.memory_space<vmem>>, vector<16xf32>,
    %swap3A_436 = arith.constant 1472 : index
    %swap3A_437 = tpu.vector_load %arg9[%swap3A_436] {strides = array<i32>} : memref<6272xf32, #tpu.memory_space<vmem>>, vector<16xf32>,
    tpu.vector_store %arg9[%swap3A_436], %broadcast_in_dim3A_251 {strides = array<i32>} : memref<6272xf32, #tpu.memory_space<vmem>>, vector<16xf32>,
    %swap3A_438 = arith.constant 1488 : index
    %swap3A_439 = tpu.vector_load %arg9[%swap3A_438] {strides = array<i32>} : memref<6272xf32, #tpu.memory_space<vmem>>, vector<16xf32>,
    tpu.vector_store %arg9[%swap3A_438], %broadcast_in_dim3A_251 {strides = array<i32>} : memref<6272xf32, #tpu.memory_space<vmem>>, vector<16xf32>,
    %swap3A_440 = arith.constant 1504 : index
    %swap3A_441 = tpu.vector_load %arg9[%swap3A_440] {strides = array<i32>} : memref<6272xf32, #tpu.memory_space<vmem>>, vector<16xf32>,
    tpu.vector_store %arg9[%swap3A_440], %broadcast_in_dim3A_251 {strides = array<i32>} : memref<6272xf32, #tpu.memory_space<vmem>>, vector<16xf32>,
    %swap3A_442 = arith.constant 1520 : index
    %swap3A_443 = tpu.vector_load %arg9[%swap3A_442] {strides = array<i32>} : memref<6272xf32, #tpu.memory_space<vmem>>, vector<16xf32>,
    tpu.vector_store %arg9[%swap3A_442], %broadcast_in_dim3A_251 {strides = array<i32>} : memref<6272xf32, #tpu.memory_space<vmem>>, vector<16xf32>,
    %swap3A_444 = arith.constant 1536 : index
    %swap3A_445 = tpu.vector_load %arg9[%swap3A_444] {strides = array<i32>} : memref<6272xf32, #tpu.memory_space<vmem>>, vector<16xf32>,
    tpu.vector_store %arg9[%swap3A_444], %broadcast_in_dim3A_251 {strides = array<i32>} : memref<6272xf32, #tpu.memory_space<vmem>>, vector<16xf32>,
    %swap3A_446 = arith.constant 1552 : index
    %swap3A_447 = tpu.vector_load %arg9[%swap3A_446] {strides = array<i32>} : memref<6272xf32, #tpu.memory_space<vmem>>, vector<16xf32>,
    tpu.vector_store %arg9[%swap3A_446], %broadcast_in_dim3A_251 {strides = array<i32>} : memref<6272xf32, #tpu.memory_space<vmem>>, vector<16xf32>,
    %swap3A_448 = arith.constant 1568 : index
    %swap3A_449 = tpu.vector_load %arg9[%swap3A_448] {strides = array<i32>} : memref<6272xf32, #tpu.memory_space<vmem>>, vector<16xf32>,
    tpu.vector_store %arg9[%swap3A_448], %broadcast_in_dim3A_251 {strides = array<i32>} : memref<6272xf32, #tpu.memory_space<vmem>>, vector<16xf32>,
    %swap3A_450 = arith.constant 1584 : index
    %swap3A_451 = tpu.vector_load %arg9[%swap3A_450] {strides = array<i32>} : memref<6272xf32, #tpu.memory_space<vmem>>, vector<16xf32>,
    tpu.vector_store %arg9[%swap3A_450], %broadcast_in_dim3A_251 {strides = array<i32>} : memref<6272xf32, #tpu.memory_space<vmem>>, vector<16xf32>,
    %swap3A_452 = arith.constant 1600 : index
    %swap3A_453 = tpu.vector_load %arg9[%swap3A_452] {strides = array<i32>} : memref<6272xf32, #tpu.memory_space<vmem>>, vector<16xf32>,
    tpu.vector_store %arg9[%swap3A_452], %broadcast_in_dim3A_251 {strides = array<i32>} : memref<6272xf32, #tpu.memory_space<vmem>>, vector<16xf32>,
    %swap3A_454 = arith.constant 1616 : index
    %swap3A_455 = tpu.vector_load %arg9[%swap3A_454] {strides = array<i32>} : memref<6272xf32, #tpu.memory_space<vmem>>, vector<16xf32>,
    tpu.vector_store %arg9[%swap3A_454], %broadcast_in_dim3A_251 {strides = array<i32>} : memref<6272xf32, #tpu.memory_space<vmem>>, vector<16xf32>,
    %swap3A_456 = arith.constant 1632 : index
    %swap3A_457 = tpu.vector_load %arg9[%swap3A_456] {strides = array<i32>} : memref<6272xf32, #tpu.memory_space<vmem>>, vector<16xf32>,
    tpu.vector_store %arg9[%swap3A_456], %broadcast_in_dim3A_251 {strides = array<i32>} : memref<6272xf32, #tpu.memory_space<vmem>>, vector<16xf32>,
    %swap3A_458 = arith.constant 1648 : index
    %swap3A_459 = tpu.vector_load %arg9[%swap3A_458] {strides = array<i32>} : memref<6272xf32, #tpu.memory_space<vmem>>, vector<16xf32>,
    tpu.vector_store %arg9[%swap3A_458], %broadcast_in_dim3A_251 {strides = array<i32>} : memref<6272xf32, #tpu.memory_space<vmem>>, vector<16xf32>,
    %swap3A_460 = arith.constant 1664 : index
    %swap3A_461 = tpu.vector_load %arg9[%swap3A_460] {strides = array<i32>} : memref<6272xf32, #tpu.memory_space<vmem>>, vector<16xf32>,
    tpu.vector_store %arg9[%swap3A_460], %broadcast_in_dim3A_251 {strides = array<i32>} : memref<6272xf32, #tpu.memory_space<vmem>>, vector<16xf32>,
    %swap3A_462 = arith.constant 1680 : index
    %swap3A_463 = tpu.vector_load %arg9[%swap3A_462] {strides = array<i32>} : memref<6272xf32, #tpu.memory_space<vmem>>, vector<16xf32>,
    tpu.vector_store %arg9[%swap3A_462], %broadcast_in_dim3A_251 {strides = array<i32>} : memref<6272xf32, #tpu.memory_space<vmem>>, vector<16xf32>,
    %swap3A_464 = arith.constant 1696 : index
    %swap3A_465 = tpu.vector_load %arg9[%swap3A_464] {strides = array<i32>} : memref<6272xf32, #tpu.memory_space<vmem>>, vector<16xf32>,
    tpu.vector_store %arg9[%swap3A_464], %broadcast_in_dim3A_251 {strides = array<i32>} : memref<6272xf32, #tpu.memory_space<vmem>>, vector<16xf32>,
    %swap3A_466 = arith.constant 1712 : index
    %swap3A_467 = tpu.vector_load %arg9[%swap3A_466] {strides = array<i32>} : memref<6272xf32, #tpu.memory_space<vmem>>, vector<16xf32>,
    tpu.vector_store %arg9[%swap3A_466], %broadcast_in_dim3A_251 {strides = array<i32>} : memref<6272xf32, #tpu.memory_space<vmem>>, vector<16xf32>,
    %swap3A_468 = arith.constant 1728 : index
    %swap3A_469 = tpu.vector_load %arg9[%swap3A_468] {strides = array<i32>} : memref<6272xf32, #tpu.memory_space<vmem>>, vector<16xf32>,
    tpu.vector_store %arg9[%swap3A_468], %broadcast_in_dim3A_251 {strides = array<i32>} : memref<6272xf32, #tpu.memory_space<vmem>>, vector<16xf32>,
    %swap3A_470 = arith.constant 1744 : index
    %swap3A_471 = tpu.vector_load %arg9[%swap3A_470] {strides = array<i32>} : memref<6272xf32, #tpu.memory_space<vmem>>, vector<16xf32>,
    tpu.vector_store %arg9[%swap3A_470], %broadcast_in_dim3A_251 {strides = array<i32>} : memref<6272xf32, #tpu.memory_space<vmem>>, vector<16xf32>,
    %swap3A_472 = arith.constant 1760 : index
    %swap3A_473 = tpu.vector_load %arg9[%swap3A_472] {strides = array<i32>} : memref<6272xf32, #tpu.memory_space<vmem>>, vector<16xf32>,
    tpu.vector_store %arg9[%swap3A_472], %broadcast_in_dim3A_251 {strides = array<i32>} : memref<6272xf32, #tpu.memory_space<vmem>>, vector<16xf32>,
    %swap3A_474 = arith.constant 1776 : index
    %swap3A_475 = tpu.vector_load %arg9[%swap3A_474] {strides = array<i32>} : memref<6272xf32, #tpu.memory_space<vmem>>, vector<16xf32>,
    tpu.vector_store %arg9[%swap3A_474], %broadcast_in_dim3A_251 {strides = array<i32>} : memref<6272xf32, #tpu.memory_space<vmem>>, vector<16xf32>,
    %swap3A_476 = arith.constant 1792 : index
    %swap3A_477 = tpu.vector_load %arg9[%swap3A_476] {strides = array<i32>} : memref<6272xf32, #tpu.memory_space<vmem>>, vector<16xf32>,
    tpu.vector_store %arg9[%swap3A_476], %broadcast_in_dim3A_251 {strides = array<i32>} : memref<6272xf32, #tpu.memory_space<vmem>>, vector<16xf32>,
    %swap3A_478 = arith.constant 1808 : index
    %swap3A_479 = tpu.vector_load %arg9[%swap3A_478] {strides = array<i32>} : memref<6272xf32, #tpu.memory_space<vmem>>, vector<16xf32>,
    tpu.vector_store %arg9[%swap3A_478], %broadcast_in_dim3A_251 {strides = array<i32>} : memref<6272xf32, #tpu.memory_space<vmem>>, vector<16xf32>,
    %swap3A_480 = arith.constant 1824 : index
    %swap3A_481 = tpu.vector_load %arg9[%swap3A_480] {strides = array<i32>} : memref<6272xf32, #tpu.memory_space<vmem>>, vector<16xf32>,
    tpu.vector_store %arg9[%swap3A_480], %broadcast_in_dim3A_251 {strides = array<i32>} : memref<6272xf32, #tpu.memory_space<vmem>>, vector<16xf32>,
    %swap3A_482 = arith.constant 1840 : index
    %swap3A_483 = tpu.vector_load %arg9[%swap3A_482] {strides = array<i32>} : memref<6272xf32, #tpu.memory_space<vmem>>, vector<16xf32>,
    tpu.vector_store %arg9[%swap3A_482], %broadcast_in_dim3A_251 {strides = array<i32>} : memref<6272xf32, #tpu.memory_space<vmem>>, vector<16xf32>,
    %swap3A_484 = arith.constant 1856 : index
    %swap3A_485 = tpu.vector_load %arg9[%swap3A_484] {strides = array<i32>} : memref<6272xf32, #tpu.memory_space<vmem>>, vector<16xf32>,
    tpu.vector_store %arg9[%swap3A_484], %broadcast_in_dim3A_251 {strides = array<i32>} : memref<6272xf32, #tpu.memory_space<vmem>>, vector<16xf32>,
    %swap3A_486 = arith.constant 1872 : index
    %swap3A_487 = tpu.vector_load %arg9[%swap3A_486] {strides = array<i32>} : memref<6272xf32, #tpu.memory_space<vmem>>, vector<16xf32>,
    tpu.vector_store %arg9[%swap3A_486], %broadcast_in_dim3A_251 {strides = array<i32>} : memref<6272xf32, #tpu.memory_space<vmem>>, vector<16xf32>,
    %swap3A_488 = arith.constant 1888 : index
    %swap3A_489 = tpu.vector_load %arg9[%swap3A_488] {strides = array<i32>} : memref<6272xf32, #tpu.memory_space<vmem>>, vector<16xf32>,
    tpu.vector_store %arg9[%swap3A_488], %broadcast_in_dim3A_251 {strides = array<i32>} : memref<6272xf32, #tpu.memory_space<vmem>>, vector<16xf32>,
    %swap3A_490 = arith.constant 1904 : index
    %swap3A_491 = tpu.vector_load %arg9[%swap3A_490] {strides = array<i32>} : memref<6272xf32, #tpu.memory_space<vmem>>, vector<16xf32>,
    tpu.vector_store %arg9[%swap3A_490], %broadcast_in_dim3A_251 {strides = array<i32>} : memref<6272xf32, #tpu.memory_space<vmem>>, vector<16xf32>,
    %swap3A_492 = arith.constant 1920 : index
    %swap3A_493 = tpu.vector_load %arg9[%swap3A_492] {strides = array<i32>} : memref<6272xf32, #tpu.memory_space<vmem>>, vector<16xf32>,
    tpu.vector_store %arg9[%swap3A_492], %broadcast_in_dim3A_251 {strides = array<i32>} : memref<6272xf32, #tpu.memory_space<vmem>>, vector<16xf32>,
    %swap3A_494 = arith.constant 1936 : index
    %swap3A_495 = tpu.vector_load %arg9[%swap3A_494] {strides = array<i32>} : memref<6272xf32, #tpu.memory_space<vmem>>, vector<16xf32>,
    tpu.vector_store %arg9[%swap3A_494], %broadcast_in_dim3A_251 {strides = array<i32>} : memref<6272xf32, #tpu.memory_space<vmem>>, vector<16xf32>,
    %swap3A_496 = arith.constant 1952 : index
    %swap3A_497 = tpu.vector_load %arg9[%swap3A_496] {strides = array<i32>} : memref<6272xf32, #tpu.memory_space<vmem>>, vector<16xf32>,
    tpu.vector_store %arg9[%swap3A_496], %broadcast_in_dim3A_251 {strides = array<i32>} : memref<6272xf32, #tpu.memory_space<vmem>>, vector<16xf32>,
    %swap3A_498 = arith.constant 1968 : index
    %swap3A_499 = tpu.vector_load %arg9[%swap3A_498] {strides = array<i32>} : memref<6272xf32, #tpu.memory_space<vmem>>, vector<16xf32>,
    tpu.vector_store %arg9[%swap3A_498], %broadcast_in_dim3A_251 {strides = array<i32>} : memref<6272xf32, #tpu.memory_space<vmem>>, vector<16xf32>,
    %swap3A_500 = arith.constant 1984 : index
    %swap3A_501 = tpu.vector_load %arg9[%swap3A_500] {strides = array<i32>} : memref<6272xf32, #tpu.memory_space<vmem>>, vector<16xf32>,
    tpu.vector_store %arg9[%swap3A_500], %broadcast_in_dim3A_251 {strides = array<i32>} : memref<6272xf32, #tpu.memory_space<vmem>>, vector<16xf32>,
    %swap3A_502 = arith.constant 2000 : index
    %swap3A_503 = tpu.vector_load %arg9[%swap3A_502] {strides = array<i32>} : memref<6272xf32, #tpu.memory_space<vmem>>, vector<16xf32>,
    tpu.vector_store %arg9[%swap3A_502], %broadcast_in_dim3A_251 {strides = array<i32>} : memref<6272xf32, #tpu.memory_space<vmem>>, vector<16xf32>,
    %swap3A_504 = arith.constant 2016 : index
    %swap3A_505 = tpu.vector_load %arg9[%swap3A_504] {strides = array<i32>} : memref<6272xf32, #tpu.memory_space<vmem>>, vector<16xf32>,
    tpu.vector_store %arg9[%swap3A_504], %broadcast_in_dim3A_251 {strides = array<i32>} : memref<6272xf32, #tpu.memory_space<vmem>>, vector<16xf32>,
    %swap3A_506 = arith.constant 2032 : index
    %swap3A_507 = tpu.vector_load %arg9[%swap3A_506] {strides = array<i32>} : memref<6272xf32, #tpu.memory_space<vmem>>, vector<16xf32>,
    tpu.vector_store %arg9[%swap3A_506], %broadcast_in_dim3A_251 {strides = array<i32>} : memref<6272xf32, #tpu.memory_space<vmem>>, vector<16xf32>,
    %swap3A_508 = arith.constant 2048 : index
    %swap3A_509 = tpu.vector_load %arg9[%swap3A_508] {strides = array<i32>} : memref<6272xf32, #tpu.memory_space<vmem>>, vector<16xf32>,
    tpu.vector_store %arg9[%swap3A_508], %broadcast_in_dim3A_251 {strides = array<i32>} : memref<6272xf32, #tpu.memory_space<vmem>>, vector<16xf32>,
    %swap3A_510 = arith.constant 2064 : index
    %swap3A_511 = tpu.vector_load %arg9[%swap3A_510] {strides = array<i32>} : memref<6272xf32, #tpu.memory_space<vmem>>, vector<16xf32>,
    tpu.vector_store %arg9[%swap3A_510], %broadcast_in_dim3A_251 {strides = array<i32>} : memref<6272xf32, #tpu.memory_space<vmem>>, vector<16xf32>,
    %swap3A_512 = arith.constant 2080 : index
    %swap3A_513 = tpu.vector_load %arg9[%swap3A_512] {strides = array<i32>} : memref<6272xf32, #tpu.memory_space<vmem>>, vector<16xf32>,
    tpu.vector_store %arg9[%swap3A_512], %broadcast_in_dim3A_251 {strides = array<i32>} : memref<6272xf32, #tpu.memory_space<vmem>>, vector<16xf32>,
    %swap3A_514 = arith.constant 2096 : index
    %swap3A_515 = tpu.vector_load %arg9[%swap3A_514] {strides = array<i32>} : memref<6272xf32, #tpu.memory_space<vmem>>, vector<16xf32>,
    tpu.vector_store %arg9[%swap3A_514], %broadcast_in_dim3A_251 {strides = array<i32>} : memref<6272xf32, #tpu.memory_space<vmem>>, vector<16xf32>,
    %swap3A_516 = arith.constant 2112 : index
    %swap3A_517 = tpu.vector_load %arg9[%swap3A_516] {strides = array<i32>} : memref<6272xf32, #tpu.memory_space<vmem>>, vector<16xf32>,
    tpu.vector_store %arg9[%swap3A_516], %broadcast_in_dim3A_251 {strides = array<i32>} : memref<6272xf32, #tpu.memory_space<vmem>>, vector<16xf32>,
    %swap3A_518 = arith.constant 2128 : index
    %swap3A_519 = tpu.vector_load %arg9[%swap3A_518] {strides = array<i32>} : memref<6272xf32, #tpu.memory_space<vmem>>, vector<16xf32>,
    tpu.vector_store %arg9[%swap3A_518], %broadcast_in_dim3A_251 {strides = array<i32>} : memref<6272xf32, #tpu.memory_space<vmem>>, vector<16xf32>,
    %swap3A_520 = arith.constant 2144 : index
    %swap3A_521 = tpu.vector_load %arg9[%swap3A_520] {strides = array<i32>} : memref<6272xf32, #tpu.memory_space<vmem>>, vector<16xf32>,
    tpu.vector_store %arg9[%swap3A_520], %broadcast_in_dim3A_251 {strides = array<i32>} : memref<6272xf32, #tpu.memory_space<vmem>>, vector<16xf32>,
    %swap3A_522 = arith.constant 2160 : index
    %swap3A_523 = tpu.vector_load %arg9[%swap3A_522] {strides = array<i32>} : memref<6272xf32, #tpu.memory_space<vmem>>, vector<16xf32>,
    tpu.vector_store %arg9[%swap3A_522], %broadcast_in_dim3A_251 {strides = array<i32>} : memref<6272xf32, #tpu.memory_space<vmem>>, vector<16xf32>,
    %swap3A_524 = arith.constant 2176 : index
    %swap3A_525 = tpu.vector_load %arg9[%swap3A_524] {strides = array<i32>} : memref<6272xf32, #tpu.memory_space<vmem>>, vector<16xf32>,
    tpu.vector_store %arg9[%swap3A_524], %broadcast_in_dim3A_251 {strides = array<i32>} : memref<6272xf32, #tpu.memory_space<vmem>>, vector<16xf32>,
    %swap3A_526 = arith.constant 2192 : index
    %swap3A_527 = tpu.vector_load %arg9[%swap3A_526] {strides = array<i32>} : memref<6272xf32, #tpu.memory_space<vmem>>, vector<16xf32>,
    tpu.vector_store %arg9[%swap3A_526], %broadcast_in_dim3A_251 {strides = array<i32>} : memref<6272xf32, #tpu.memory_space<vmem>>, vector<16xf32>,
    %swap3A_528 = arith.constant 2208 : index
    %swap3A_529 = tpu.vector_load %arg9[%swap3A_528] {strides = array<i32>} : memref<6272xf32, #tpu.memory_space<vmem>>, vector<16xf32>,
    tpu.vector_store %arg9[%swap3A_528], %broadcast_in_dim3A_251 {strides = array<i32>} : memref<6272xf32, #tpu.memory_space<vmem>>, vector<16xf32>,
    %swap3A_530 = arith.constant 2224 : index
    %swap3A_531 = tpu.vector_load %arg9[%swap3A_530] {strides = array<i32>} : memref<6272xf32, #tpu.memory_space<vmem>>, vector<16xf32>,
    tpu.vector_store %arg9[%swap3A_530], %broadcast_in_dim3A_251 {strides = array<i32>} : memref<6272xf32, #tpu.memory_space<vmem>>, vector<16xf32>,
    %swap3A_532 = arith.constant 2240 : index
    %swap3A_533 = tpu.vector_load %arg9[%swap3A_532] {strides = array<i32>} : memref<6272xf32, #tpu.memory_space<vmem>>, vector<16xf32>,
    tpu.vector_store %arg9[%swap3A_532], %broadcast_in_dim3A_251 {strides = array<i32>} : memref<6272xf32, #tpu.memory_space<vmem>>, vector<16xf32>,
    %swap3A_534 = arith.constant 2256 : index
    %swap3A_535 = tpu.vector_load %arg9[%swap3A_534] {strides = array<i32>} : memref<6272xf32, #tpu.memory_space<vmem>>, vector<16xf32>,
    tpu.vector_store %arg9[%swap3A_534], %broadcast_in_dim3A_251 {strides = array<i32>} : memref<6272xf32, #tpu.memory_space<vmem>>, vector<16xf32>,
    %swap3A_536 = arith.constant 2272 : index
    %swap3A_537 = tpu.vector_load %arg9[%swap3A_536] {strides = array<i32>} : memref<6272xf32, #tpu.memory_space<vmem>>, vector<16xf32>,
    tpu.vector_store %arg9[%swap3A_536], %broadcast_in_dim3A_251 {strides = array<i32>} : memref<6272xf32, #tpu.memory_space<vmem>>, vector<16xf32>,
    %swap3A_538 = arith.constant 2288 : index
    %swap3A_539 = tpu.vector_load %arg9[%swap3A_538] {strides = array<i32>} : memref<6272xf32, #tpu.memory_space<vmem>>, vector<16xf32>,
    tpu.vector_store %arg9[%swap3A_538], %broadcast_in_dim3A_251 {strides = array<i32>} : memref<6272xf32, #tpu.memory_space<vmem>>, vector<16xf32>,
    %swap3A_540 = arith.constant 2304 : index
    %swap3A_541 = tpu.vector_load %arg9[%swap3A_540] {strides = array<i32>} : memref<6272xf32, #tpu.memory_space<vmem>>, vector<16xf32>,
    tpu.vector_store %arg9[%swap3A_540], %broadcast_in_dim3A_251 {strides = array<i32>} : memref<6272xf32, #tpu.memory_space<vmem>>, vector<16xf32>,
    %swap3A_542 = arith.constant 2320 : index
    %swap3A_543 = tpu.vector_load %arg9[%swap3A_542] {strides = array<i32>} : memref<6272xf32, #tpu.memory_space<vmem>>, vector<16xf32>,
    tpu.vector_store %arg9[%swap3A_542], %broadcast_in_dim3A_251 {strides = array<i32>} : memref<6272xf32, #tpu.memory_space<vmem>>, vector<16xf32>,
    %swap3A_544 = arith.constant 2336 : index
    %swap3A_545 = tpu.vector_load %arg9[%swap3A_544] {strides = array<i32>} : memref<6272xf32, #tpu.memory_space<vmem>>, vector<16xf32>,
    tpu.vector_store %arg9[%swap3A_544], %broadcast_in_dim3A_251 {strides = array<i32>} : memref<6272xf32, #tpu.memory_space<vmem>>, vector<16xf32>,
    %swap3A_546 = arith.constant 2352 : index
    %swap3A_547 = tpu.vector_load %arg9[%swap3A_546] {strides = array<i32>} : memref<6272xf32, #tpu.memory_space<vmem>>, vector<16xf32>,
    tpu.vector_store %arg9[%swap3A_546], %broadcast_in_dim3A_251 {strides = array<i32>} : memref<6272xf32, #tpu.memory_space<vmem>>, vector<16xf32>,
    %swap3A_548 = arith.constant 2368 : index
    %swap3A_549 = tpu.vector_load %arg9[%swap3A_548] {strides = array<i32>} : memref<6272xf32, #tpu.memory_space<vmem>>, vector<16xf32>,
    tpu.vector_store %arg9[%swap3A_548], %broadcast_in_dim3A_251 {strides = array<i32>} : memref<6272xf32, #tpu.memory_space<vmem>>, vector<16xf32>,
    %swap3A_550 = arith.constant 2384 : index
    %swap3A_551 = tpu.vector_load %arg9[%swap3A_550] {strides = array<i32>} : memref<6272xf32, #tpu.memory_space<vmem>>, vector<16xf32>,
    tpu.vector_store %arg9[%swap3A_550], %broadcast_in_dim3A_251 {strides = array<i32>} : memref<6272xf32, #tpu.memory_space<vmem>>, vector<16xf32>,
    %swap3A_552 = arith.constant 2400 : index
    %swap3A_553 = tpu.vector_load %arg9[%swap3A_552] {strides = array<i32>} : memref<6272xf32, #tpu.memory_space<vmem>>, vector<16xf32>,
    tpu.vector_store %arg9[%swap3A_552], %broadcast_in_dim3A_251 {strides = array<i32>} : memref<6272xf32, #tpu.memory_space<vmem>>, vector<16xf32>,
    %swap3A_554 = arith.constant 2416 : index
    %swap3A_555 = tpu.vector_load %arg9[%swap3A_554] {strides = array<i32>} : memref<6272xf32, #tpu.memory_space<vmem>>, vector<16xf32>,
    tpu.vector_store %arg9[%swap3A_554], %broadcast_in_dim3A_251 {strides = array<i32>} : memref<6272xf32, #tpu.memory_space<vmem>>, vector<16xf32>,
    %swap3A_556 = arith.constant 2432 : index
    %swap3A_557 = tpu.vector_load %arg9[%swap3A_556] {strides = array<i32>} : memref<6272xf32, #tpu.memory_space<vmem>>, vector<16xf32>,
    tpu.vector_store %arg9[%swap3A_556], %broadcast_in_dim3A_251 {strides = array<i32>} : memref<6272xf32, #tpu.memory_space<vmem>>, vector<16xf32>,
    %swap3A_558 = arith.constant 2448 : index
    %swap3A_559 = tpu.vector_load %arg9[%swap3A_558] {strides = array<i32>} : memref<6272xf32, #tpu.memory_space<vmem>>, vector<16xf32>,
    tpu.vector_store %arg9[%swap3A_558], %broadcast_in_dim3A_251 {strides = array<i32>} : memref<6272xf32, #tpu.memory_space<vmem>>, vector<16xf32>,
    %swap3A_560 = arith.constant 2464 : index
    %swap3A_561 = tpu.vector_load %arg9[%swap3A_560] {strides = array<i32>} : memref<6272xf32, #tpu.memory_space<vmem>>, vector<16xf32>,
    tpu.vector_store %arg9[%swap3A_560], %broadcast_in_dim3A_251 {strides = array<i32>} : memref<6272xf32, #tpu.memory_space<vmem>>, vector<16xf32>,
    %swap3A_562 = arith.constant 2480 : index
    %swap3A_563 = tpu.vector_load %arg9[%swap3A_562] {strides = array<i32>} : memref<6272xf32, #tpu.memory_space<vmem>>, vector<16xf32>,
    tpu.vector_store %arg9[%swap3A_562], %broadcast_in_dim3A_251 {strides = array<i32>} : memref<6272xf32, #tpu.memory_space<vmem>>, vector<16xf32>,
    %swap3A_564 = arith.constant 2496 : index
    %swap3A_565 = tpu.vector_load %arg9[%swap3A_564] {strides = array<i32>} : memref<6272xf32, #tpu.memory_space<vmem>>, vector<16xf32>,
    tpu.vector_store %arg9[%swap3A_564], %broadcast_in_dim3A_251 {strides = array<i32>} : memref<6272xf32, #tpu.memory_space<vmem>>, vector<16xf32>,
    %swap3A_566 = arith.constant 2512 : index
    %swap3A_567 = tpu.vector_load %arg9[%swap3A_566] {strides = array<i32>} : memref<6272xf32, #tpu.memory_space<vmem>>, vector<16xf32>,
    tpu.vector_store %arg9[%swap3A_566], %broadcast_in_dim3A_251 {strides = array<i32>} : memref<6272xf32, #tpu.memory_space<vmem>>, vector<16xf32>,
    %swap3A_568 = arith.constant 2528 : index
    %swap3A_569 = tpu.vector_load %arg9[%swap3A_568] {strides = array<i32>} : memref<6272xf32, #tpu.memory_space<vmem>>, vector<16xf32>,
    tpu.vector_store %arg9[%swap3A_568], %broadcast_in_dim3A_251 {strides = array<i32>} : memref<6272xf32, #tpu.memory_space<vmem>>, vector<16xf32>,
    %swap3A_570 = arith.constant 2544 : index
    %swap3A_571 = tpu.vector_load %arg9[%swap3A_570] {strides = array<i32>} : memref<6272xf32, #tpu.memory_space<vmem>>, vector<16xf32>,
    tpu.vector_store %arg9[%swap3A_570], %broadcast_in_dim3A_251 {strides = array<i32>} : memref<6272xf32, #tpu.memory_space<vmem>>, vector<16xf32>,
    %swap3A_572 = arith.constant 2560 : index
    %swap3A_573 = tpu.vector_load %arg9[%swap3A_572] {strides = array<i32>} : memref<6272xf32, #tpu.memory_space<vmem>>, vector<16xf32>,
    tpu.vector_store %arg9[%swap3A_572], %broadcast_in_dim3A_251 {strides = array<i32>} : memref<6272xf32, #tpu.memory_space<vmem>>, vector<16xf32>,
    %swap3A_574 = arith.constant 2576 : index
    %swap3A_575 = tpu.vector_load %arg9[%swap3A_574] {strides = array<i32>} : memref<6272xf32, #tpu.memory_space<vmem>>, vector<16xf32>,
    tpu.vector_store %arg9[%swap3A_574], %broadcast_in_dim3A_251 {strides = array<i32>} : memref<6272xf32, #tpu.memory_space<vmem>>, vector<16xf32>,
    %swap3A_576 = arith.constant 2592 : index
    %swap3A_577 = tpu.vector_load %arg9[%swap3A_576] {strides = array<i32>} : memref<6272xf32, #tpu.memory_space<vmem>>, vector<16xf32>,
    tpu.vector_store %arg9[%swap3A_576], %broadcast_in_dim3A_251 {strides = array<i32>} : memref<6272xf32, #tpu.memory_space<vmem>>, vector<16xf32>,
    %swap3A_578 = arith.constant 2608 : index
    %swap3A_579 = tpu.vector_load %arg9[%swap3A_578] {strides = array<i32>} : memref<6272xf32, #tpu.memory_space<vmem>>, vector<16xf32>,
    tpu.vector_store %arg9[%swap3A_578], %broadcast_in_dim3A_251 {strides = array<i32>} : memref<6272xf32, #tpu.memory_space<vmem>>, vector<16xf32>,
    %swap3A_580 = arith.constant 2624 : index
    %swap3A_581 = tpu.vector_load %arg9[%swap3A_580] {strides = array<i32>} : memref<6272xf32, #tpu.memory_space<vmem>>, vector<16xf32>,
    tpu.vector_store %arg9[%swap3A_580], %broadcast_in_dim3A_251 {strides = array<i32>} : memref<6272xf32, #tpu.memory_space<vmem>>, vector<16xf32>,
    %swap3A_582 = arith.constant 2640 : index
    %swap3A_583 = tpu.vector_load %arg9[%swap3A_582] {strides = array<i32>} : memref<6272xf32, #tpu.memory_space<vmem>>, vector<16xf32>,
    tpu.vector_store %arg9[%swap3A_582], %broadcast_in_dim3A_251 {strides = array<i32>} : memref<6272xf32, #tpu.memory_space<vmem>>, vector<16xf32>,
    %swap3A_584 = arith.constant 2656 : index
    %swap3A_585 = tpu.vector_load %arg9[%swap3A_584] {strides = array<i32>} : memref<6272xf32, #tpu.memory_space<vmem>>, vector<16xf32>,
    tpu.vector_store %arg9[%swap3A_584], %broadcast_in_dim3A_251 {strides = array<i32>} : memref<6272xf32, #tpu.memory_space<vmem>>, vector<16xf32>,
    %swap3A_586 = arith.constant 2672 : index
    %swap3A_587 = tpu.vector_load %arg9[%swap3A_586] {strides = array<i32>} : memref<6272xf32, #tpu.memory_space<vmem>>, vector<16xf32>,
    tpu.vector_store %arg9[%swap3A_586], %broadcast_in_dim3A_251 {strides = array<i32>} : memref<6272xf32, #tpu.memory_space<vmem>>, vector<16xf32>,
    %swap3A_588 = arith.constant 2688 : index
    %swap3A_589 = tpu.vector_load %arg9[%swap3A_588] {strides = array<i32>} : memref<6272xf32, #tpu.memory_space<vmem>>, vector<16xf32>,
    tpu.vector_store %arg9[%swap3A_588], %broadcast_in_dim3A_251 {strides = array<i32>} : memref<6272xf32, #tpu.memory_space<vmem>>, vector<16xf32>,
    %swap3A_590 = arith.constant 2704 : index
    %swap3A_591 = tpu.vector_load %arg9[%swap3A_590] {strides = array<i32>} : memref<6272xf32, #tpu.memory_space<vmem>>, vector<16xf32>,
    tpu.vector_store %arg9[%swap3A_590], %broadcast_in_dim3A_251 {strides = array<i32>} : memref<6272xf32, #tpu.memory_space<vmem>>, vector<16xf32>,
    %swap3A_592 = arith.constant 2720 : index
    %swap3A_593 = tpu.vector_load %arg9[%swap3A_592] {strides = array<i32>} : memref<6272xf32, #tpu.memory_space<vmem>>, vector<16xf32>,
    tpu.vector_store %arg9[%swap3A_592], %broadcast_in_dim3A_251 {strides = array<i32>} : memref<6272xf32, #tpu.memory_space<vmem>>, vector<16xf32>,
    %swap3A_594 = arith.constant 2736 : index
    %swap3A_595 = tpu.vector_load %arg9[%swap3A_594] {strides = array<i32>} : memref<6272xf32, #tpu.memory_space<vmem>>, vector<16xf32>,
    tpu.vector_store %arg9[%swap3A_594], %broadcast_in_dim3A_251 {strides = array<i32>} : memref<6272xf32, #tpu.memory_space<vmem>>, vector<16xf32>,
    %swap3A_596 = arith.constant 2752 : index
    %swap3A_597 = tpu.vector_load %arg9[%swap3A_596] {strides = array<i32>} : memref<6272xf32, #tpu.memory_space<vmem>>, vector<16xf32>,
    tpu.vector_store %arg9[%swap3A_596], %broadcast_in_dim3A_251 {strides = array<i32>} : memref<6272xf32, #tpu.memory_space<vmem>>, vector<16xf32>,
    %swap3A_598 = arith.constant 2768 : index
    %swap3A_599 = tpu.vector_load %arg9[%swap3A_598] {strides = array<i32>} : memref<6272xf32, #tpu.memory_space<vmem>>, vector<16xf32>,
    tpu.vector_store %arg9[%swap3A_598], %broadcast_in_dim3A_251 {strides = array<i32>} : memref<6272xf32, #tpu.memory_space<vmem>>, vector<16xf32>,
    %swap3A_600 = arith.constant 2784 : index
    %swap3A_601 = tpu.vector_load %arg9[%swap3A_600] {strides = array<i32>} : memref<6272xf32, #tpu.memory_space<vmem>>, vector<16xf32>,
    tpu.vector_store %arg9[%swap3A_600], %broadcast_in_dim3A_251 {strides = array<i32>} : memref<6272xf32, #tpu.memory_space<vmem>>, vector<16xf32>,
    %swap3A_602 = arith.constant 2800 : index
    %swap3A_603 = tpu.vector_load %arg9[%swap3A_602] {strides = array<i32>} : memref<6272xf32, #tpu.memory_space<vmem>>, vector<16xf32>,
    tpu.vector_store %arg9[%swap3A_602], %broadcast_in_dim3A_251 {strides = array<i32>} : memref<6272xf32, #tpu.memory_space<vmem>>, vector<16xf32>,
    %swap3A_604 = arith.constant 2816 : index
    %swap3A_605 = tpu.vector_load %arg9[%swap3A_604] {strides = array<i32>} : memref<6272xf32, #tpu.memory_space<vmem>>, vector<16xf32>,
    tpu.vector_store %arg9[%swap3A_604], %broadcast_in_dim3A_251 {strides = array<i32>} : memref<6272xf32, #tpu.memory_space<vmem>>, vector<16xf32>,
    %swap3A_606 = arith.constant 2832 : index
    %swap3A_607 = tpu.vector_load %arg9[%swap3A_606] {strides = array<i32>} : memref<6272xf32, #tpu.memory_space<vmem>>, vector<16xf32>,
    tpu.vector_store %arg9[%swap3A_606], %broadcast_in_dim3A_251 {strides = array<i32>} : memref<6272xf32, #tpu.memory_space<vmem>>, vector<16xf32>,
    %swap3A_608 = arith.constant 2848 : index
    %swap3A_609 = tpu.vector_load %arg9[%swap3A_608] {strides = array<i32>} : memref<6272xf32, #tpu.memory_space<vmem>>, vector<16xf32>,
    tpu.vector_store %arg9[%swap3A_608], %broadcast_in_dim3A_251 {strides = array<i32>} : memref<6272xf32, #tpu.memory_space<vmem>>, vector<16xf32>,
    %swap3A_610 = arith.constant 2864 : index
    %swap3A_611 = tpu.vector_load %arg9[%swap3A_610] {strides = array<i32>} : memref<6272xf32, #tpu.memory_space<vmem>>, vector<16xf32>,
    tpu.vector_store %arg9[%swap3A_610], %broadcast_in_dim3A_251 {strides = array<i32>} : memref<6272xf32, #tpu.memory_space<vmem>>, vector<16xf32>,
    %swap3A_612 = arith.constant 2880 : index
    %swap3A_613 = tpu.vector_load %arg9[%swap3A_612] {strides = array<i32>} : memref<6272xf32, #tpu.memory_space<vmem>>, vector<16xf32>,
    tpu.vector_store %arg9[%swap3A_612], %broadcast_in_dim3A_251 {strides = array<i32>} : memref<6272xf32, #tpu.memory_space<vmem>>, vector<16xf32>,
    %swap3A_614 = arith.constant 2896 : index
    %swap3A_615 = tpu.vector_load %arg9[%swap3A_614] {strides = array<i32>} : memref<6272xf32, #tpu.memory_space<vmem>>, vector<16xf32>,
    tpu.vector_store %arg9[%swap3A_614], %broadcast_in_dim3A_251 {strides = array<i32>} : memref<6272xf32, #tpu.memory_space<vmem>>, vector<16xf32>,
    %swap3A_616 = arith.constant 2912 : index
    %swap3A_617 = tpu.vector_load %arg9[%swap3A_616] {strides = array<i32>} : memref<6272xf32, #tpu.memory_space<vmem>>, vector<16xf32>,
    tpu.vector_store %arg9[%swap3A_616], %broadcast_in_dim3A_251 {strides = array<i32>} : memref<6272xf32, #tpu.memory_space<vmem>>, vector<16xf32>,
    %swap3A_618 = arith.constant 2928 : index
    %swap3A_619 = tpu.vector_load %arg9[%swap3A_618] {strides = array<i32>} : memref<6272xf32, #tpu.memory_space<vmem>>, vector<16xf32>,
    tpu.vector_store %arg9[%swap3A_618], %broadcast_in_dim3A_251 {strides = array<i32>} : memref<6272xf32, #tpu.memory_space<vmem>>, vector<16xf32>,
    %swap3A_620 = arith.constant 2944 : index
    %swap3A_621 = tpu.vector_load %arg9[%swap3A_620] {strides = array<i32>} : memref<6272xf32, #tpu.memory_space<vmem>>, vector<16xf32>,
    tpu.vector_store %arg9[%swap3A_620], %broadcast_in_dim3A_251 {strides = array<i32>} : memref<6272xf32, #tpu.memory_space<vmem>>, vector<16xf32>,
    %swap3A_622 = arith.constant 2960 : index
    %swap3A_623 = tpu.vector_load %arg9[%swap3A_622] {strides = array<i32>} : memref<6272xf32, #tpu.memory_space<vmem>>, vector<16xf32>,
    tpu.vector_store %arg9[%swap3A_622], %broadcast_in_dim3A_251 {strides = array<i32>} : memref<6272xf32, #tpu.memory_space<vmem>>, vector<16xf32>,
    %swap3A_624 = arith.constant 2976 : index
    %swap3A_625 = tpu.vector_load %arg9[%swap3A_624] {strides = array<i32>} : memref<6272xf32, #tpu.memory_space<vmem>>, vector<16xf32>,
    tpu.vector_store %arg9[%swap3A_624], %broadcast_in_dim3A_251 {strides = array<i32>} : memref<6272xf32, #tpu.memory_space<vmem>>, vector<16xf32>,
    %swap3A_626 = arith.constant 2992 : index
    %swap3A_627 = tpu.vector_load %arg9[%swap3A_626] {strides = array<i32>} : memref<6272xf32, #tpu.memory_space<vmem>>, vector<16xf32>,
    tpu.vector_store %arg9[%swap3A_626], %broadcast_in_dim3A_251 {strides = array<i32>} : memref<6272xf32, #tpu.memory_space<vmem>>, vector<16xf32>,
    %swap3A_628 = arith.constant 3008 : index
    %swap3A_629 = tpu.vector_load %arg9[%swap3A_628] {strides = array<i32>} : memref<6272xf32, #tpu.memory_space<vmem>>, vector<16xf32>,
    tpu.vector_store %arg9[%swap3A_628], %broadcast_in_dim3A_251 {strides = array<i32>} : memref<6272xf32, #tpu.memory_space<vmem>>, vector<16xf32>,
    %swap3A_630 = arith.constant 3024 : index
    %swap3A_631 = tpu.vector_load %arg9[%swap3A_630] {strides = array<i32>} : memref<6272xf32, #tpu.memory_space<vmem>>, vector<16xf32>,
    tpu.vector_store %arg9[%swap3A_630], %broadcast_in_dim3A_251 {strides = array<i32>} : memref<6272xf32, #tpu.memory_space<vmem>>, vector<16xf32>,
    %swap3A_632 = arith.constant 3040 : index
    %swap3A_633 = tpu.vector_load %arg9[%swap3A_632] {strides = array<i32>} : memref<6272xf32, #tpu.memory_space<vmem>>, vector<16xf32>,
    tpu.vector_store %arg9[%swap3A_632], %broadcast_in_dim3A_251 {strides = array<i32>} : memref<6272xf32, #tpu.memory_space<vmem>>, vector<16xf32>,
    %swap3A_634 = arith.constant 3056 : index
    %swap3A_635 = tpu.vector_load %arg9[%swap3A_634] {strides = array<i32>} : memref<6272xf32, #tpu.memory_space<vmem>>, vector<16xf32>,
    tpu.vector_store %arg9[%swap3A_634], %broadcast_in_dim3A_251 {strides = array<i32>} : memref<6272xf32, #tpu.memory_space<vmem>>, vector<16xf32>,
    %swap3A_636 = arith.constant 3072 : index
    %swap3A_637 = tpu.vector_load %arg9[%swap3A_636] {strides = array<i32>} : memref<6272xf32, #tpu.memory_space<vmem>>, vector<16xf32>,
    tpu.vector_store %arg9[%swap3A_636], %broadcast_in_dim3A_251 {strides = array<i32>} : memref<6272xf32, #tpu.memory_space<vmem>>, vector<16xf32>,
    %swap3A_638 = arith.constant 3088 : index
    %swap3A_639 = tpu.vector_load %arg9[%swap3A_638] {strides = array<i32>} : memref<6272xf32, #tpu.memory_space<vmem>>, vector<16xf32>,
    tpu.vector_store %arg9[%swap3A_638], %broadcast_in_dim3A_251 {strides = array<i32>} : memref<6272xf32, #tpu.memory_space<vmem>>, vector<16xf32>,
    %swap3A_640 = arith.constant 3104 : index
    %swap3A_641 = tpu.vector_load %arg9[%swap3A_640] {strides = array<i32>} : memref<6272xf32, #tpu.memory_space<vmem>>, vector<16xf32>,
    tpu.vector_store %arg9[%swap3A_640], %broadcast_in_dim3A_251 {strides = array<i32>} : memref<6272xf32, #tpu.memory_space<vmem>>, vector<16xf32>,
    %swap3A_642 = arith.constant 3120 : index
    %swap3A_643 = tpu.vector_load %arg9[%swap3A_642] {strides = array<i32>} : memref<6272xf32, #tpu.memory_space<vmem>>, vector<16xf32>,
    tpu.vector_store %arg9[%swap3A_642], %broadcast_in_dim3A_251 {strides = array<i32>} : memref<6272xf32, #tpu.memory_space<vmem>>, vector<16xf32>,
    %swap3A_644 = arith.constant 3136 : index
    %swap3A_645 = tpu.vector_load %arg9[%swap3A_644] {strides = array<i32>} : memref<6272xf32, #tpu.memory_space<vmem>>, vector<16xf32>,
    tpu.vector_store %arg9[%swap3A_644], %broadcast_in_dim3A_251 {strides = array<i32>} : memref<6272xf32, #tpu.memory_space<vmem>>, vector<16xf32>,
    %swap3A_646 = arith.constant 3152 : index
    %swap3A_647 = tpu.vector_load %arg9[%swap3A_646] {strides = array<i32>} : memref<6272xf32, #tpu.memory_space<vmem>>, vector<16xf32>,
    tpu.vector_store %arg9[%swap3A_646], %broadcast_in_dim3A_251 {strides = array<i32>} : memref<6272xf32, #tpu.memory_space<vmem>>, vector<16xf32>,
    %swap3A_648 = arith.constant 3168 : index
    %swap3A_649 = tpu.vector_load %arg9[%swap3A_648] {strides = array<i32>} : memref<6272xf32, #tpu.memory_space<vmem>>, vector<16xf32>,
    tpu.vector_store %arg9[%swap3A_648], %broadcast_in_dim3A_251 {strides = array<i32>} : memref<6272xf32, #tpu.memory_space<vmem>>, vector<16xf32>,
    %swap3A_650 = arith.constant 3184 : index
    %swap3A_651 = tpu.vector_load %arg9[%swap3A_650] {strides = array<i32>} : memref<6272xf32, #tpu.memory_space<vmem>>, vector<16xf32>,
    tpu.vector_store %arg9[%swap3A_650], %broadcast_in_dim3A_251 {strides = array<i32>} : memref<6272xf32, #tpu.memory_space<vmem>>, vector<16xf32>,
    %swap3A_652 = arith.constant 3200 : index
    %swap3A_653 = tpu.vector_load %arg9[%swap3A_652] {strides = array<i32>} : memref<6272xf32, #tpu.memory_space<vmem>>, vector<16xf32>,
    tpu.vector_store %arg9[%swap3A_652], %broadcast_in_dim3A_251 {strides = array<i32>} : memref<6272xf32, #tpu.memory_space<vmem>>, vector<16xf32>,
    %swap3A_654 = arith.constant 3216 : index
    %swap3A_655 = tpu.vector_load %arg9[%swap3A_654] {strides = array<i32>} : memref<6272xf32, #tpu.memory_space<vmem>>, vector<16xf32>,
    tpu.vector_store %arg9[%swap3A_654], %broadcast_in_dim3A_251 {strides = array<i32>} : memref<6272xf32, #tpu.memory_space<vmem>>, vector<16xf32>,
    %swap3A_656 = arith.constant 3232 : index
    %swap3A_657 = tpu.vector_load %arg9[%swap3A_656] {strides = array<i32>} : memref<6272xf32, #tpu.memory_space<vmem>>, vector<16xf32>,
    tpu.vector_store %arg9[%swap3A_656], %broadcast_in_dim3A_251 {strides = array<i32>} : memref<6272xf32, #tpu.memory_space<vmem>>, vector<16xf32>,
    %swap3A_658 = arith.constant 3248 : index
    %swap3A_659 = tpu.vector_load %arg9[%swap3A_658] {strides = array<i32>} : memref<6272xf32, #tpu.memory_space<vmem>>, vector<16xf32>,
    tpu.vector_store %arg9[%swap3A_658], %broadcast_in_dim3A_251 {strides = array<i32>} : memref<6272xf32, #tpu.memory_space<vmem>>, vector<16xf32>,
    %swap3A_660 = arith.constant 3264 : index
    %swap3A_661 = tpu.vector_load %arg9[%swap3A_660] {strides = array<i32>} : memref<6272xf32, #tpu.memory_space<vmem>>, vector<16xf32>,
    tpu.vector_store %arg9[%swap3A_660], %broadcast_in_dim3A_251 {strides = array<i32>} : memref<6272xf32, #tpu.memory_space<vmem>>, vector<16xf32>,
    %swap3A_662 = arith.constant 3280 : index
    %swap3A_663 = tpu.vector_load %arg9[%swap3A_662] {strides = array<i32>} : memref<6272xf32, #tpu.memory_space<vmem>>, vector<16xf32>,
    tpu.vector_store %arg9[%swap3A_662], %broadcast_in_dim3A_251 {strides = array<i32>} : memref<6272xf32, #tpu.memory_space<vmem>>, vector<16xf32>,
    %swap3A_664 = arith.constant 3296 : index
    %swap3A_665 = tpu.vector_load %arg9[%swap3A_664] {strides = array<i32>} : memref<6272xf32, #tpu.memory_space<vmem>>, vector<16xf32>,
    tpu.vector_store %arg9[%swap3A_664], %broadcast_in_dim3A_251 {strides = array<i32>} : memref<6272xf32, #tpu.memory_space<vmem>>, vector<16xf32>,
    %swap3A_666 = arith.constant 3312 : index
    %swap3A_667 = tpu.vector_load %arg9[%swap3A_666] {strides = array<i32>} : memref<6272xf32, #tpu.memory_space<vmem>>, vector<16xf32>,
    tpu.vector_store %arg9[%swap3A_666], %broadcast_in_dim3A_251 {strides = array<i32>} : memref<6272xf32, #tpu.memory_space<vmem>>, vector<16xf32>,
    %swap3A_668 = arith.constant 3328 : index
    %swap3A_669 = tpu.vector_load %arg9[%swap3A_668] {strides = array<i32>} : memref<6272xf32, #tpu.memory_space<vmem>>, vector<16xf32>,
    tpu.vector_store %arg9[%swap3A_668], %broadcast_in_dim3A_251 {strides = array<i32>} : memref<6272xf32, #tpu.memory_space<vmem>>, vector<16xf32>,
    %swap3A_670 = arith.constant 3344 : index
    %swap3A_671 = tpu.vector_load %arg9[%swap3A_670] {strides = array<i32>} : memref<6272xf32, #tpu.memory_space<vmem>>, vector<16xf32>,
    tpu.vector_store %arg9[%swap3A_670], %broadcast_in_dim3A_251 {strides = array<i32>} : memref<6272xf32, #tpu.memory_space<vmem>>, vector<16xf32>,
    %swap3A_672 = arith.constant 3360 : index
    %swap3A_673 = tpu.vector_load %arg9[%swap3A_672] {strides = array<i32>} : memref<6272xf32, #tpu.memory_space<vmem>>, vector<16xf32>,
    tpu.vector_store %arg9[%swap3A_672], %broadcast_in_dim3A_251 {strides = array<i32>} : memref<6272xf32, #tpu.memory_space<vmem>>, vector<16xf32>,
    %swap3A_674 = arith.constant 3376 : index
    %swap3A_675 = tpu.vector_load %arg9[%swap3A_674] {strides = array<i32>} : memref<6272xf32, #tpu.memory_space<vmem>>, vector<16xf32>,
    tpu.vector_store %arg9[%swap3A_674], %broadcast_in_dim3A_251 {strides = array<i32>} : memref<6272xf32, #tpu.memory_space<vmem>>, vector<16xf32>,
    %swap3A_676 = arith.constant 3392 : index
    %swap3A_677 = tpu.vector_load %arg9[%swap3A_676] {strides = array<i32>} : memref<6272xf32, #tpu.memory_space<vmem>>, vector<16xf32>,
    tpu.vector_store %arg9[%swap3A_676], %broadcast_in_dim3A_251 {strides = array<i32>} : memref<6272xf32, #tpu.memory_space<vmem>>, vector<16xf32>,
    %swap3A_678 = arith.constant 3408 : index
    %swap3A_679 = tpu.vector_load %arg9[%swap3A_678] {strides = array<i32>} : memref<6272xf32, #tpu.memory_space<vmem>>, vector<16xf32>,
    tpu.vector_store %arg9[%swap3A_678], %broadcast_in_dim3A_251 {strides = array<i32>} : memref<6272xf32, #tpu.memory_space<vmem>>, vector<16xf32>,
    %swap3A_680 = arith.constant 3424 : index
    %swap3A_681 = tpu.vector_load %arg9[%swap3A_680] {strides = array<i32>} : memref<6272xf32, #tpu.memory_space<vmem>>, vector<16xf32>,
    tpu.vector_store %arg9[%swap3A_680], %broadcast_in_dim3A_251 {strides = array<i32>} : memref<6272xf32, #tpu.memory_space<vmem>>, vector<16xf32>,
    %swap3A_682 = arith.constant 3440 : index
    %swap3A_683 = tpu.vector_load %arg9[%swap3A_682] {strides = array<i32>} : memref<6272xf32, #tpu.memory_space<vmem>>, vector<16xf32>,
    tpu.vector_store %arg9[%swap3A_682], %broadcast_in_dim3A_251 {strides = array<i32>} : memref<6272xf32, #tpu.memory_space<vmem>>, vector<16xf32>,
    %swap3A_684 = arith.constant 3456 : index
    %swap3A_685 = tpu.vector_load %arg9[%swap3A_684] {strides = array<i32>} : memref<6272xf32, #tpu.memory_space<vmem>>, vector<16xf32>,
    tpu.vector_store %arg9[%swap3A_684], %broadcast_in_dim3A_251 {strides = array<i32>} : memref<6272xf32, #tpu.memory_space<vmem>>, vector<16xf32>,
    %swap3A_686 = arith.constant 3472 : index
    %swap3A_687 = tpu.vector_load %arg9[%swap3A_686] {strides = array<i32>} : memref<6272xf32, #tpu.memory_space<vmem>>, vector<16xf32>,
    tpu.vector_store %arg9[%swap3A_686], %broadcast_in_dim3A_251 {strides = array<i32>} : memref<6272xf32, #tpu.memory_space<vmem>>, vector<16xf32>,
    %swap3A_688 = arith.constant 3488 : index
    %swap3A_689 = tpu.vector_load %arg9[%swap3A_688] {strides = array<i32>} : memref<6272xf32, #tpu.memory_space<vmem>>, vector<16xf32>,
    tpu.vector_store %arg9[%swap3A_688], %broadcast_in_dim3A_251 {strides = array<i32>} : memref<6272xf32, #tpu.memory_space<vmem>>, vector<16xf32>,
    %swap3A_690 = arith.constant 3504 : index
    %swap3A_691 = tpu.vector_load %arg9[%swap3A_690] {strides = array<i32>} : memref<6272xf32, #tpu.memory_space<vmem>>, vector<16xf32>,
    tpu.vector_store %arg9[%swap3A_690], %broadcast_in_dim3A_251 {strides = array<i32>} : memref<6272xf32, #tpu.memory_space<vmem>>, vector<16xf32>,
    %swap3A_692 = arith.constant 3520 : index
    %swap3A_693 = tpu.vector_load %arg9[%swap3A_692] {strides = array<i32>} : memref<6272xf32, #tpu.memory_space<vmem>>, vector<16xf32>,
    tpu.vector_store %arg9[%swap3A_692], %broadcast_in_dim3A_251 {strides = array<i32>} : memref<6272xf32, #tpu.memory_space<vmem>>, vector<16xf32>,
    %swap3A_694 = arith.constant 3536 : index
    %swap3A_695 = tpu.vector_load %arg9[%swap3A_694] {strides = array<i32>} : memref<6272xf32, #tpu.memory_space<vmem>>, vector<16xf32>,
    tpu.vector_store %arg9[%swap3A_694], %broadcast_in_dim3A_251 {strides = array<i32>} : memref<6272xf32, #tpu.memory_space<vmem>>, vector<16xf32>,
    %swap3A_696 = arith.constant 3552 : index
    %swap3A_697 = tpu.vector_load %arg9[%swap3A_696] {strides = array<i32>} : memref<6272xf32, #tpu.memory_space<vmem>>, vector<16xf32>,
    tpu.vector_store %arg9[%swap3A_696], %broadcast_in_dim3A_251 {strides = array<i32>} : memref<6272xf32, #tpu.memory_space<vmem>>, vector<16xf32>,
    %swap3A_698 = arith.constant 3568 : index
    %swap3A_699 = tpu.vector_load %arg9[%swap3A_698] {strides = array<i32>} : memref<6272xf32, #tpu.memory_space<vmem>>, vector<16xf32>,
    tpu.vector_store %arg9[%swap3A_698], %broadcast_in_dim3A_251 {strides = array<i32>} : memref<6272xf32, #tpu.memory_space<vmem>>, vector<16xf32>,
    %swap3A_700 = arith.constant 3584 : index
    %swap3A_701 = tpu.vector_load %arg9[%swap3A_700] {strides = array<i32>} : memref<6272xf32, #tpu.memory_space<vmem>>, vector<16xf32>,
    tpu.vector_store %arg9[%swap3A_700], %broadcast_in_dim3A_251 {strides = array<i32>} : memref<6272xf32, #tpu.memory_space<vmem>>, vector<16xf32>,
    %swap3A_702 = arith.constant 3600 : index
    %swap3A_703 = tpu.vector_load %arg9[%swap3A_702] {strides = array<i32>} : memref<6272xf32, #tpu.memory_space<vmem>>, vector<16xf32>,
    tpu.vector_store %arg9[%swap3A_702], %broadcast_in_dim3A_251 {strides = array<i32>} : memref<6272xf32, #tpu.memory_space<vmem>>, vector<16xf32>,
    %swap3A_704 = arith.constant 3616 : index
    %swap3A_705 = tpu.vector_load %arg9[%swap3A_704] {strides = array<i32>} : memref<6272xf32, #tpu.memory_space<vmem>>, vector<16xf32>,
    tpu.vector_store %arg9[%swap3A_704], %broadcast_in_dim3A_251 {strides = array<i32>} : memref<6272xf32, #tpu.memory_space<vmem>>, vector<16xf32>,
    %swap3A_706 = arith.constant 3632 : index
    %swap3A_707 = tpu.vector_load %arg9[%swap3A_706] {strides = array<i32>} : memref<6272xf32, #tpu.memory_space<vmem>>, vector<16xf32>,
    tpu.vector_store %arg9[%swap3A_706], %broadcast_in_dim3A_251 {strides = array<i32>} : memref<6272xf32, #tpu.memory_space<vmem>>, vector<16xf32>,
    %swap3A_708 = arith.constant 3648 : index
    %swap3A_709 = tpu.vector_load %arg9[%swap3A_708] {strides = array<i32>} : memref<6272xf32, #tpu.memory_space<vmem>>, vector<16xf32>,
    tpu.vector_store %arg9[%swap3A_708], %broadcast_in_dim3A_251 {strides = array<i32>} : memref<6272xf32, #tpu.memory_space<vmem>>, vector<16xf32>,
    %swap3A_710 = arith.constant 3664 : index
    %swap3A_711 = tpu.vector_load %arg9[%swap3A_710] {strides = array<i32>} : memref<6272xf32, #tpu.memory_space<vmem>>, vector<16xf32>,
    tpu.vector_store %arg9[%swap3A_710], %broadcast_in_dim3A_251 {strides = array<i32>} : memref<6272xf32, #tpu.memory_space<vmem>>, vector<16xf32>,
    %swap3A_712 = arith.constant 3680 : index
    %swap3A_713 = tpu.vector_load %arg9[%swap3A_712] {strides = array<i32>} : memref<6272xf32, #tpu.memory_space<vmem>>, vector<16xf32>,
    tpu.vector_store %arg9[%swap3A_712], %broadcast_in_dim3A_251 {strides = array<i32>} : memref<6272xf32, #tpu.memory_space<vmem>>, vector<16xf32>,
    %swap3A_714 = arith.constant 3696 : index
    %swap3A_715 = tpu.vector_load %arg9[%swap3A_714] {strides = array<i32>} : memref<6272xf32, #tpu.memory_space<vmem>>, vector<16xf32>,
    tpu.vector_store %arg9[%swap3A_714], %broadcast_in_dim3A_251 {strides = array<i32>} : memref<6272xf32, #tpu.memory_space<vmem>>, vector<16xf32>,
    %swap3A_716 = arith.constant 3712 : index
    %swap3A_717 = tpu.vector_load %arg9[%swap3A_716] {strides = array<i32>} : memref<6272xf32, #tpu.memory_space<vmem>>, vector<16xf32>,
    tpu.vector_store %arg9[%swap3A_716], %broadcast_in_dim3A_251 {strides = array<i32>} : memref<6272xf32, #tpu.memory_space<vmem>>, vector<16xf32>,
    %swap3A_718 = arith.constant 3728 : index
    %swap3A_719 = tpu.vector_load %arg9[%swap3A_718] {strides = array<i32>} : memref<6272xf32, #tpu.memory_space<vmem>>, vector<16xf32>,
    tpu.vector_store %arg9[%swap3A_718], %broadcast_in_dim3A_251 {strides = array<i32>} : memref<6272xf32, #tpu.memory_space<vmem>>, vector<16xf32>,
    %swap3A_720 = arith.constant 3744 : index
    %swap3A_721 = tpu.vector_load %arg9[%swap3A_720] {strides = array<i32>} : memref<6272xf32, #tpu.memory_space<vmem>>, vector<16xf32>,
    tpu.vector_store %arg9[%swap3A_720], %broadcast_in_dim3A_251 {strides = array<i32>} : memref<6272xf32, #tpu.memory_space<vmem>>, vector<16xf32>,
    %swap3A_722 = arith.constant 3760 : index
    %swap3A_723 = tpu.vector_load %arg9[%swap3A_722] {strides = array<i32>} : memref<6272xf32, #tpu.memory_space<vmem>>, vector<16xf32>,
    tpu.vector_store %arg9[%swap3A_722], %broadcast_in_dim3A_251 {strides = array<i32>} : memref<6272xf32, #tpu.memory_space<vmem>>, vector<16xf32>,
    %swap3A_724 = arith.constant 3776 : index
    %swap3A_725 = tpu.vector_load %arg9[%swap3A_724] {strides = array<i32>} : memref<6272xf32, #tpu.memory_space<vmem>>, vector<16xf32>,
    tpu.vector_store %arg9[%swap3A_724], %broadcast_in_dim3A_251 {strides = array<i32>} : memref<6272xf32, #tpu.memory_space<vmem>>, vector<16xf32>,
    %swap3A_726 = arith.constant 3792 : index
    %swap3A_727 = tpu.vector_load %arg9[%swap3A_726] {strides = array<i32>} : memref<6272xf32, #tpu.memory_space<vmem>>, vector<16xf32>,
    tpu.vector_store %arg9[%swap3A_726], %broadcast_in_dim3A_251 {strides = array<i32>} : memref<6272xf32, #tpu.memory_space<vmem>>, vector<16xf32>,
    %swap3A_728 = arith.constant 3808 : index
    %swap3A_729 = tpu.vector_load %arg9[%swap3A_728] {strides = array<i32>} : memref<6272xf32, #tpu.memory_space<vmem>>, vector<16xf32>,
    tpu.vector_store %arg9[%swap3A_728], %broadcast_in_dim3A_251 {strides = array<i32>} : memref<6272xf32, #tpu.memory_space<vmem>>, vector<16xf32>,
    %swap3A_730 = arith.constant 3824 : index
    %swap3A_731 = tpu.vector_load %arg9[%swap3A_730] {strides = array<i32>} : memref<6272xf32, #tpu.memory_space<vmem>>, vector<16xf32>,
    tpu.vector_store %arg9[%swap3A_730], %broadcast_in_dim3A_251 {strides = array<i32>} : memref<6272xf32, #tpu.memory_space<vmem>>, vector<16xf32>,
    %swap3A_732 = arith.constant 3840 : index
    %swap3A_733 = tpu.vector_load %arg9[%swap3A_732] {strides = array<i32>} : memref<6272xf32, #tpu.memory_space<vmem>>, vector<16xf32>,
    tpu.vector_store %arg9[%swap3A_732], %broadcast_in_dim3A_251 {strides = array<i32>} : memref<6272xf32, #tpu.memory_space<vmem>>, vector<16xf32>,
    %swap3A_734 = arith.constant 3856 : index
    %swap3A_735 = tpu.vector_load %arg9[%swap3A_734] {strides = array<i32>} : memref<6272xf32, #tpu.memory_space<vmem>>, vector<16xf32>,
    tpu.vector_store %arg9[%swap3A_734], %broadcast_in_dim3A_251 {strides = array<i32>} : memref<6272xf32, #tpu.memory_space<vmem>>, vector<16xf32>,
    %swap3A_736 = arith.constant 3872 : index
    %swap3A_737 = tpu.vector_load %arg9[%swap3A_736] {strides = array<i32>} : memref<6272xf32, #tpu.memory_space<vmem>>, vector<16xf32>,
    tpu.vector_store %arg9[%swap3A_736], %broadcast_in_dim3A_251 {strides = array<i32>} : memref<6272xf32, #tpu.memory_space<vmem>>, vector<16xf32>,
    %swap3A_738 = arith.constant 3888 : index
    %swap3A_739 = tpu.vector_load %arg9[%swap3A_738] {strides = array<i32>} : memref<6272xf32, #tpu.memory_space<vmem>>, vector<16xf32>,
    tpu.vector_store %arg9[%swap3A_738], %broadcast_in_dim3A_251 {strides = array<i32>} : memref<6272xf32, #tpu.memory_space<vmem>>, vector<16xf32>,
    %swap3A_740 = arith.constant 3904 : index
    %swap3A_741 = tpu.vector_load %arg9[%swap3A_740] {strides = array<i32>} : memref<6272xf32, #tpu.memory_space<vmem>>, vector<16xf32>,
    tpu.vector_store %arg9[%swap3A_740], %broadcast_in_dim3A_251 {strides = array<i32>} : memref<6272xf32, #tpu.memory_space<vmem>>, vector<16xf32>,
    %swap3A_742 = arith.constant 3920 : index
    %swap3A_743 = tpu.vector_load %arg9[%swap3A_742] {strides = array<i32>} : memref<6272xf32, #tpu.memory_space<vmem>>, vector<16xf32>,
    tpu.vector_store %arg9[%swap3A_742], %broadcast_in_dim3A_251 {strides = array<i32>} : memref<6272xf32, #tpu.memory_space<vmem>>, vector<16xf32>,
    %swap3A_744 = arith.constant 3936 : index
    %swap3A_745 = tpu.vector_load %arg9[%swap3A_744] {strides = array<i32>} : memref<6272xf32, #tpu.memory_space<vmem>>, vector<16xf32>,
    tpu.vector_store %arg9[%swap3A_744], %broadcast_in_dim3A_251 {strides = array<i32>} : memref<6272xf32, #tpu.memory_space<vmem>>, vector<16xf32>,
    %swap3A_746 = arith.constant 3952 : index
    %swap3A_747 = tpu.vector_load %arg9[%swap3A_746] {strides = array<i32>} : memref<6272xf32, #tpu.memory_space<vmem>>, vector<16xf32>,
    tpu.vector_store %arg9[%swap3A_746], %broadcast_in_dim3A_251 {strides = array<i32>} : memref<6272xf32, #tpu.memory_space<vmem>>, vector<16xf32>,
    %swap3A_748 = arith.constant 3968 : index
    %swap3A_749 = tpu.vector_load %arg9[%swap3A_748] {strides = array<i32>} : memref<6272xf32, #tpu.memory_space<vmem>>, vector<16xf32>,
    tpu.vector_store %arg9[%swap3A_748], %broadcast_in_dim3A_251 {strides = array<i32>} : memref<6272xf32, #tpu.memory_space<vmem>>, vector<16xf32>,
    %swap3A_750 = arith.constant 3984 : index
    %swap3A_751 = tpu.vector_load %arg9[%swap3A_750] {strides = array<i32>} : memref<6272xf32, #tpu.memory_space<vmem>>, vector<16xf32>,
    tpu.vector_store %arg9[%swap3A_750], %broadcast_in_dim3A_251 {strides = array<i32>} : memref<6272xf32, #tpu.memory_space<vmem>>, vector<16xf32>,
    %swap3A_752 = arith.constant 4000 : index
    %swap3A_753 = tpu.vector_load %arg9[%swap3A_752] {strides = array<i32>} : memref<6272xf32, #tpu.memory_space<vmem>>, vector<16xf32>,
    tpu.vector_store %arg9[%swap3A_752], %broadcast_in_dim3A_251 {strides = array<i32>} : memref<6272xf32, #tpu.memory_space<vmem>>, vector<16xf32>,
    %swap3A_754 = arith.constant 4016 : index
    %swap3A_755 = tpu.vector_load %arg9[%swap3A_754] {strides = array<i32>} : memref<6272xf32, #tpu.memory_space<vmem>>, vector<16xf32>,
    tpu.vector_store %arg9[%swap3A_754], %broadcast_in_dim3A_251 {strides = array<i32>} : memref<6272xf32, #tpu.memory_space<vmem>>, vector<16xf32>,
    %swap3A_756 = arith.constant 4032 : index
    %swap3A_757 = tpu.vector_load %arg9[%swap3A_756] {strides = array<i32>} : memref<6272xf32, #tpu.memory_space<vmem>>, vector<16xf32>,
    tpu.vector_store %arg9[%swap3A_756], %broadcast_in_dim3A_251 {strides = array<i32>} : memref<6272xf32, #tpu.memory_space<vmem>>, vector<16xf32>,
    %swap3A_758 = arith.constant 4048 : index
    %swap3A_759 = tpu.vector_load %arg9[%swap3A_758] {strides = array<i32>} : memref<6272xf32, #tpu.memory_space<vmem>>, vector<16xf32>,
    tpu.vector_store %arg9[%swap3A_758], %broadcast_in_dim3A_251 {strides = array<i32>} : memref<6272xf32, #tpu.memory_space<vmem>>, vector<16xf32>,
    %swap3A_760 = arith.constant 4064 : index
    %swap3A_761 = tpu.vector_load %arg9[%swap3A_760] {strides = array<i32>} : memref<6272xf32, #tpu.memory_space<vmem>>, vector<16xf32>,
    tpu.vector_store %arg9[%swap3A_760], %broadcast_in_dim3A_251 {strides = array<i32>} : memref<6272xf32, #tpu.memory_space<vmem>>, vector<16xf32>,
    %swap3A_762 = arith.constant 4080 : index
    %swap3A_763 = tpu.vector_load %arg9[%swap3A_762] {strides = array<i32>} : memref<6272xf32, #tpu.memory_space<vmem>>, vector<16xf32>,
    tpu.vector_store %arg9[%swap3A_762], %broadcast_in_dim3A_251 {strides = array<i32>} : memref<6272xf32, #tpu.memory_space<vmem>>, vector<16xf32>,
    %swap3A_764 = arith.constant 4096 : index
    %swap3A_765 = tpu.vector_load %arg9[%swap3A_764] {strides = array<i32>} : memref<6272xf32, #tpu.memory_space<vmem>>, vector<16xf32>,
    tpu.vector_store %arg9[%swap3A_764], %broadcast_in_dim3A_251 {strides = array<i32>} : memref<6272xf32, #tpu.memory_space<vmem>>, vector<16xf32>,
    %swap3A_766 = arith.constant 4112 : index
    %swap3A_767 = tpu.vector_load %arg9[%swap3A_766] {strides = array<i32>} : memref<6272xf32, #tpu.memory_space<vmem>>, vector<16xf32>,
    tpu.vector_store %arg9[%swap3A_766], %broadcast_in_dim3A_251 {strides = array<i32>} : memref<6272xf32, #tpu.memory_space<vmem>>, vector<16xf32>,
    %swap3A_768 = arith.constant 4128 : index
    %swap3A_769 = tpu.vector_load %arg9[%swap3A_768] {strides = array<i32>} : memref<6272xf32, #tpu.memory_space<vmem>>, vector<16xf32>,
    tpu.vector_store %arg9[%swap3A_768], %broadcast_in_dim3A_251 {strides = array<i32>} : memref<6272xf32, #tpu.memory_space<vmem>>, vector<16xf32>,
    %swap3A_770 = arith.constant 4144 : index
    %swap3A_771 = tpu.vector_load %arg9[%swap3A_770] {strides = array<i32>} : memref<6272xf32, #tpu.memory_space<vmem>>, vector<16xf32>,
    tpu.vector_store %arg9[%swap3A_770], %broadcast_in_dim3A_251 {strides = array<i32>} : memref<6272xf32, #tpu.memory_space<vmem>>, vector<16xf32>,
    %swap3A_772 = arith.constant 4160 : index
    %swap3A_773 = tpu.vector_load %arg9[%swap3A_772] {strides = array<i32>} : memref<6272xf32, #tpu.memory_space<vmem>>, vector<16xf32>,
    tpu.vector_store %arg9[%swap3A_772], %broadcast_in_dim3A_251 {strides = array<i32>} : memref<6272xf32, #tpu.memory_space<vmem>>, vector<16xf32>,
    %swap3A_774 = arith.constant 4176 : index
    %swap3A_775 = tpu.vector_load %arg9[%swap3A_774] {strides = array<i32>} : memref<6272xf32, #tpu.memory_space<vmem>>, vector<16xf32>,
    tpu.vector_store %arg9[%swap3A_774], %broadcast_in_dim3A_251 {strides = array<i32>} : memref<6272xf32, #tpu.memory_space<vmem>>, vector<16xf32>,
    %swap3A_776 = arith.constant 4192 : index
    %swap3A_777 = tpu.vector_load %arg9[%swap3A_776] {strides = array<i32>} : memref<6272xf32, #tpu.memory_space<vmem>>, vector<16xf32>,
    tpu.vector_store %arg9[%swap3A_776], %broadcast_in_dim3A_251 {strides = array<i32>} : memref<6272xf32, #tpu.memory_space<vmem>>, vector<16xf32>,
    %swap3A_778 = arith.constant 4208 : index
    %swap3A_779 = tpu.vector_load %arg9[%swap3A_778] {strides = array<i32>} : memref<6272xf32, #tpu.memory_space<vmem>>, vector<16xf32>,
    tpu.vector_store %arg9[%swap3A_778], %broadcast_in_dim3A_251 {strides = array<i32>} : memref<6272xf32, #tpu.memory_space<vmem>>, vector<16xf32>,
    %swap3A_780 = arith.constant 4224 : index
    %swap3A_781 = tpu.vector_load %arg9[%swap3A_780] {strides = array<i32>} : memref<6272xf32, #tpu.memory_space<vmem>>, vector<16xf32>,
    tpu.vector_store %arg9[%swap3A_780], %broadcast_in_dim3A_251 {strides = array<i32>} : memref<6272xf32, #tpu.memory_space<vmem>>, vector<16xf32>,
    %swap3A_782 = arith.constant 4240 : index
    %swap3A_783 = tpu.vector_load %arg9[%swap3A_782] {strides = array<i32>} : memref<6272xf32, #tpu.memory_space<vmem>>, vector<16xf32>,
    tpu.vector_store %arg9[%swap3A_782], %broadcast_in_dim3A_251 {strides = array<i32>} : memref<6272xf32, #tpu.memory_space<vmem>>, vector<16xf32>,
    %swap3A_784 = arith.constant 4256 : index
    %swap3A_785 = tpu.vector_load %arg9[%swap3A_784] {strides = array<i32>} : memref<6272xf32, #tpu.memory_space<vmem>>, vector<16xf32>,
    tpu.vector_store %arg9[%swap3A_784], %broadcast_in_dim3A_251 {strides = array<i32>} : memref<6272xf32, #tpu.memory_space<vmem>>, vector<16xf32>,
    %swap3A_786 = arith.constant 4272 : index
    %swap3A_787 = tpu.vector_load %arg9[%swap3A_786] {strides = array<i32>} : memref<6272xf32, #tpu.memory_space<vmem>>, vector<16xf32>,
    tpu.vector_store %arg9[%swap3A_786], %broadcast_in_dim3A_251 {strides = array<i32>} : memref<6272xf32, #tpu.memory_space<vmem>>, vector<16xf32>,
    %swap3A_788 = arith.constant 4288 : index
    %swap3A_789 = tpu.vector_load %arg9[%swap3A_788] {strides = array<i32>} : memref<6272xf32, #tpu.memory_space<vmem>>, vector<16xf32>,
    tpu.vector_store %arg9[%swap3A_788], %broadcast_in_dim3A_251 {strides = array<i32>} : memref<6272xf32, #tpu.memory_space<vmem>>, vector<16xf32>,
    %swap3A_790 = arith.constant 4304 : index
    %swap3A_791 = tpu.vector_load %arg9[%swap3A_790] {strides = array<i32>} : memref<6272xf32, #tpu.memory_space<vmem>>, vector<16xf32>,
    tpu.vector_store %arg9[%swap3A_790], %broadcast_in_dim3A_251 {strides = array<i32>} : memref<6272xf32, #tpu.memory_space<vmem>>, vector<16xf32>,
    %swap3A_792 = arith.constant 4320 : index
    %swap3A_793 = tpu.vector_load %arg9[%swap3A_792] {strides = array<i32>} : memref<6272xf32, #tpu.memory_space<vmem>>, vector<16xf32>,
    tpu.vector_store %arg9[%swap3A_792], %broadcast_in_dim3A_251 {strides = array<i32>} : memref<6272xf32, #tpu.memory_space<vmem>>, vector<16xf32>,
    %swap3A_794 = arith.constant 4336 : index
    %swap3A_795 = tpu.vector_load %arg9[%swap3A_794] {strides = array<i32>} : memref<6272xf32, #tpu.memory_space<vmem>>, vector<16xf32>,
    tpu.vector_store %arg9[%swap3A_794], %broadcast_in_dim3A_251 {strides = array<i32>} : memref<6272xf32, #tpu.memory_space<vmem>>, vector<16xf32>,
    %swap3A_796 = arith.constant 4352 : index
    %swap3A_797 = tpu.vector_load %arg9[%swap3A_796] {strides = array<i32>} : memref<6272xf32, #tpu.memory_space<vmem>>, vector<16xf32>,
    tpu.vector_store %arg9[%swap3A_796], %broadcast_in_dim3A_251 {strides = array<i32>} : memref<6272xf32, #tpu.memory_space<vmem>>, vector<16xf32>,
    %swap3A_798 = arith.constant 4368 : index
    %swap3A_799 = tpu.vector_load %arg9[%swap3A_798] {strides = array<i32>} : memref<6272xf32, #tpu.memory_space<vmem>>, vector<16xf32>,
    tpu.vector_store %arg9[%swap3A_798], %broadcast_in_dim3A_251 {strides = array<i32>} : memref<6272xf32, #tpu.memory_space<vmem>>, vector<16xf32>,
    %swap3A_800 = arith.constant 4384 : index
    %swap3A_801 = tpu.vector_load %arg9[%swap3A_800] {strides = array<i32>} : memref<6272xf32, #tpu.memory_space<vmem>>, vector<16xf32>,
    tpu.vector_store %arg9[%swap3A_800], %broadcast_in_dim3A_251 {strides = array<i32>} : memref<6272xf32, #tpu.memory_space<vmem>>, vector<16xf32>,
    %swap3A_802 = arith.constant 4400 : index
    %swap3A_803 = tpu.vector_load %arg9[%swap3A_802] {strides = array<i32>} : memref<6272xf32, #tpu.memory_space<vmem>>, vector<16xf32>,
    tpu.vector_store %arg9[%swap3A_802], %broadcast_in_dim3A_251 {strides = array<i32>} : memref<6272xf32, #tpu.memory_space<vmem>>, vector<16xf32>,
    %swap3A_804 = arith.constant 4416 : index
    %swap3A_805 = tpu.vector_load %arg9[%swap3A_804] {strides = array<i32>} : memref<6272xf32, #tpu.memory_space<vmem>>, vector<16xf32>,
    tpu.vector_store %arg9[%swap3A_804], %broadcast_in_dim3A_251 {strides = array<i32>} : memref<6272xf32, #tpu.memory_space<vmem>>, vector<16xf32>,
    %swap3A_806 = arith.constant 4432 : index
    %swap3A_807 = tpu.vector_load %arg9[%swap3A_806] {strides = array<i32>} : memref<6272xf32, #tpu.memory_space<vmem>>, vector<16xf32>,
    tpu.vector_store %arg9[%swap3A_806], %broadcast_in_dim3A_251 {strides = array<i32>} : memref<6272xf32, #tpu.memory_space<vmem>>, vector<16xf32>,
    %swap3A_808 = arith.constant 4448 : index
    %swap3A_809 = tpu.vector_load %arg9[%swap3A_808] {strides = array<i32>} : memref<6272xf32, #tpu.memory_space<vmem>>, vector<16xf32>,
    tpu.vector_store %arg9[%swap3A_808], %broadcast_in_dim3A_251 {strides = array<i32>} : memref<6272xf32, #tpu.memory_space<vmem>>, vector<16xf32>,
    %swap3A_810 = arith.constant 4464 : index
    %swap3A_811 = tpu.vector_load %arg9[%swap3A_810] {strides = array<i32>} : memref<6272xf32, #tpu.memory_space<vmem>>, vector<16xf32>,
    tpu.vector_store %arg9[%swap3A_810], %broadcast_in_dim3A_251 {strides = array<i32>} : memref<6272xf32, #tpu.memory_space<vmem>>, vector<16xf32>,
    %swap3A_812 = arith.constant 4480 : index
    %swap3A_813 = tpu.vector_load %arg9[%swap3A_812] {strides = array<i32>} : memref<6272xf32, #tpu.memory_space<vmem>>, vector<16xf32>,
    tpu.vector_store %arg9[%swap3A_812], %broadcast_in_dim3A_251 {strides = array<i32>} : memref<6272xf32, #tpu.memory_space<vmem>>, vector<16xf32>,
    %swap3A_814 = arith.constant 4496 : index
    %swap3A_815 = tpu.vector_load %arg9[%swap3A_814] {strides = array<i32>} : memref<6272xf32, #tpu.memory_space<vmem>>, vector<16xf32>,
    tpu.vector_store %arg9[%swap3A_814], %broadcast_in_dim3A_251 {strides = array<i32>} : memref<6272xf32, #tpu.memory_space<vmem>>, vector<16xf32>,
    %swap3A_816 = arith.constant 4512 : index
    %swap3A_817 = tpu.vector_load %arg9[%swap3A_816] {strides = array<i32>} : memref<6272xf32, #tpu.memory_space<vmem>>, vector<16xf32>,
    tpu.vector_store %arg9[%swap3A_816], %broadcast_in_dim3A_251 {strides = array<i32>} : memref<6272xf32, #tpu.memory_space<vmem>>, vector<16xf32>,
    %swap3A_818 = arith.constant 4528 : index
    %swap3A_819 = tpu.vector_load %arg9[%swap3A_818] {strides = array<i32>} : memref<6272xf32, #tpu.memory_space<vmem>>, vector<16xf32>,
    tpu.vector_store %arg9[%swap3A_818], %broadcast_in_dim3A_251 {strides = array<i32>} : memref<6272xf32, #tpu.memory_space<vmem>>, vector<16xf32>,
    %swap3A_820 = arith.constant 4544 : index
    %swap3A_821 = tpu.vector_load %arg9[%swap3A_820] {strides = array<i32>} : memref<6272xf32, #tpu.memory_space<vmem>>, vector<16xf32>,
    tpu.vector_store %arg9[%swap3A_820], %broadcast_in_dim3A_251 {strides = array<i32>} : memref<6272xf32, #tpu.memory_space<vmem>>, vector<16xf32>,
    %swap3A_822 = arith.constant 4560 : index
    %swap3A_823 = tpu.vector_load %arg9[%swap3A_822] {strides = array<i32>} : memref<6272xf32, #tpu.memory_space<vmem>>, vector<16xf32>,
    tpu.vector_store %arg9[%swap3A_822], %broadcast_in_dim3A_251 {strides = array<i32>} : memref<6272xf32, #tpu.memory_space<vmem>>, vector<16xf32>,
    %swap3A_824 = arith.constant 4576 : index
    %swap3A_825 = tpu.vector_load %arg9[%swap3A_824] {strides = array<i32>} : memref<6272xf32, #tpu.memory_space<vmem>>, vector<16xf32>,
    tpu.vector_store %arg9[%swap3A_824], %broadcast_in_dim3A_251 {strides = array<i32>} : memref<6272xf32, #tpu.memory_space<vmem>>, vector<16xf32>,
    %swap3A_826 = arith.constant 4592 : index
    %swap3A_827 = tpu.vector_load %arg9[%swap3A_826] {strides = array<i32>} : memref<6272xf32, #tpu.memory_space<vmem>>, vector<16xf32>,
    tpu.vector_store %arg9[%swap3A_826], %broadcast_in_dim3A_251 {strides = array<i32>} : memref<6272xf32, #tpu.memory_space<vmem>>, vector<16xf32>,
    %swap3A_828 = arith.constant 4608 : index
    %swap3A_829 = tpu.vector_load %arg9[%swap3A_828] {strides = array<i32>} : memref<6272xf32, #tpu.memory_space<vmem>>, vector<16xf32>,
    tpu.vector_store %arg9[%swap3A_828], %broadcast_in_dim3A_251 {strides = array<i32>} : memref<6272xf32, #tpu.memory_space<vmem>>, vector<16xf32>,
    %swap3A_830 = arith.constant 4624 : index
    %swap3A_831 = tpu.vector_load %arg9[%swap3A_830] {strides = array<i32>} : memref<6272xf32, #tpu.memory_space<vmem>>, vector<16xf32>,
    tpu.vector_store %arg9[%swap3A_830], %broadcast_in_dim3A_251 {strides = array<i32>} : memref<6272xf32, #tpu.memory_space<vmem>>, vector<16xf32>,
    %swap3A_832 = arith.constant 4640 : index
    %swap3A_833 = tpu.vector_load %arg9[%swap3A_832] {strides = array<i32>} : memref<6272xf32, #tpu.memory_space<vmem>>, vector<16xf32>,
    tpu.vector_store %arg9[%swap3A_832], %broadcast_in_dim3A_251 {strides = array<i32>} : memref<6272xf32, #tpu.memory_space<vmem>>, vector<16xf32>,
    %swap3A_834 = arith.constant 4656 : index
    %swap3A_835 = tpu.vector_load %arg9[%swap3A_834] {strides = array<i32>} : memref<6272xf32, #tpu.memory_space<vmem>>, vector<16xf32>,
    tpu.vector_store %arg9[%swap3A_834], %broadcast_in_dim3A_251 {strides = array<i32>} : memref<6272xf32, #tpu.memory_space<vmem>>, vector<16xf32>,
    %swap3A_836 = arith.constant 4672 : index
    %swap3A_837 = tpu.vector_load %arg9[%swap3A_836] {strides = array<i32>} : memref<6272xf32, #tpu.memory_space<vmem>>, vector<16xf32>,
    tpu.vector_store %arg9[%swap3A_836], %broadcast_in_dim3A_251 {strides = array<i32>} : memref<6272xf32, #tpu.memory_space<vmem>>, vector<16xf32>,
    %swap3A_838 = arith.constant 4688 : index
    %swap3A_839 = tpu.vector_load %arg9[%swap3A_838] {strides = array<i32>} : memref<6272xf32, #tpu.memory_space<vmem>>, vector<16xf32>,
    tpu.vector_store %arg9[%swap3A_838], %broadcast_in_dim3A_251 {strides = array<i32>} : memref<6272xf32, #tpu.memory_space<vmem>>, vector<16xf32>,
    %swap3A_840 = arith.constant 4704 : index
    %swap3A_841 = tpu.vector_load %arg9[%swap3A_840] {strides = array<i32>} : memref<6272xf32, #tpu.memory_space<vmem>>, vector<16xf32>,
    tpu.vector_store %arg9[%swap3A_840], %broadcast_in_dim3A_251 {strides = array<i32>} : memref<6272xf32, #tpu.memory_space<vmem>>, vector<16xf32>,
    %swap3A_842 = arith.constant 4720 : index
    %swap3A_843 = tpu.vector_load %arg9[%swap3A_842] {strides = array<i32>} : memref<6272xf32, #tpu.memory_space<vmem>>, vector<16xf32>,
    tpu.vector_store %arg9[%swap3A_842], %broadcast_in_dim3A_251 {strides = array<i32>} : memref<6272xf32, #tpu.memory_space<vmem>>, vector<16xf32>,
    %swap3A_844 = arith.constant 4736 : index
    %swap3A_845 = tpu.vector_load %arg9[%swap3A_844] {strides = array<i32>} : memref<6272xf32, #tpu.memory_space<vmem>>, vector<16xf32>,
    tpu.vector_store %arg9[%swap3A_844], %broadcast_in_dim3A_251 {strides = array<i32>} : memref<6272xf32, #tpu.memory_space<vmem>>, vector<16xf32>,
    %swap3A_846 = arith.constant 4752 : index
    %swap3A_847 = tpu.vector_load %arg9[%swap3A_846] {strides = array<i32>} : memref<6272xf32, #tpu.memory_space<vmem>>, vector<16xf32>,
    tpu.vector_store %arg9[%swap3A_846], %broadcast_in_dim3A_251 {strides = array<i32>} : memref<6272xf32, #tpu.memory_space<vmem>>, vector<16xf32>,
    %swap3A_848 = arith.constant 4768 : index
    %swap3A_849 = tpu.vector_load %arg9[%swap3A_848] {strides = array<i32>} : memref<6272xf32, #tpu.memory_space<vmem>>, vector<16xf32>,
    tpu.vector_store %arg9[%swap3A_848], %broadcast_in_dim3A_251 {strides = array<i32>} : memref<6272xf32, #tpu.memory_space<vmem>>, vector<16xf32>,
    %swap3A_850 = arith.constant 4784 : index
    %swap3A_851 = tpu.vector_load %arg9[%swap3A_850] {strides = array<i32>} : memref<6272xf32, #tpu.memory_space<vmem>>, vector<16xf32>,
    tpu.vector_store %arg9[%swap3A_850], %broadcast_in_dim3A_251 {strides = array<i32>} : memref<6272xf32, #tpu.memory_space<vmem>>, vector<16xf32>,
    %swap3A_852 = arith.constant 4800 : index
    %swap3A_853 = tpu.vector_load %arg9[%swap3A_852] {strides = array<i32>} : memref<6272xf32, #tpu.memory_space<vmem>>, vector<16xf32>,
    tpu.vector_store %arg9[%swap3A_852], %broadcast_in_dim3A_251 {strides = array<i32>} : memref<6272xf32, #tpu.memory_space<vmem>>, vector<16xf32>,
    %swap3A_854 = arith.constant 4816 : index
    %swap3A_855 = tpu.vector_load %arg9[%swap3A_854] {strides = array<i32>} : memref<6272xf32, #tpu.memory_space<vmem>>, vector<16xf32>,
    tpu.vector_store %arg9[%swap3A_854], %broadcast_in_dim3A_251 {strides = array<i32>} : memref<6272xf32, #tpu.memory_space<vmem>>, vector<16xf32>,
    %swap3A_856 = arith.constant 4832 : index
    %swap3A_857 = tpu.vector_load %arg9[%swap3A_856] {strides = array<i32>} : memref<6272xf32, #tpu.memory_space<vmem>>, vector<16xf32>,
    tpu.vector_store %arg9[%swap3A_856], %broadcast_in_dim3A_251 {strides = array<i32>} : memref<6272xf32, #tpu.memory_space<vmem>>, vector<16xf32>,
    %swap3A_858 = arith.constant 4848 : index
    %swap3A_859 = tpu.vector_load %arg9[%swap3A_858] {strides = array<i32>} : memref<6272xf32, #tpu.memory_space<vmem>>, vector<16xf32>,
    tpu.vector_store %arg9[%swap3A_858], %broadcast_in_dim3A_251 {strides = array<i32>} : memref<6272xf32, #tpu.memory_space<vmem>>, vector<16xf32>,
    %swap3A_860 = arith.constant 4864 : index
    %swap3A_861 = tpu.vector_load %arg9[%swap3A_860] {strides = array<i32>} : memref<6272xf32, #tpu.memory_space<vmem>>, vector<16xf32>,
    tpu.vector_store %arg9[%swap3A_860], %broadcast_in_dim3A_251 {strides = array<i32>} : memref<6272xf32, #tpu.memory_space<vmem>>, vector<16xf32>,
    %swap3A_862 = arith.constant 4880 : index
    %swap3A_863 = tpu.vector_load %arg9[%swap3A_862] {strides = array<i32>} : memref<6272xf32, #tpu.memory_space<vmem>>, vector<16xf32>,
    tpu.vector_store %arg9[%swap3A_862], %broadcast_in_dim3A_251 {strides = array<i32>} : memref<6272xf32, #tpu.memory_space<vmem>>, vector<16xf32>,
    %swap3A_864 = arith.constant 4896 : index
    %swap3A_865 = tpu.vector_load %arg9[%swap3A_864] {strides = array<i32>} : memref<6272xf32, #tpu.memory_space<vmem>>, vector<16xf32>,
    tpu.vector_store %arg9[%swap3A_864], %broadcast_in_dim3A_251 {strides = array<i32>} : memref<6272xf32, #tpu.memory_space<vmem>>, vector<16xf32>,
    %swap3A_866 = arith.constant 4912 : index
    %swap3A_867 = tpu.vector_load %arg9[%swap3A_866] {strides = array<i32>} : memref<6272xf32, #tpu.memory_space<vmem>>, vector<16xf32>,
    tpu.vector_store %arg9[%swap3A_866], %broadcast_in_dim3A_251 {strides = array<i32>} : memref<6272xf32, #tpu.memory_space<vmem>>, vector<16xf32>,
    %swap3A_868 = arith.constant 4928 : index
    %swap3A_869 = tpu.vector_load %arg9[%swap3A_868] {strides = array<i32>} : memref<6272xf32, #tpu.memory_space<vmem>>, vector<16xf32>,
    tpu.vector_store %arg9[%swap3A_868], %broadcast_in_dim3A_251 {strides = array<i32>} : memref<6272xf32, #tpu.memory_space<vmem>>, vector<16xf32>,
    %swap3A_870 = arith.constant 4944 : index
    %swap3A_871 = tpu.vector_load %arg9[%swap3A_870] {strides = array<i32>} : memref<6272xf32, #tpu.memory_space<vmem>>, vector<16xf32>,
    tpu.vector_store %arg9[%swap3A_870], %broadcast_in_dim3A_251 {strides = array<i32>} : memref<6272xf32, #tpu.memory_space<vmem>>, vector<16xf32>,
    %swap3A_872 = arith.constant 4960 : index
    %swap3A_873 = tpu.vector_load %arg9[%swap3A_872] {strides = array<i32>} : memref<6272xf32, #tpu.memory_space<vmem>>, vector<16xf32>,
    tpu.vector_store %arg9[%swap3A_872], %broadcast_in_dim3A_251 {strides = array<i32>} : memref<6272xf32, #tpu.memory_space<vmem>>, vector<16xf32>,
    %swap3A_874 = arith.constant 4976 : index
    %swap3A_875 = tpu.vector_load %arg9[%swap3A_874] {strides = array<i32>} : memref<6272xf32, #tpu.memory_space<vmem>>, vector<16xf32>,
    tpu.vector_store %arg9[%swap3A_874], %broadcast_in_dim3A_251 {strides = array<i32>} : memref<6272xf32, #tpu.memory_space<vmem>>, vector<16xf32>,
    %swap3A_876 = arith.constant 4992 : index
    %swap3A_877 = tpu.vector_load %arg9[%swap3A_876] {strides = array<i32>} : memref<6272xf32, #tpu.memory_space<vmem>>, vector<16xf32>,
    tpu.vector_store %arg9[%swap3A_876], %broadcast_in_dim3A_251 {strides = array<i32>} : memref<6272xf32, #tpu.memory_space<vmem>>, vector<16xf32>,
    %swap3A_878 = arith.constant 5008 : index
    %swap3A_879 = tpu.vector_load %arg9[%swap3A_878] {strides = array<i32>} : memref<6272xf32, #tpu.memory_space<vmem>>, vector<16xf32>,
    tpu.vector_store %arg9[%swap3A_878], %broadcast_in_dim3A_251 {strides = array<i32>} : memref<6272xf32, #tpu.memory_space<vmem>>, vector<16xf32>,
    %swap3A_880 = arith.constant 5024 : index
    %swap3A_881 = tpu.vector_load %arg9[%swap3A_880] {strides = array<i32>} : memref<6272xf32, #tpu.memory_space<vmem>>, vector<16xf32>,
    tpu.vector_store %arg9[%swap3A_880], %broadcast_in_dim3A_251 {strides = array<i32>} : memref<6272xf32, #tpu.memory_space<vmem>>, vector<16xf32>,
    %swap3A_882 = arith.constant 5040 : index
    %swap3A_883 = tpu.vector_load %arg9[%swap3A_882] {strides = array<i32>} : memref<6272xf32, #tpu.memory_space<vmem>>, vector<16xf32>,
    tpu.vector_store %arg9[%swap3A_882], %broadcast_in_dim3A_251 {strides = array<i32>} : memref<6272xf32, #tpu.memory_space<vmem>>, vector<16xf32>,
    %swap3A_884 = arith.constant 5056 : index
    %swap3A_885 = tpu.vector_load %arg9[%swap3A_884] {strides = array<i32>} : memref<6272xf32, #tpu.memory_space<vmem>>, vector<16xf32>,
    tpu.vector_store %arg9[%swap3A_884], %broadcast_in_dim3A_251 {strides = array<i32>} : memref<6272xf32, #tpu.memory_space<vmem>>, vector<16xf32>,
    %swap3A_886 = arith.constant 5072 : index
    %swap3A_887 = tpu.vector_load %arg9[%swap3A_886] {strides = array<i32>} : memref<6272xf32, #tpu.memory_space<vmem>>, vector<16xf32>,
    tpu.vector_store %arg9[%swap3A_886], %broadcast_in_dim3A_251 {strides = array<i32>} : memref<6272xf32, #tpu.memory_space<vmem>>, vector<16xf32>,
    %swap3A_888 = arith.constant 5088 : index
    %swap3A_889 = tpu.vector_load %arg9[%swap3A_888] {strides = array<i32>} : memref<6272xf32, #tpu.memory_space<vmem>>, vector<16xf32>,
    tpu.vector_store %arg9[%swap3A_888], %broadcast_in_dim3A_251 {strides = array<i32>} : memref<6272xf32, #tpu.memory_space<vmem>>, vector<16xf32>,
    %swap3A_890 = arith.constant 5104 : index
    %swap3A_891 = tpu.vector_load %arg9[%swap3A_890] {strides = array<i32>} : memref<6272xf32, #tpu.memory_space<vmem>>, vector<16xf32>,
    tpu.vector_store %arg9[%swap3A_890], %broadcast_in_dim3A_251 {strides = array<i32>} : memref<6272xf32, #tpu.memory_space<vmem>>, vector<16xf32>,
    %swap3A_892 = arith.constant 5120 : index
    %swap3A_893 = tpu.vector_load %arg9[%swap3A_892] {strides = array<i32>} : memref<6272xf32, #tpu.memory_space<vmem>>, vector<16xf32>,
    tpu.vector_store %arg9[%swap3A_892], %broadcast_in_dim3A_251 {strides = array<i32>} : memref<6272xf32, #tpu.memory_space<vmem>>, vector<16xf32>,
    %swap3A_894 = arith.constant 5136 : index
    %swap3A_895 = tpu.vector_load %arg9[%swap3A_894] {strides = array<i32>} : memref<6272xf32, #tpu.memory_space<vmem>>, vector<16xf32>,
    tpu.vector_store %arg9[%swap3A_894], %broadcast_in_dim3A_251 {strides = array<i32>} : memref<6272xf32, #tpu.memory_space<vmem>>, vector<16xf32>,
    %swap3A_896 = arith.constant 5152 : index
    %swap3A_897 = tpu.vector_load %arg9[%swap3A_896] {strides = array<i32>} : memref<6272xf32, #tpu.memory_space<vmem>>, vector<16xf32>,
    tpu.vector_store %arg9[%swap3A_896], %broadcast_in_dim3A_251 {strides = array<i32>} : memref<6272xf32, #tpu.memory_space<vmem>>, vector<16xf32>,
    %swap3A_898 = arith.constant 5168 : index
    %swap3A_899 = tpu.vector_load %arg9[%swap3A_898] {strides = array<i32>} : memref<6272xf32, #tpu.memory_space<vmem>>, vector<16xf32>,
    tpu.vector_store %arg9[%swap3A_898], %broadcast_in_dim3A_251 {strides = array<i32>} : memref<6272xf32, #tpu.memory_space<vmem>>, vector<16xf32>,
    %swap3A_900 = arith.constant 5184 : index
    %swap3A_901 = tpu.vector_load %arg9[%swap3A_900] {strides = array<i32>} : memref<6272xf32, #tpu.memory_space<vmem>>, vector<16xf32>,
    tpu.vector_store %arg9[%swap3A_900], %broadcast_in_dim3A_251 {strides = array<i32>} : memref<6272xf32, #tpu.memory_space<vmem>>, vector<16xf32>,
    %swap3A_902 = arith.constant 5200 : index
    %swap3A_903 = tpu.vector_load %arg9[%swap3A_902] {strides = array<i32>} : memref<6272xf32, #tpu.memory_space<vmem>>, vector<16xf32>,
    tpu.vector_store %arg9[%swap3A_902], %broadcast_in_dim3A_251 {strides = array<i32>} : memref<6272xf32, #tpu.memory_space<vmem>>, vector<16xf32>,
    %swap3A_904 = arith.constant 5216 : index
    %swap3A_905 = tpu.vector_load %arg9[%swap3A_904] {strides = array<i32>} : memref<6272xf32, #tpu.memory_space<vmem>>, vector<16xf32>,
    tpu.vector_store %arg9[%swap3A_904], %broadcast_in_dim3A_251 {strides = array<i32>} : memref<6272xf32, #tpu.memory_space<vmem>>, vector<16xf32>,
    %swap3A_906 = arith.constant 5232 : index
    %swap3A_907 = tpu.vector_load %arg9[%swap3A_906] {strides = array<i32>} : memref<6272xf32, #tpu.memory_space<vmem>>, vector<16xf32>,
    tpu.vector_store %arg9[%swap3A_906], %broadcast_in_dim3A_251 {strides = array<i32>} : memref<6272xf32, #tpu.memory_space<vmem>>, vector<16xf32>,
    %swap3A_908 = arith.constant 5248 : index
    %swap3A_909 = tpu.vector_load %arg9[%swap3A_908] {strides = array<i32>} : memref<6272xf32, #tpu.memory_space<vmem>>, vector<16xf32>,
    tpu.vector_store %arg9[%swap3A_908], %broadcast_in_dim3A_251 {strides = array<i32>} : memref<6272xf32, #tpu.memory_space<vmem>>, vector<16xf32>,
    %swap3A_910 = arith.constant 5264 : index
    %swap3A_911 = tpu.vector_load %arg9[%swap3A_910] {strides = array<i32>} : memref<6272xf32, #tpu.memory_space<vmem>>, vector<16xf32>,
    tpu.vector_store %arg9[%swap3A_910], %broadcast_in_dim3A_251 {strides = array<i32>} : memref<6272xf32, #tpu.memory_space<vmem>>, vector<16xf32>,
    %swap3A_912 = arith.constant 5280 : index
    %swap3A_913 = tpu.vector_load %arg9[%swap3A_912] {strides = array<i32>} : memref<6272xf32, #tpu.memory_space<vmem>>, vector<16xf32>,
    tpu.vector_store %arg9[%swap3A_912], %broadcast_in_dim3A_251 {strides = array<i32>} : memref<6272xf32, #tpu.memory_space<vmem>>, vector<16xf32>,
    %swap3A_914 = arith.constant 5296 : index
    %swap3A_915 = tpu.vector_load %arg9[%swap3A_914] {strides = array<i32>} : memref<6272xf32, #tpu.memory_space<vmem>>, vector<16xf32>,
    tpu.vector_store %arg9[%swap3A_914], %broadcast_in_dim3A_251 {strides = array<i32>} : memref<6272xf32, #tpu.memory_space<vmem>>, vector<16xf32>,
    %swap3A_916 = arith.constant 5312 : index
    %swap3A_917 = tpu.vector_load %arg9[%swap3A_916] {strides = array<i32>} : memref<6272xf32, #tpu.memory_space<vmem>>, vector<16xf32>,
    tpu.vector_store %arg9[%swap3A_916], %broadcast_in_dim3A_251 {strides = array<i32>} : memref<6272xf32, #tpu.memory_space<vmem>>, vector<16xf32>,
    %swap3A_918 = arith.constant 5328 : index
    %swap3A_919 = tpu.vector_load %arg9[%swap3A_918] {strides = array<i32>} : memref<6272xf32, #tpu.memory_space<vmem>>, vector<16xf32>,
    tpu.vector_store %arg9[%swap3A_918], %broadcast_in_dim3A_251 {strides = array<i32>} : memref<6272xf32, #tpu.memory_space<vmem>>, vector<16xf32>,
    %swap3A_920 = arith.constant 5344 : index
    %swap3A_921 = tpu.vector_load %arg9[%swap3A_920] {strides = array<i32>} : memref<6272xf32, #tpu.memory_space<vmem>>, vector<16xf32>,
    tpu.vector_store %arg9[%swap3A_920], %broadcast_in_dim3A_251 {strides = array<i32>} : memref<6272xf32, #tpu.memory_space<vmem>>, vector<16xf32>,
    %swap3A_922 = arith.constant 5360 : index
    %swap3A_923 = tpu.vector_load %arg9[%swap3A_922] {strides = array<i32>} : memref<6272xf32, #tpu.memory_space<vmem>>, vector<16xf32>,
    tpu.vector_store %arg9[%swap3A_922], %broadcast_in_dim3A_251 {strides = array<i32>} : memref<6272xf32, #tpu.memory_space<vmem>>, vector<16xf32>,
    %swap3A_924 = arith.constant 5376 : index
    %swap3A_925 = tpu.vector_load %arg9[%swap3A_924] {strides = array<i32>} : memref<6272xf32, #tpu.memory_space<vmem>>, vector<16xf32>,
    tpu.vector_store %arg9[%swap3A_924], %broadcast_in_dim3A_251 {strides = array<i32>} : memref<6272xf32, #tpu.memory_space<vmem>>, vector<16xf32>,
    %swap3A_926 = arith.constant 5392 : index
    %swap3A_927 = tpu.vector_load %arg9[%swap3A_926] {strides = array<i32>} : memref<6272xf32, #tpu.memory_space<vmem>>, vector<16xf32>,
    tpu.vector_store %arg9[%swap3A_926], %broadcast_in_dim3A_251 {strides = array<i32>} : memref<6272xf32, #tpu.memory_space<vmem>>, vector<16xf32>,
    %swap3A_928 = arith.constant 5408 : index
    %swap3A_929 = tpu.vector_load %arg9[%swap3A_928] {strides = array<i32>} : memref<6272xf32, #tpu.memory_space<vmem>>, vector<16xf32>,
    tpu.vector_store %arg9[%swap3A_928], %broadcast_in_dim3A_251 {strides = array<i32>} : memref<6272xf32, #tpu.memory_space<vmem>>, vector<16xf32>,
    %swap3A_930 = arith.constant 5424 : index
    %swap3A_931 = tpu.vector_load %arg9[%swap3A_930] {strides = array<i32>} : memref<6272xf32, #tpu.memory_space<vmem>>, vector<16xf32>,
    tpu.vector_store %arg9[%swap3A_930], %broadcast_in_dim3A_251 {strides = array<i32>} : memref<6272xf32, #tpu.memory_space<vmem>>, vector<16xf32>,
    %swap3A_932 = arith.constant 5440 : index
    %swap3A_933 = tpu.vector_load %arg9[%swap3A_932] {strides = array<i32>} : memref<6272xf32, #tpu.memory_space<vmem>>, vector<16xf32>,
    tpu.vector_store %arg9[%swap3A_932], %broadcast_in_dim3A_251 {strides = array<i32>} : memref<6272xf32, #tpu.memory_space<vmem>>, vector<16xf32>,
    %swap3A_934 = arith.constant 5456 : index
    %swap3A_935 = tpu.vector_load %arg9[%swap3A_934] {strides = array<i32>} : memref<6272xf32, #tpu.memory_space<vmem>>, vector<16xf32>,
    tpu.vector_store %arg9[%swap3A_934], %broadcast_in_dim3A_251 {strides = array<i32>} : memref<6272xf32, #tpu.memory_space<vmem>>, vector<16xf32>,
    %swap3A_936 = arith.constant 5472 : index
    %swap3A_937 = tpu.vector_load %arg9[%swap3A_936] {strides = array<i32>} : memref<6272xf32, #tpu.memory_space<vmem>>, vector<16xf32>,
    tpu.vector_store %arg9[%swap3A_936], %broadcast_in_dim3A_251 {strides = array<i32>} : memref<6272xf32, #tpu.memory_space<vmem>>, vector<16xf32>,
    %swap3A_938 = arith.constant 5488 : index
    %swap3A_939 = tpu.vector_load %arg9[%swap3A_938] {strides = array<i32>} : memref<6272xf32, #tpu.memory_space<vmem>>, vector<16xf32>,
    tpu.vector_store %arg9[%swap3A_938], %broadcast_in_dim3A_251 {strides = array<i32>} : memref<6272xf32, #tpu.memory_space<vmem>>, vector<16xf32>,
    %swap3A_940 = arith.constant 5504 : index
    %swap3A_941 = tpu.vector_load %arg9[%swap3A_940] {strides = array<i32>} : memref<6272xf32, #tpu.memory_space<vmem>>, vector<16xf32>,
    tpu.vector_store %arg9[%swap3A_940], %broadcast_in_dim3A_251 {strides = array<i32>} : memref<6272xf32, #tpu.memory_space<vmem>>, vector<16xf32>,
    %swap3A_942 = arith.constant 5520 : index
    %swap3A_943 = tpu.vector_load %arg9[%swap3A_942] {strides = array<i32>} : memref<6272xf32, #tpu.memory_space<vmem>>, vector<16xf32>,
    tpu.vector_store %arg9[%swap3A_942], %broadcast_in_dim3A_251 {strides = array<i32>} : memref<6272xf32, #tpu.memory_space<vmem>>, vector<16xf32>,
    %swap3A_944 = arith.constant 5536 : index
    %swap3A_945 = tpu.vector_load %arg9[%swap3A_944] {strides = array<i32>} : memref<6272xf32, #tpu.memory_space<vmem>>, vector<16xf32>,
    tpu.vector_store %arg9[%swap3A_944], %broadcast_in_dim3A_251 {strides = array<i32>} : memref<6272xf32, #tpu.memory_space<vmem>>, vector<16xf32>,
    %swap3A_946 = arith.constant 5552 : index
    %swap3A_947 = tpu.vector_load %arg9[%swap3A_946] {strides = array<i32>} : memref<6272xf32, #tpu.memory_space<vmem>>, vector<16xf32>,
    tpu.vector_store %arg9[%swap3A_946], %broadcast_in_dim3A_251 {strides = array<i32>} : memref<6272xf32, #tpu.memory_space<vmem>>, vector<16xf32>,
    %swap3A_948 = arith.constant 5568 : index
    %swap3A_949 = tpu.vector_load %arg9[%swap3A_948] {strides = array<i32>} : memref<6272xf32, #tpu.memory_space<vmem>>, vector<16xf32>,
    tpu.vector_store %arg9[%swap3A_948], %broadcast_in_dim3A_251 {strides = array<i32>} : memref<6272xf32, #tpu.memory_space<vmem>>, vector<16xf32>,
    %swap3A_950 = arith.constant 5584 : index
    %swap3A_951 = tpu.vector_load %arg9[%swap3A_950] {strides = array<i32>} : memref<6272xf32, #tpu.memory_space<vmem>>, vector<16xf32>,
    tpu.vector_store %arg9[%swap3A_950], %broadcast_in_dim3A_251 {strides = array<i32>} : memref<6272xf32, #tpu.memory_space<vmem>>, vector<16xf32>,
    %swap3A_952 = arith.constant 5600 : index
    %swap3A_953 = tpu.vector_load %arg9[%swap3A_952] {strides = array<i32>} : memref<6272xf32, #tpu.memory_space<vmem>>, vector<16xf32>,
    tpu.vector_store %arg9[%swap3A_952], %broadcast_in_dim3A_251 {strides = array<i32>} : memref<6272xf32, #tpu.memory_space<vmem>>, vector<16xf32>,
    %swap3A_954 = arith.constant 5616 : index
    %swap3A_955 = tpu.vector_load %arg9[%swap3A_954] {strides = array<i32>} : memref<6272xf32, #tpu.memory_space<vmem>>, vector<16xf32>,
    tpu.vector_store %arg9[%swap3A_954], %broadcast_in_dim3A_251 {strides = array<i32>} : memref<6272xf32, #tpu.memory_space<vmem>>, vector<16xf32>,
    %swap3A_956 = arith.constant 5632 : index
    %swap3A_957 = tpu.vector_load %arg9[%swap3A_956] {strides = array<i32>} : memref<6272xf32, #tpu.memory_space<vmem>>, vector<16xf32>,
    tpu.vector_store %arg9[%swap3A_956], %broadcast_in_dim3A_251 {strides = array<i32>} : memref<6272xf32, #tpu.memory_space<vmem>>, vector<16xf32>,
    %swap3A_958 = arith.constant 5648 : index
    %swap3A_959 = tpu.vector_load %arg9[%swap3A_958] {strides = array<i32>} : memref<6272xf32, #tpu.memory_space<vmem>>, vector<16xf32>,
    tpu.vector_store %arg9[%swap3A_958], %broadcast_in_dim3A_251 {strides = array<i32>} : memref<6272xf32, #tpu.memory_space<vmem>>, vector<16xf32>,
    %swap3A_960 = arith.constant 5664 : index
    %swap3A_961 = tpu.vector_load %arg9[%swap3A_960] {strides = array<i32>} : memref<6272xf32, #tpu.memory_space<vmem>>, vector<16xf32>,
    tpu.vector_store %arg9[%swap3A_960], %broadcast_in_dim3A_251 {strides = array<i32>} : memref<6272xf32, #tpu.memory_space<vmem>>, vector<16xf32>,
    %swap3A_962 = arith.constant 5680 : index
    %swap3A_963 = tpu.vector_load %arg9[%swap3A_962] {strides = array<i32>} : memref<6272xf32, #tpu.memory_space<vmem>>, vector<16xf32>,
    tpu.vector_store %arg9[%swap3A_962], %broadcast_in_dim3A_251 {strides = array<i32>} : memref<6272xf32, #tpu.memory_space<vmem>>, vector<16xf32>,
    %swap3A_964 = arith.constant 5696 : index
    %swap3A_965 = tpu.vector_load %arg9[%swap3A_964] {strides = array<i32>} : memref<6272xf32, #tpu.memory_space<vmem>>, vector<16xf32>,
    tpu.vector_store %arg9[%swap3A_964], %broadcast_in_dim3A_251 {strides = array<i32>} : memref<6272xf32, #tpu.memory_space<vmem>>, vector<16xf32>,
    %swap3A_966 = arith.constant 5712 : index
    %swap3A_967 = tpu.vector_load %arg9[%swap3A_966] {strides = array<i32>} : memref<6272xf32, #tpu.memory_space<vmem>>, vector<16xf32>,
    tpu.vector_store %arg9[%swap3A_966], %broadcast_in_dim3A_251 {strides = array<i32>} : memref<6272xf32, #tpu.memory_space<vmem>>, vector<16xf32>,
    %swap3A_968 = arith.constant 5728 : index
    %swap3A_969 = tpu.vector_load %arg9[%swap3A_968] {strides = array<i32>} : memref<6272xf32, #tpu.memory_space<vmem>>, vector<16xf32>,
    tpu.vector_store %arg9[%swap3A_968], %broadcast_in_dim3A_251 {strides = array<i32>} : memref<6272xf32, #tpu.memory_space<vmem>>, vector<16xf32>,
    %swap3A_970 = arith.constant 5744 : index
    %swap3A_971 = tpu.vector_load %arg9[%swap3A_970] {strides = array<i32>} : memref<6272xf32, #tpu.memory_space<vmem>>, vector<16xf32>,
    tpu.vector_store %arg9[%swap3A_970], %broadcast_in_dim3A_251 {strides = array<i32>} : memref<6272xf32, #tpu.memory_space<vmem>>, vector<16xf32>,
    %swap3A_972 = arith.constant 5760 : index
    %swap3A_973 = tpu.vector_load %arg9[%swap3A_972] {strides = array<i32>} : memref<6272xf32, #tpu.memory_space<vmem>>, vector<16xf32>,
    tpu.vector_store %arg9[%swap3A_972], %broadcast_in_dim3A_251 {strides = array<i32>} : memref<6272xf32, #tpu.memory_space<vmem>>, vector<16xf32>,
    %swap3A_974 = arith.constant 5776 : index
    %swap3A_975 = tpu.vector_load %arg9[%swap3A_974] {strides = array<i32>} : memref<6272xf32, #tpu.memory_space<vmem>>, vector<16xf32>,
    tpu.vector_store %arg9[%swap3A_974], %broadcast_in_dim3A_251 {strides = array<i32>} : memref<6272xf32, #tpu.memory_space<vmem>>, vector<16xf32>,
    %swap3A_976 = arith.constant 5792 : index
    %swap3A_977 = tpu.vector_load %arg9[%swap3A_976] {strides = array<i32>} : memref<6272xf32, #tpu.memory_space<vmem>>, vector<16xf32>,
    tpu.vector_store %arg9[%swap3A_976], %broadcast_in_dim3A_251 {strides = array<i32>} : memref<6272xf32, #tpu.memory_space<vmem>>, vector<16xf32>,
    %swap3A_978 = arith.constant 5808 : index
    %swap3A_979 = tpu.vector_load %arg9[%swap3A_978] {strides = array<i32>} : memref<6272xf32, #tpu.memory_space<vmem>>, vector<16xf32>,
    tpu.vector_store %arg9[%swap3A_978], %broadcast_in_dim3A_251 {strides = array<i32>} : memref<6272xf32, #tpu.memory_space<vmem>>, vector<16xf32>,
    %swap3A_980 = arith.constant 5824 : index
    %swap3A_981 = tpu.vector_load %arg9[%swap3A_980] {strides = array<i32>} : memref<6272xf32, #tpu.memory_space<vmem>>, vector<16xf32>,
    tpu.vector_store %arg9[%swap3A_980], %broadcast_in_dim3A_251 {strides = array<i32>} : memref<6272xf32, #tpu.memory_space<vmem>>, vector<16xf32>,
    %swap3A_982 = arith.constant 5840 : index
    %swap3A_983 = tpu.vector_load %arg9[%swap3A_982] {strides = array<i32>} : memref<6272xf32, #tpu.memory_space<vmem>>, vector<16xf32>,
    tpu.vector_store %arg9[%swap3A_982], %broadcast_in_dim3A_251 {strides = array<i32>} : memref<6272xf32, #tpu.memory_space<vmem>>, vector<16xf32>,
    %swap3A_984 = arith.constant 5856 : index
    %swap3A_985 = tpu.vector_load %arg9[%swap3A_984] {strides = array<i32>} : memref<6272xf32, #tpu.memory_space<vmem>>, vector<16xf32>,
    tpu.vector_store %arg9[%swap3A_984], %broadcast_in_dim3A_251 {strides = array<i32>} : memref<6272xf32, #tpu.memory_space<vmem>>, vector<16xf32>,
    %swap3A_986 = arith.constant 5872 : index
    %swap3A_987 = tpu.vector_load %arg9[%swap3A_986] {strides = array<i32>} : memref<6272xf32, #tpu.memory_space<vmem>>, vector<16xf32>,
    tpu.vector_store %arg9[%swap3A_986], %broadcast_in_dim3A_251 {strides = array<i32>} : memref<6272xf32, #tpu.memory_space<vmem>>, vector<16xf32>,
    %swap3A_988 = arith.constant 5888 : index
    %swap3A_989 = tpu.vector_load %arg9[%swap3A_988] {strides = array<i32>} : memref<6272xf32, #tpu.memory_space<vmem>>, vector<16xf32>,
    tpu.vector_store %arg9[%swap3A_988], %broadcast_in_dim3A_251 {strides = array<i32>} : memref<6272xf32, #tpu.memory_space<vmem>>, vector<16xf32>,
    %swap3A_990 = arith.constant 5904 : index
    %swap3A_991 = tpu.vector_load %arg9[%swap3A_990] {strides = array<i32>} : memref<6272xf32, #tpu.memory_space<vmem>>, vector<16xf32>,
    tpu.vector_store %arg9[%swap3A_990], %broadcast_in_dim3A_251 {strides = array<i32>} : memref<6272xf32, #tpu.memory_space<vmem>>, vector<16xf32>,
    %swap3A_992 = arith.constant 5920 : index
    %swap3A_993 = tpu.vector_load %arg9[%swap3A_992] {strides = array<i32>} : memref<6272xf32, #tpu.memory_space<vmem>>, vector<16xf32>,
    tpu.vector_store %arg9[%swap3A_992], %broadcast_in_dim3A_251 {strides = array<i32>} : memref<6272xf32, #tpu.memory_space<vmem>>, vector<16xf32>,
    %swap3A_994 = arith.constant 5936 : index
    %swap3A_995 = tpu.vector_load %arg9[%swap3A_994] {strides = array<i32>} : memref<6272xf32, #tpu.memory_space<vmem>>, vector<16xf32>,
    tpu.vector_store %arg9[%swap3A_994], %broadcast_in_dim3A_251 {strides = array<i32>} : memref<6272xf32, #tpu.memory_space<vmem>>, vector<16xf32>,
    %swap3A_996 = arith.constant 5952 : index
    %swap3A_997 = tpu.vector_load %arg9[%swap3A_996] {strides = array<i32>} : memref<6272xf32, #tpu.memory_space<vmem>>, vector<16xf32>,
    tpu.vector_store %arg9[%swap3A_996], %broadcast_in_dim3A_251 {strides = array<i32>} : memref<6272xf32, #tpu.memory_space<vmem>>, vector<16xf32>,
    %swap3A_998 = arith.constant 5968 : index
    %swap3A_999 = tpu.vector_load %arg9[%swap3A_998] {strides = array<i32>} : memref<6272xf32, #tpu.memory_space<vmem>>, vector<16xf32>,
    tpu.vector_store %arg9[%swap3A_998], %broadcast_in_dim3A_251 {strides = array<i32>} : memref<6272xf32, #tpu.memory_space<vmem>>, vector<16xf32>,
    %swap3A_1000 = arith.constant 5984 : index
    %swap3A_1001 = tpu.vector_load %arg9[%swap3A_1000] {strides = array<i32>} : memref<6272xf32, #tpu.memory_space<vmem>>, vector<16xf32>,
    tpu.vector_store %arg9[%swap3A_1000], %broadcast_in_dim3A_251 {strides = array<i32>} : memref<6272xf32, #tpu.memory_space<vmem>>, vector<16xf32>,
    %swap3A_1002 = arith.constant 6000 : index
    %swap3A_1003 = tpu.vector_load %arg9[%swap3A_1002] {strides = array<i32>} : memref<6272xf32, #tpu.memory_space<vmem>>, vector<16xf32>,
    tpu.vector_store %arg9[%swap3A_1002], %broadcast_in_dim3A_251 {strides = array<i32>} : memref<6272xf32, #tpu.memory_space<vmem>>, vector<16xf32>,
    %swap3A_1004 = arith.constant 6016 : index
    %swap3A_1005 = tpu.vector_load %arg9[%swap3A_1004] {strides = array<i32>} : memref<6272xf32, #tpu.memory_space<vmem>>, vector<16xf32>,
    tpu.vector_store %arg9[%swap3A_1004], %broadcast_in_dim3A_251 {strides = array<i32>} : memref<6272xf32, #tpu.memory_space<vmem>>, vector<16xf32>,
    %swap3A_1006 = arith.constant 6032 : index
    %swap3A_1007 = tpu.vector_load %arg9[%swap3A_1006] {strides = array<i32>} : memref<6272xf32, #tpu.memory_space<vmem>>, vector<16xf32>,
    tpu.vector_store %arg9[%swap3A_1006], %broadcast_in_dim3A_251 {strides = array<i32>} : memref<6272xf32, #tpu.memory_space<vmem>>, vector<16xf32>,
    %swap3A_1008 = arith.constant 6048 : index
    %swap3A_1009 = tpu.vector_load %arg9[%swap3A_1008] {strides = array<i32>} : memref<6272xf32, #tpu.memory_space<vmem>>, vector<16xf32>,
    tpu.vector_store %arg9[%swap3A_1008], %broadcast_in_dim3A_251 {strides = array<i32>} : memref<6272xf32, #tpu.memory_space<vmem>>, vector<16xf32>,
    %swap3A_1010 = arith.constant 6064 : index
    %swap3A_1011 = tpu.vector_load %arg9[%swap3A_1010] {strides = array<i32>} : memref<6272xf32, #tpu.memory_space<vmem>>, vector<16xf32>,
    tpu.vector_store %arg9[%swap3A_1010], %broadcast_in_dim3A_251 {strides = array<i32>} : memref<6272xf32, #tpu.memory_space<vmem>>, vector<16xf32>,
    %swap3A_1012 = arith.constant 6080 : index
    %swap3A_1013 = tpu.vector_load %arg9[%swap3A_1012] {strides = array<i32>} : memref<6272xf32, #tpu.memory_space<vmem>>, vector<16xf32>,
    tpu.vector_store %arg9[%swap3A_1012], %broadcast_in_dim3A_251 {strides = array<i32>} : memref<6272xf32, #tpu.memory_space<vmem>>, vector<16xf32>,
    %swap3A_1014 = arith.constant 6096 : index
    %swap3A_1015 = tpu.vector_load %arg9[%swap3A_1014] {strides = array<i32>} : memref<6272xf32, #tpu.memory_space<vmem>>, vector<16xf32>,
    tpu.vector_store %arg9[%swap3A_1014], %broadcast_in_dim3A_251 {strides = array<i32>} : memref<6272xf32, #tpu.memory_space<vmem>>, vector<16xf32>,
    %swap3A_1016 = arith.constant 6112 : index
    %swap3A_1017 = tpu.vector_load %arg9[%swap3A_1016] {strides = array<i32>} : memref<6272xf32, #tpu.memory_space<vmem>>, vector<16xf32>,
    tpu.vector_store %arg9[%swap3A_1016], %broadcast_in_dim3A_251 {strides = array<i32>} : memref<6272xf32, #tpu.memory_space<vmem>>, vector<16xf32>,
    %swap3A_1018 = arith.constant 6128 : index
    %swap3A_1019 = tpu.vector_load %arg9[%swap3A_1018] {strides = array<i32>} : memref<6272xf32, #tpu.memory_space<vmem>>, vector<16xf32>,
    tpu.vector_store %arg9[%swap3A_1018], %broadcast_in_dim3A_251 {strides = array<i32>} : memref<6272xf32, #tpu.memory_space<vmem>>, vector<16xf32>,
    %swap3A_1020 = arith.constant 6144 : index
    %swap3A_1021 = tpu.vector_load %arg9[%swap3A_1020] {strides = array<i32>} : memref<6272xf32, #tpu.memory_space<vmem>>, vector<16xf32>,
    tpu.vector_store %arg9[%swap3A_1020], %broadcast_in_dim3A_251 {strides = array<i32>} : memref<6272xf32, #tpu.memory_space<vmem>>, vector<16xf32>,
    %swap3A_1022 = arith.constant 6160 : index
    %swap3A_1023 = tpu.vector_load %arg9[%swap3A_1022] {strides = array<i32>} : memref<6272xf32, #tpu.memory_space<vmem>>, vector<16xf32>,
    tpu.vector_store %arg9[%swap3A_1022], %broadcast_in_dim3A_251 {strides = array<i32>} : memref<6272xf32, #tpu.memory_space<vmem>>, vector<16xf32>,
    %swap3A_1024 = arith.constant 6176 : index
    %swap3A_1025 = tpu.vector_load %arg9[%swap3A_1024] {strides = array<i32>} : memref<6272xf32, #tpu.memory_space<vmem>>, vector<16xf32>,
    tpu.vector_store %arg9[%swap3A_1024], %broadcast_in_dim3A_251 {strides = array<i32>} : memref<6272xf32, #tpu.memory_space<vmem>>, vector<16xf32>,
    %swap3A_1026 = arith.constant 6192 : index
    %swap3A_1027 = tpu.vector_load %arg9[%swap3A_1026] {strides = array<i32>} : memref<6272xf32, #tpu.memory_space<vmem>>, vector<16xf32>,
    tpu.vector_store %arg9[%swap3A_1026], %broadcast_in_dim3A_251 {strides = array<i32>} : memref<6272xf32, #tpu.memory_space<vmem>>, vector<16xf32>,
    %swap3A_1028 = arith.constant 6208 : index
    %swap3A_1029 = tpu.vector_load %arg9[%swap3A_1028] {strides = array<i32>} : memref<6272xf32, #tpu.memory_space<vmem>>, vector<16xf32>,
    tpu.vector_store %arg9[%swap3A_1028], %broadcast_in_dim3A_251 {strides = array<i32>} : memref<6272xf32, #tpu.memory_space<vmem>>, vector<16xf32>,
    %swap3A_1030 = arith.constant 6224 : index
    %swap3A_1031 = tpu.vector_load %arg9[%swap3A_1030] {strides = array<i32>} : memref<6272xf32, #tpu.memory_space<vmem>>, vector<16xf32>,
    tpu.vector_store %arg9[%swap3A_1030], %broadcast_in_dim3A_251 {strides = array<i32>} : memref<6272xf32, #tpu.memory_space<vmem>>, vector<16xf32>,
    %swap3A_1032 = arith.constant 6240 : index
    %swap3A_1033 = tpu.vector_load %arg9[%swap3A_1032] {strides = array<i32>} : memref<6272xf32, #tpu.memory_space<vmem>>, vector<16xf32>,
    tpu.vector_store %arg9[%swap3A_1032], %broadcast_in_dim3A_251 {strides = array<i32>} : memref<6272xf32, #tpu.memory_space<vmem>>, vector<16xf32>,
    %swap3A_1034 = arith.constant 6256 : index
    %swap3A_1035 = tpu.vector_load %arg9[%swap3A_1034] {strides = array<i32>} : memref<6272xf32, #tpu.memory_space<vmem>>, vector<16xf32>,
    tpu.vector_store %arg9[%swap3A_1034], %broadcast_in_dim3A_251 {strides = array<i32>} : memref<6272xf32, #tpu.memory_space<vmem>>, vector<16xf32>,
    %mul3A = arith.constant 6272 : i32
    %mul3A_1036 = arith.muli %arg1, %mul3A : i32
    "tpu.region"() ({
      %run_scoped3A = tpu.sem_alloc : memref<!tpu.dma_semaphore, #tpu.memory_space<semaphore_mem>>
      %dma_start3A_1089 = tpu.memref_slice %arg10[%mul3A_1036] : memref<100352xf32, #tpu.memory_space<vmem_shared>> -> memref<6272xf32, #tpu.memory_space<vmem_shared>>
      %dma_start3A_1090 = tpu.memref_slice %arg10[%mul3A_1036] : memref<100352xf32, #tpu.memory_space<vmem_shared>> -> memref<6272xf32, #tpu.memory_space<vmem_shared>>
      tpu.enqueue_dma source(%arg9 : memref<6272xf32, #tpu.memory_space<vmem>>) target(%dma_start3A_1090 : memref<6272xf32, #tpu.memory_space<vmem_shared>>) target_semaphore(%run_scoped3A : memref<!tpu.dma_semaphore, #tpu.memory_space<semaphore_mem>>)
      %dma_wait3A_1091 = tpu.memref_slice %arg10[%mul3A_1036] : memref<100352xf32, #tpu.memory_space<vmem_shared>> -> memref<6272xf32, #tpu.memory_space<vmem_shared>>
      %dma_wait3A_1092 = tpu.memref_slice %arg10[%mul3A_1036] : memref<100352xf32, #tpu.memory_space<vmem_shared>> -> memref<6272xf32, #tpu.memory_space<vmem_shared>>
      tpu.wait_dma2 semaphore(%run_scoped3A : memref<!tpu.dma_semaphore, #tpu.memory_space<semaphore_mem>>) src(%arg9 : memref<6272xf32, #tpu.memory_space<vmem>>) dst(%dma_wait3A_1092 : memref<6272xf32, #tpu.memory_space<vmem_shared>>)
      tpu.yield
    }) : () -> ()
    %barrier3A = arith.constant 0 : index
    tpu.barrier barrier_id(%barrier3A)
    %mul3A_1037 = arith.constant 16 : i32
    %mul3A_1038 = arith.muli %arg0, %mul3A_1037 : i32
    %add3A = arith.addi %mul3A_1038, %arg1 : i32
    %mul3A_1039 = arith.constant 100000 : i32
    %mul3A_1040 = arith.muli %add3A, %mul3A_1039 : i32
    %add3A_1041 = arith.constant 0 : i32
    %add3A_1042 = arith.addi %mul3A_1040, %add3A_1041 : i32
    %dma_start3A = tpu.memref_slice %arg2[%add3A_1042] : memref<3200000xi32, #tpu.memory_space<hbm>> -> memref<2000xi32, #tpu.memory_space<hbm>>
    %dma_start3A_1043 = tpu.memref_slice %arg2[%add3A_1042] : memref<3200000xi32, #tpu.memory_space<hbm>> -> memref<2000xi32, #tpu.memory_space<hbm>>
    tpu.enqueue_dma source(%dma_start3A_1043 : memref<2000xi32, #tpu.memory_space<hbm>>) target(%arg4 : memref<2000xi32, #tpu.memory_space<vmem>>) target_semaphore(%arg11 : memref<!tpu.dma_semaphore, #tpu.memory_space<semaphore_mem>>)
    %add3A_1044 = arith.constant 2000 : i32
    %add3A_1045 = arith.addi %mul3A_1040, %add3A_1044 : i32
    %dma_start3A_1046 = tpu.memref_slice %arg2[%add3A_1045] : memref<3200000xi32, #tpu.memory_space<hbm>> -> memref<2000xi32, #tpu.memory_space<hbm>>
    %dma_start3A_1047 = tpu.memref_slice %arg2[%add3A_1045] : memref<3200000xi32, #tpu.memory_space<hbm>> -> memref<2000xi32, #tpu.memory_space<hbm>>
    tpu.enqueue_dma source(%dma_start3A_1047 : memref<2000xi32, #tpu.memory_space<hbm>>) target(%arg5 : memref<2000xi32, #tpu.memory_space<vmem>>) target_semaphore(%arg12 : memref<!tpu.dma_semaphore, #tpu.memory_space<semaphore_mem>>)
    %dma_wait3A = arith.constant 0 : i32
    %dma_wait3A_1048 = tpu.memref_slice %arg2[%dma_wait3A] : memref<3200000xi32, #tpu.memory_space<hbm>> -> memref<2000xi32, #tpu.memory_space<hbm>>
    %dma_wait3A_1049 = arith.constant 0 : i32
    %dma_wait3A_1050 = tpu.memref_slice %arg2[%dma_wait3A_1049] : memref<3200000xi32, #tpu.memory_space<hbm>> -> memref<2000xi32, #tpu.memory_space<hbm>>
    tpu.wait_dma2 semaphore(%arg11 : memref<!tpu.dma_semaphore, #tpu.memory_space<semaphore_mem>>) src(%dma_wait3A_1050 : memref<2000xi32, #tpu.memory_space<hbm>>) dst(%arg4 : memref<2000xi32, #tpu.memory_space<vmem>>)
    %dma_start3A_1051 = arith.constant 0 : i32
    %dma_start3A_1052 = tpu.memref_slice %arg10[%dma_start3A_1051] : memref<100352xf32, #tpu.memory_space<vmem_shared>> -> memref<100352xf32, #tpu.memory_space<vmem_shared>>
    tpu.enqueue_indirect_dma source(%arg8 : memref<2000xf32, #tpu.memory_space<vmem>>) target(%dma_start3A_1052 : memref<100352xf32, #tpu.memory_space<vmem_shared>>) offsets(%arg4 : memref<2000xi32, #tpu.memory_space<vmem>>) semaphore(%arg15 : memref<!tpu.dma_semaphore, #tpu.memory_space<semaphore_mem>>) {add = true}
    %add3A_1053 = arith.constant 0 : i32
    %add3A_1054 = arith.constant 2 : i32
    %add3A_1055 = arith.addi %add3A_1053, %add3A_1054 : i32
    %mul3A_1056 = arith.constant 2000 : i32
    %mul3A_1057 = arith.muli %add3A_1055, %mul3A_1056 : i32
    %add3A_1058 = arith.addi %mul3A_1040, %mul3A_1057 : i32
    %dma_start3A_1059 = tpu.memref_slice %arg2[%add3A_1058] : memref<3200000xi32, #tpu.memory_space<hbm>> -> memref<2000xi32, #tpu.memory_space<hbm>>
    %dma_start3A_1060 = tpu.memref_slice %arg2[%add3A_1058] : memref<3200000xi32, #tpu.memory_space<hbm>> -> memref<2000xi32, #tpu.memory_space<hbm>>
    tpu.enqueue_dma source(%dma_start3A_1060 : memref<2000xi32, #tpu.memory_space<hbm>>) target(%arg6 : memref<2000xi32, #tpu.memory_space<vmem>>) target_semaphore(%arg13 : memref<!tpu.dma_semaphore, #tpu.memory_space<semaphore_mem>>)
    %dma_wait3A_1061 = arith.constant 0 : i32
    %dma_wait3A_1062 = tpu.memref_slice %arg2[%dma_wait3A_1061] : memref<3200000xi32, #tpu.memory_space<hbm>> -> memref<2000xi32, #tpu.memory_space<hbm>>
    %dma_wait3A_1063 = arith.constant 0 : i32
    %dma_wait3A_1064 = tpu.memref_slice %arg2[%dma_wait3A_1063] : memref<3200000xi32, #tpu.memory_space<hbm>> -> memref<2000xi32, #tpu.memory_space<hbm>>
    tpu.wait_dma2 semaphore(%arg12 : memref<!tpu.dma_semaphore, #tpu.memory_space<semaphore_mem>>) src(%dma_wait3A_1064 : memref<2000xi32, #tpu.memory_space<hbm>>) dst(%arg5 : memref<2000xi32, #tpu.memory_space<vmem>>)
    %dma_start3A_1065 = arith.constant 0 : i32
    %dma_start3A_1066 = tpu.memref_slice %arg10[%dma_start3A_1065] : memref<100352xf32, #tpu.memory_space<vmem_shared>> -> memref<100352xf32, #tpu.memory_space<vmem_shared>>
    tpu.enqueue_indirect_dma source(%arg8 : memref<2000xf32, #tpu.memory_space<vmem>>) target(%dma_start3A_1066 : memref<100352xf32, #tpu.memory_space<vmem_shared>>) offsets(%arg5 : memref<2000xi32, #tpu.memory_space<vmem>>) semaphore(%arg16 : memref<!tpu.dma_semaphore, #tpu.memory_space<semaphore_mem>>) {add = true}
    %add3A_1067 = arith.constant 1 : i32
    %add3A_1068 = arith.constant 2 : i32
    %add3A_1069 = arith.addi %add3A_1067, %add3A_1068 : i32
    %mul3A_1070 = arith.constant 2000 : i32
    %mul3A_1071 = arith.muli %add3A_1069, %mul3A_1070 : i32
    %add3A_1072 = arith.addi %mul3A_1040, %mul3A_1071 : i32
    %dma_start3A_1073 = tpu.memref_slice %arg2[%add3A_1072] : memref<3200000xi32, #tpu.memory_space<hbm>> -> memref<2000xi32, #tpu.memory_space<hbm>>
    %dma_start3A_1074 = tpu.memref_slice %arg2[%add3A_1072] : memref<3200000xi32, #tpu.memory_space<hbm>> -> memref<2000xi32, #tpu.memory_space<hbm>>
    tpu.enqueue_dma source(%dma_start3A_1074 : memref<2000xi32, #tpu.memory_space<hbm>>) target(%arg7 : memref<2000xi32, #tpu.memory_space<vmem>>) target_semaphore(%arg14 : memref<!tpu.dma_semaphore, #tpu.memory_space<semaphore_mem>>)
    %scan3A = arith.constant 0 : i32
    %scan3A_1075 = arith.constant 0 : i32
    %scan3A_1076 = arith.constant 12 : i32
    %scan3A_1077 = arith.addi %scan3A_1075, %scan3A_1076 : i32
    %scan3A_1078 = arith.constant 1 : i32
    scf.for %scan3A_1089 = %scan3A_1075 to %scan3A_1077 step %scan3A_1078  : i32 {
      %mul3A_1090 = arith.constant 4 : i32
      %mul3A_1091 = arith.muli %mul3A_1090, %scan3A_1089 : i32
      %add3A_1092 = arith.constant 2 : i32
      %add3A_1093 = arith.addi %mul3A_1091, %add3A_1092 : i32
      %add3A_1094 = arith.constant 0 : i32
      %add3A_1095 = arith.addi %add3A_1093, %add3A_1094 : i32
      %add3A_1096 = arith.constant 2 : i32
      %add3A_1097 = arith.addi %add3A_1095, %add3A_1096 : i32
      %lt3A = arith.constant 50 : i32
      %lt3A_1098 = arith.cmpi slt, %add3A_1097, %lt3A : i32
      %dma_wait3A_1099 = arith.constant 0 : i32
      %dma_wait3A_1100 = tpu.memref_slice %arg2[%dma_wait3A_1099] : memref<3200000xi32, #tpu.memory_space<hbm>> -> memref<2000xi32, #tpu.memory_space<hbm>>
      %dma_wait3A_1101 = arith.constant 0 : i32
      %dma_wait3A_1102 = tpu.memref_slice %arg2[%dma_wait3A_1101] : memref<3200000xi32, #tpu.memory_space<hbm>> -> memref<2000xi32, #tpu.memory_space<hbm>>
      tpu.wait_dma2 semaphore(%arg13 : memref<!tpu.dma_semaphore, #tpu.memory_space<semaphore_mem>>) src(%dma_wait3A_1102 : memref<2000xi32, #tpu.memory_space<hbm>>) dst(%arg6 : memref<2000xi32, #tpu.memory_space<vmem>>)
      %dma_wait3A_1103 = arith.constant 0 : i32
      %dma_wait3A_1104 = tpu.memref_slice %arg10[%dma_wait3A_1103] : memref<100352xf32, #tpu.memory_space<vmem_shared>> -> memref<100352xf32, #tpu.memory_space<vmem_shared>>
      tpu.wait_indirect_dma semaphore(%arg15 : memref<!tpu.dma_semaphore, #tpu.memory_space<semaphore_mem>>) src(%arg8 : memref<2000xf32, #tpu.memory_space<vmem>>) dst(%dma_wait3A_1104 : memref<100352xf32, #tpu.memory_space<vmem_shared>>)
      %dma_start3A_1105 = arith.constant 0 : i32
      %dma_start3A_1106 = tpu.memref_slice %arg10[%dma_start3A_1105] : memref<100352xf32, #tpu.memory_space<vmem_shared>> -> memref<100352xf32, #tpu.memory_space<vmem_shared>>
      tpu.enqueue_indirect_dma source(%arg8 : memref<2000xf32, #tpu.memory_space<vmem>>) target(%dma_start3A_1106 : memref<100352xf32, #tpu.memory_space<vmem_shared>>) offsets(%arg6 : memref<2000xi32, #tpu.memory_space<vmem>>) semaphore(%arg15 : memref<!tpu.dma_semaphore, #tpu.memory_space<semaphore_mem>>) {add = true}
      %convert_element_type3A = arith.extui %lt3A_1098 : i1 to i32
      %cond3A = arith.constant 0 : i32
      %cond3A_1107 = arith.cmpi ne, %convert_element_type3A, %cond3A : i32
      scf.if %cond3A_1107 {
        %add3A_1171 = arith.constant 2 : i32
        %add3A_1172 = arith.addi %add3A_1095, %add3A_1171 : i32
        %mul3A_1173 = arith.constant 2000 : i32
        %mul3A_1174 = arith.muli %add3A_1172, %mul3A_1173 : i32
        %add3A_1175 = arith.addi %mul3A_1040, %mul3A_1174 : i32
        %dma_start3A_1176 = tpu.memref_slice %arg2[%add3A_1175] : memref<3200000xi32, #tpu.memory_space<hbm>> -> memref<2000xi32, #tpu.memory_space<hbm>>
        %dma_start3A_1177 = tpu.memref_slice %arg2[%add3A_1175] : memref<3200000xi32, #tpu.memory_space<hbm>> -> memref<2000xi32, #tpu.memory_space<hbm>>
        tpu.enqueue_dma source(%dma_start3A_1177 : memref<2000xi32, #tpu.memory_space<hbm>>) target(%arg4 : memref<2000xi32, #tpu.memory_space<vmem>>) target_semaphore(%arg11 : memref<!tpu.dma_semaphore, #tpu.memory_space<semaphore_mem>>)
      } else {
      }
      %mul3A_1108 = arith.constant 4 : i32
      %mul3A_1109 = arith.muli %mul3A_1108, %scan3A_1089 : i32
      %add3A_1110 = arith.constant 2 : i32
      %add3A_1111 = arith.addi %mul3A_1109, %add3A_1110 : i32
      %add3A_1112 = arith.constant 1 : i32
      %add3A_1113 = arith.addi %add3A_1111, %add3A_1112 : i32
      %add3A_1114 = arith.constant 2 : i32
      %add3A_1115 = arith.addi %add3A_1113, %add3A_1114 : i32
      %lt3A_1116 = arith.constant 50 : i32
      %lt3A_1117 = arith.cmpi slt, %add3A_1115, %lt3A_1116 : i32
      %dma_wait3A_1118 = arith.constant 0 : i32
      %dma_wait3A_1119 = tpu.memref_slice %arg2[%dma_wait3A_1118] : memref<3200000xi32, #tpu.memory_space<hbm>> -> memref<2000xi32, #tpu.memory_space<hbm>>
      %dma_wait3A_1120 = arith.constant 0 : i32
      %dma_wait3A_1121 = tpu.memref_slice %arg2[%dma_wait3A_1120] : memref<3200000xi32, #tpu.memory_space<hbm>> -> memref<2000xi32, #tpu.memory_space<hbm>>
      tpu.wait_dma2 semaphore(%arg14 : memref<!tpu.dma_semaphore, #tpu.memory_space<semaphore_mem>>) src(%dma_wait3A_1121 : memref<2000xi32, #tpu.memory_space<hbm>>) dst(%arg7 : memref<2000xi32, #tpu.memory_space<vmem>>)
      %dma_wait3A_1122 = arith.constant 0 : i32
      %dma_wait3A_1123 = tpu.memref_slice %arg10[%dma_wait3A_1122] : memref<100352xf32, #tpu.memory_space<vmem_shared>> -> memref<100352xf32, #tpu.memory_space<vmem_shared>>
      tpu.wait_indirect_dma semaphore(%arg16 : memref<!tpu.dma_semaphore, #tpu.memory_space<semaphore_mem>>) src(%arg8 : memref<2000xf32, #tpu.memory_space<vmem>>) dst(%dma_wait3A_1123 : memref<100352xf32, #tpu.memory_space<vmem_shared>>)
      %dma_start3A_1124 = arith.constant 0 : i32
      %dma_start3A_1125 = tpu.memref_slice %arg10[%dma_start3A_1124] : memref<100352xf32, #tpu.memory_space<vmem_shared>> -> memref<100352xf32, #tpu.memory_space<vmem_shared>>
      tpu.enqueue_indirect_dma source(%arg8 : memref<2000xf32, #tpu.memory_space<vmem>>) target(%dma_start3A_1125 : memref<100352xf32, #tpu.memory_space<vmem_shared>>) offsets(%arg7 : memref<2000xi32, #tpu.memory_space<vmem>>) semaphore(%arg16 : memref<!tpu.dma_semaphore, #tpu.memory_space<semaphore_mem>>) {add = true}
      %convert_element_type3A_1126 = arith.extui %lt3A_1117 : i1 to i32
      %cond3A_1127 = arith.constant 0 : i32
      %cond3A_1128 = arith.cmpi ne, %convert_element_type3A_1126, %cond3A_1127 : i32
      scf.if %cond3A_1128 {
        %add3A_1171 = arith.constant 2 : i32
        %add3A_1172 = arith.addi %add3A_1113, %add3A_1171 : i32
        %mul3A_1173 = arith.constant 2000 : i32
        %mul3A_1174 = arith.muli %add3A_1172, %mul3A_1173 : i32
        %add3A_1175 = arith.addi %mul3A_1040, %mul3A_1174 : i32
        %dma_start3A_1176 = tpu.memref_slice %arg2[%add3A_1175] : memref<3200000xi32, #tpu.memory_space<hbm>> -> memref<2000xi32, #tpu.memory_space<hbm>>
        %dma_start3A_1177 = tpu.memref_slice %arg2[%add3A_1175] : memref<3200000xi32, #tpu.memory_space<hbm>> -> memref<2000xi32, #tpu.memory_space<hbm>>
        tpu.enqueue_dma source(%dma_start3A_1177 : memref<2000xi32, #tpu.memory_space<hbm>>) target(%arg5 : memref<2000xi32, #tpu.memory_space<vmem>>) target_semaphore(%arg12 : memref<!tpu.dma_semaphore, #tpu.memory_space<semaphore_mem>>)
      } else {
      }
      %mul3A_1129 = arith.constant 4 : i32
      %mul3A_1130 = arith.muli %mul3A_1129, %scan3A_1089 : i32
      %add3A_1131 = arith.constant 2 : i32
      %add3A_1132 = arith.addi %mul3A_1130, %add3A_1131 : i32
      %add3A_1133 = arith.constant 2 : i32
      %add3A_1134 = arith.addi %add3A_1132, %add3A_1133 : i32
      %add3A_1135 = arith.constant 2 : i32
      %add3A_1136 = arith.addi %add3A_1134, %add3A_1135 : i32
      %lt3A_1137 = arith.constant 50 : i32
      %lt3A_1138 = arith.cmpi slt, %add3A_1136, %lt3A_1137 : i32
      %dma_wait3A_1139 = arith.constant 0 : i32
      %dma_wait3A_1140 = tpu.memref_slice %arg2[%dma_wait3A_1139] : memref<3200000xi32, #tpu.memory_space<hbm>> -> memref<2000xi32, #tpu.memory_space<hbm>>
      %dma_wait3A_1141 = arith.constant 0 : i32
      %dma_wait3A_1142 = tpu.memref_slice %arg2[%dma_wait3A_1141] : memref<3200000xi32, #tpu.memory_space<hbm>> -> memref<2000xi32, #tpu.memory_space<hbm>>
      tpu.wait_dma2 semaphore(%arg11 : memref<!tpu.dma_semaphore, #tpu.memory_space<semaphore_mem>>) src(%dma_wait3A_1142 : memref<2000xi32, #tpu.memory_space<hbm>>) dst(%arg4 : memref<2000xi32, #tpu.memory_space<vmem>>)
      %dma_wait3A_1143 = arith.constant 0 : i32
      %dma_wait3A_1144 = tpu.memref_slice %arg10[%dma_wait3A_1143] : memref<100352xf32, #tpu.memory_space<vmem_shared>> -> memref<100352xf32, #tpu.memory_space<vmem_shared>>
      tpu.wait_indirect_dma semaphore(%arg15 : memref<!tpu.dma_semaphore, #tpu.memory_space<semaphore_mem>>) src(%arg8 : memref<2000xf32, #tpu.memory_space<vmem>>) dst(%dma_wait3A_1144 : memref<100352xf32, #tpu.memory_space<vmem_shared>>)
      %dma_start3A_1145 = arith.constant 0 : i32
      %dma_start3A_1146 = tpu.memref_slice %arg10[%dma_start3A_1145] : memref<100352xf32, #tpu.memory_space<vmem_shared>> -> memref<100352xf32, #tpu.memory_space<vmem_shared>>
      tpu.enqueue_indirect_dma source(%arg8 : memref<2000xf32, #tpu.memory_space<vmem>>) target(%dma_start3A_1146 : memref<100352xf32, #tpu.memory_space<vmem_shared>>) offsets(%arg4 : memref<2000xi32, #tpu.memory_space<vmem>>) semaphore(%arg15 : memref<!tpu.dma_semaphore, #tpu.memory_space<semaphore_mem>>) {add = true}
      %convert_element_type3A_1147 = arith.extui %lt3A_1138 : i1 to i32
      %cond3A_1148 = arith.constant 0 : i32
      %cond3A_1149 = arith.cmpi ne, %convert_element_type3A_1147, %cond3A_1148 : i32
      scf.if %cond3A_1149 {
        %add3A_1171 = arith.constant 2 : i32
        %add3A_1172 = arith.addi %add3A_1134, %add3A_1171 : i32
        %mul3A_1173 = arith.constant 2000 : i32
        %mul3A_1174 = arith.muli %add3A_1172, %mul3A_1173 : i32
        %add3A_1175 = arith.addi %mul3A_1040, %mul3A_1174 : i32
        %dma_start3A_1176 = tpu.memref_slice %arg2[%add3A_1175] : memref<3200000xi32, #tpu.memory_space<hbm>> -> memref<2000xi32, #tpu.memory_space<hbm>>
        %dma_start3A_1177 = tpu.memref_slice %arg2[%add3A_1175] : memref<3200000xi32, #tpu.memory_space<hbm>> -> memref<2000xi32, #tpu.memory_space<hbm>>
        tpu.enqueue_dma source(%dma_start3A_1177 : memref<2000xi32, #tpu.memory_space<hbm>>) target(%arg6 : memref<2000xi32, #tpu.memory_space<vmem>>) target_semaphore(%arg13 : memref<!tpu.dma_semaphore, #tpu.memory_space<semaphore_mem>>)
      } else {
      }
      %mul3A_1150 = arith.constant 4 : i32
      %mul3A_1151 = arith.muli %mul3A_1150, %scan3A_1089 : i32
      %add3A_1152 = arith.constant 2 : i32
      %add3A_1153 = arith.addi %mul3A_1151, %add3A_1152 : i32
      %add3A_1154 = arith.constant 3 : i32
      %add3A_1155 = arith.addi %add3A_1153, %add3A_1154 : i32
      %add3A_1156 = arith.constant 2 : i32
      %add3A_1157 = arith.addi %add3A_1155, %add3A_1156 : i32
      %lt3A_1158 = arith.constant 50 : i32
      %lt3A_1159 = arith.cmpi slt, %add3A_1157, %lt3A_1158 : i32
      %dma_wait3A_1160 = arith.constant 0 : i32
      %dma_wait3A_1161 = tpu.memref_slice %arg2[%dma_wait3A_1160] : memref<3200000xi32, #tpu.memory_space<hbm>> -> memref<2000xi32, #tpu.memory_space<hbm>>
      %dma_wait3A_1162 = arith.constant 0 : i32
      %dma_wait3A_1163 = tpu.memref_slice %arg2[%dma_wait3A_1162] : memref<3200000xi32, #tpu.memory_space<hbm>> -> memref<2000xi32, #tpu.memory_space<hbm>>
      tpu.wait_dma2 semaphore(%arg12 : memref<!tpu.dma_semaphore, #tpu.memory_space<semaphore_mem>>) src(%dma_wait3A_1163 : memref<2000xi32, #tpu.memory_space<hbm>>) dst(%arg5 : memref<2000xi32, #tpu.memory_space<vmem>>)
      %dma_wait3A_1164 = arith.constant 0 : i32
      %dma_wait3A_1165 = tpu.memref_slice %arg10[%dma_wait3A_1164] : memref<100352xf32, #tpu.memory_space<vmem_shared>> -> memref<100352xf32, #tpu.memory_space<vmem_shared>>
      tpu.wait_indirect_dma semaphore(%arg16 : memref<!tpu.dma_semaphore, #tpu.memory_space<semaphore_mem>>) src(%arg8 : memref<2000xf32, #tpu.memory_space<vmem>>) dst(%dma_wait3A_1165 : memref<100352xf32, #tpu.memory_space<vmem_shared>>)
      %dma_start3A_1166 = arith.constant 0 : i32
      %dma_start3A_1167 = tpu.memref_slice %arg10[%dma_start3A_1166] : memref<100352xf32, #tpu.memory_space<vmem_shared>> -> memref<100352xf32, #tpu.memory_space<vmem_shared>>
      tpu.enqueue_indirect_dma source(%arg8 : memref<2000xf32, #tpu.memory_space<vmem>>) target(%dma_start3A_1167 : memref<100352xf32, #tpu.memory_space<vmem_shared>>) offsets(%arg5 : memref<2000xi32, #tpu.memory_space<vmem>>) semaphore(%arg16 : memref<!tpu.dma_semaphore, #tpu.memory_space<semaphore_mem>>) {add = true}
      %convert_element_type3A_1168 = arith.extui %lt3A_1159 : i1 to i32
      %cond3A_1169 = arith.constant 0 : i32
      %cond3A_1170 = arith.cmpi ne, %convert_element_type3A_1168, %cond3A_1169 : i32
      scf.if %cond3A_1170 {
        %add3A_1171 = arith.constant 2 : i32
        %add3A_1172 = arith.addi %add3A_1155, %add3A_1171 : i32
        %mul3A_1173 = arith.constant 2000 : i32
        %mul3A_1174 = arith.muli %add3A_1172, %mul3A_1173 : i32
        %add3A_1175 = arith.addi %mul3A_1040, %mul3A_1174 : i32
        %dma_start3A_1176 = tpu.memref_slice %arg2[%add3A_1175] : memref<3200000xi32, #tpu.memory_space<hbm>> -> memref<2000xi32, #tpu.memory_space<hbm>>
        %dma_start3A_1177 = tpu.memref_slice %arg2[%add3A_1175] : memref<3200000xi32, #tpu.memory_space<hbm>> -> memref<2000xi32, #tpu.memory_space<hbm>>
        tpu.enqueue_dma source(%dma_start3A_1177 : memref<2000xi32, #tpu.memory_space<hbm>>) target(%arg7 : memref<2000xi32, #tpu.memory_space<vmem>>) target_semaphore(%arg14 : memref<!tpu.dma_semaphore, #tpu.memory_space<semaphore_mem>>)
      } else {
      }
    }
    %scan3A_1079 = arith.constant 12 : i32
    %dma_wait3A_1080 = arith.constant 0 : i32
    %dma_wait3A_1081 = tpu.memref_slice %arg10[%dma_wait3A_1080] : memref<100352xf32, #tpu.memory_space<vmem_shared>> -> memref<100352xf32, #tpu.memory_space<vmem_shared>>
    tpu.wait_indirect_dma semaphore(%arg15 : memref<!tpu.dma_semaphore, #tpu.memory_space<semaphore_mem>>) src(%arg8 : memref<2000xf32, #tpu.memory_space<vmem>>) dst(%dma_wait3A_1081 : memref<100352xf32, #tpu.memory_space<vmem_shared>>)
    %dma_wait3A_1082 = arith.constant 0 : i32
    %dma_wait3A_1083 = tpu.memref_slice %arg10[%dma_wait3A_1082] : memref<100352xf32, #tpu.memory_space<vmem_shared>> -> memref<100352xf32, #tpu.memory_space<vmem_shared>>
    tpu.wait_indirect_dma semaphore(%arg16 : memref<!tpu.dma_semaphore, #tpu.memory_space<semaphore_mem>>) src(%arg8 : memref<2000xf32, #tpu.memory_space<vmem>>) dst(%dma_wait3A_1083 : memref<100352xf32, #tpu.memory_space<vmem_shared>>)
    %barrier3A_1084 = arith.constant 0 : index
    tpu.barrier barrier_id(%barrier3A_1084)
    %mul3A_1085 = arith.constant 6272 : i32
    %mul3A_1086 = arith.muli %arg1, %mul3A_1085 : i32
    "tpu.region"() ({
      %run_scoped3A = tpu.sem_alloc : memref<!tpu.dma_semaphore, #tpu.memory_space<semaphore_mem>>
      %dma_start3A_1089 = tpu.memref_slice %arg10[%mul3A_1086] : memref<100352xf32, #tpu.memory_space<vmem_shared>> -> memref<6272xf32, #tpu.memory_space<vmem_shared>>
      %dma_start3A_1090 = tpu.memref_slice %arg10[%mul3A_1086] : memref<100352xf32, #tpu.memory_space<vmem_shared>> -> memref<6272xf32, #tpu.memory_space<vmem_shared>>
      tpu.enqueue_dma source(%dma_start3A_1090 : memref<6272xf32, #tpu.memory_space<vmem_shared>>) target(%arg9 : memref<6272xf32, #tpu.memory_space<vmem>>) target_semaphore(%run_scoped3A : memref<!tpu.dma_semaphore, #tpu.memory_space<semaphore_mem>>)
      %dma_wait3A_1091 = tpu.memref_slice %arg10[%mul3A_1086] : memref<100352xf32, #tpu.memory_space<vmem_shared>> -> memref<6272xf32, #tpu.memory_space<vmem_shared>>
      %dma_wait3A_1092 = tpu.memref_slice %arg10[%mul3A_1086] : memref<100352xf32, #tpu.memory_space<vmem_shared>> -> memref<6272xf32, #tpu.memory_space<vmem_shared>>
      tpu.wait_dma2 semaphore(%run_scoped3A : memref<!tpu.dma_semaphore, #tpu.memory_space<semaphore_mem>>) src(%dma_wait3A_1092 : memref<6272xf32, #tpu.memory_space<vmem_shared>>) dst(%arg9 : memref<6272xf32, #tpu.memory_space<vmem>>)
      tpu.yield
    }) : () -> ()
    %mul3A_1087 = arith.constant 6272 : i32
    %mul3A_1088 = arith.muli %arg1, %mul3A_1087 : i32
    "tpu.region"() ({
      %run_scoped3A = tpu.sem_alloc : memref<!tpu.dma_semaphore, #tpu.memory_space<semaphore_mem>>
      %dma_start3A_1089 = tpu.memref_slice %arg3[%arg0, %mul3A_1088] : memref<2x100352xf32, #tpu.memory_space<hbm>> -> memref<1x6272xf32, #tpu.memory_space<hbm>>
      %dma_start3A_1090 = tpu.memref_squeeze %dma_start3A_1089 : memref<1x6272xf32, #tpu.memory_space<hbm>> -> memref<6272xf32, #tpu.memory_space<hbm>>
      %dma_start3A_1091 = tpu.memref_slice %arg3[%arg0, %mul3A_1088] : memref<2x100352xf32, #tpu.memory_space<hbm>> -> memref<1x6272xf32, #tpu.memory_space<hbm>>
      %dma_start3A_1092 = tpu.memref_squeeze %dma_start3A_1091 : memref<1x6272xf32, #tpu.memory_space<hbm>> -> memref<6272xf32, #tpu.memory_space<hbm>>
      tpu.enqueue_dma source(%arg9 : memref<6272xf32, #tpu.memory_space<vmem>>) target(%dma_start3A_1092 : memref<6272xf32, #tpu.memory_space<hbm>>) target_semaphore(%run_scoped3A : memref<!tpu.dma_semaphore, #tpu.memory_space<semaphore_mem>>)
      %dma_wait3A_1093 = tpu.memref_slice %arg3[%arg0, %mul3A_1088] : memref<2x100352xf32, #tpu.memory_space<hbm>> -> memref<1x6272xf32, #tpu.memory_space<hbm>>
      %dma_wait3A_1094 = tpu.memref_squeeze %dma_wait3A_1093 : memref<1x6272xf32, #tpu.memory_space<hbm>> -> memref<6272xf32, #tpu.memory_space<hbm>>
      %dma_wait3A_1095 = tpu.memref_slice %arg3[%arg0, %mul3A_1088] : memref<2x100352xf32, #tpu.memory_space<hbm>> -> memref<1x6272xf32, #tpu.memory_space<hbm>>
      %dma_wait3A_1096 = tpu.memref_squeeze %dma_wait3A_1095 : memref<1x6272xf32, #tpu.memory_space<hbm>> -> memref<6272xf32, #tpu.memory_space<hbm>>
      tpu.wait_dma2 semaphore(%run_scoped3A : memref<!tpu.dma_semaphore, #tpu.memory_space<semaphore_mem>>) src(%arg9 : memref<6272xf32, #tpu.memory_space<vmem>>) dst(%dma_wait3A_1096 : memref<6272xf32, #tpu.memory_space<hbm>>)
      tpu.yield
    }) : () -> ()
    return
  }
}

</mosaic_0001>

<sc_bundles>
// kernel: _deg_pass.3.cloned.1.call-start
scs
__scs_entry_jumppad:
0x0: {  	(pc) =	sbr.rel $0x88, $3  }
0x1: {  	(tag) =	ssettag $0x0;
	lr =	simm.s32 $0x1  }
0x2: {  	[smem:$0x3FA0] =	sst lr;
	_ =	strace $0xD0000000  }
0x3: {  	_ = 	snop  }
0x4: {  	_ = 	snop  }
0x5: {  	_ = 	snop  }
0x6: {  	_ = 	snop  }
0x7: {  	_ = 	snop  }
__scs_overlays_trampoline_lowered:
0x8: {  	[smem:$0x3FAF] =	sst s0  }
0x9: {  	[smem:$0x3FB0] =	sst s1  }
0xa: {  	[smem:$0x3FB1] =	sst s2  }
0xb: {  	[smem:$0x3FB2] =	sst s3  }
0xc: {  	[smem:$0x3FB3] =	sst s4  }
0xd: {  	[smem:$0x3FB4] =	sst s5  }
0xe: {  	[smem:$0x3FB5] =	sst s6  }
0xf: {  	[smem:$0x3FB6] =	sst s7  }
0x10: {  	[smem:$0x3FB7] =	sst s8  }
0x11: {  	[smem:$0x3FB8] =	sst s9;
	s0 =	simm.s32 @!p0 $0x0  }
0x12: {  	s1 =	sld [smem:$0x3F9E];
	s0 =	simm.s32 @p0 $0x1  }
0x13: {  	[smem:$0x3FB9] =	sst s0;
	s0 =	simm.s32 @!p1 $0x0  }
0x14: {  	s2 =	sld [smem:$0x3F9D];
	s0 =	simm.s32 @p1 $0x1  }
0x15: {  	[smem:$0x3FBA] =	sst s0;
	s0 =	simm.s32 @!p2 $0x0  }
0x16: {  	s3 =	sld [smem:$0x3FDB];
	s0 =	simm.s32 @p2 $0x1  }
0x17: {  	s4 =	simm.s32 $0x1BF5;
	[smem:$0x3FBC] =	sst s0  }
0x18: {  	s0 =	sld [smem:$0x3F9F];
	_ =	swait.ge [sflag:s4], $0x0  }
0x19: {  	s7 =	sld [smem:$0x3FA0]  }
0x1a: {  	s8 =	sadd.s32 $0xFFFFE003, lr  }
0x1b: {  	s9 =	sadd.s32 $0xFFFFFEF7, lr;
	s5 =	simm.s32 $0xFFFFFFFF;
	p2 =	slt.u32 s8, $0xFFFFF086  }
0x1c: {  	p1 =	slt.u32 s9, $0xF7A;
	s5 =	simm.s32 @!p2 $0x0  }
0x1d: {  	s5 =	simm.s32 @p1 $0x1;
	p0 =	seq.s32 s7, s2  }
0x1e: {  	s7 =	smul.u32 @!p0 $0xF7A, s2;
	p2 =	seq.s32 @!p0 s5, $0x0  }
0x1f: {  	s9 =	smul.u32 $0xF7A, s1;
	s8 =	simm.s32 @!p0 $0x1BF5;
	p2 =	por !p2, p0  }
0x20: {  	[sflag:s8] =	ssyncset.s32 @!p0 $0xFFFFF086;
	s6 =	sadd.s32 @!p0 s3, s7;
	s7 =	simm.s32 @!p0 $0x108  }
0x21: {  	s3 =	sadd.s32 s3, s9;
	s6 =	sadd.s32 @!p0 $0x88, s6;
	s7 =	simm.s32 @p2 $0x1082  }
0x22: {  	[simem:s7], [sflag:s8] =	dma.local @!p0 [hbm:s6], $0xF7A  }
0x23: {  	s9 =	sor.u32 $0xD0000000, s2;
	s6 =	simm.s32 $0x108;
	_ =	swait.ge @!p0 [sflag:s8], $0x0  }
0x24: {  	s3 =	sadd.s32 $0x88, s3;
	s6 =	simm.s32 @!p1 $0x1082;
	[sflag:s4] =	ssyncset.s32 $0xFFFFF086  }
0x25: {  	[simem:s6], [sflag:s4] =	dma.local [hbm:s3], $0xF7A  }
0x26: {  	[smem:$0x3FA0] =	sst s1;
	(tag) =	ssettag s2;
	_ =	strace s9  }
0x27: {  	s1 =	sld [smem:$0x3FB0]  }
0x28: {  	s2 =	sld [smem:$0x3FB1]  }
0x29: {  	s4 =	sld [smem:$0x3FB3]  }
0x2a: {  	p0 =	seq.s32 s5, $0x0;
	s5 =	sld [smem:$0x3FB4]  }
0x2b: {  	s6 =	sld [smem:$0x3FB5]  }
0x2c: {  	s7 =	sld [smem:$0x3FB6]  }
0x2d: {  	s3 =	simm.s32 $0x108;
	s8 =	sld [smem:$0x3FB7]  }
0x2e: {  	s3 =	simm.s32 @!p0 $0x1082;
	s9 =	sld [smem:$0x3FB8]  }
0x2f: {  	lr =	sadd.s32 s0, s3;
	s0 =	sld [smem:$0x3FAF]  }
0x30: {  	s3 =	sld [smem:$0x3FB2]  }
0x31: {  	[smem:$0x3FBB] =	sst s10  }
0x32: {  	s10 =	sld [smem:$0x3FB9];
	_ =	sdelay $0x3  }
0x33: {  	p0 =	seq.s32 s10, $0x1;
	s10 =	sld [smem:$0x3FBB];
	_ =	sdelay $0x3  }
0x34: {  	[smem:$0x3FBB] =	sst s10  }
0x35: {  	s10 =	sld [smem:$0x3FBA];
	_ =	sdelay $0x3  }
0x36: {  	p1 =	seq.s32 s10, $0x1;
	s10 =	sld [smem:$0x3FBB];
	_ =	sdelay $0x3  }
0x37: {  	[smem:$0x3FBB] =	sst s10  }
0x38: {  	s10 =	sld [smem:$0x3FBC]  }
0x39: {  	_ = 	snop;
	(pc) =	sbr.ind lr, $3  }
0x3a: {  	_ = 	snop  }
0x3b: {  	_ = 	snop  }
0x3c: {  	p2 =	seq.s32 s10, $0x1;
	s10 =	sld [smem:$0x3FBB]  }
0x3d: {  	_ =	shalt  }
0x3e: {  	_ =	shalt  }
0x3f: {  	_ =	shalt  }
0x40: {  	_ =	shalt  }
0x41: {  	_ =	shalt  }
0x42: {  	_ =	shalt  }
0x43: {  	_ =	shalt  }
0x44: {  	_ =	shalt  }
0x45: {  	_ =	shalt  }
0x46: {  	_ =	shalt  }
0x47: {  	_ =	shalt  }
0x48: {  	_ =	shalt  }
0x49: {  	_ =	shalt  }
0x4a: {  	_ =	shalt  }
0x4b: {  	_ =	shalt  }
0x4c: {  	_ =	shalt  }
0x4d: {  	_ =	shalt  }
0x4e: {  	_ =	shalt  }
0x4f: {  	_ =	shalt  }
0x50: {  	_ =	shalt  }
0x51: {  	_ =	shalt  }
0x52: {  	_ =	shalt  }
0x53: {  	_ =	shalt  }
0x54: {  	_ =	shalt  }
0x55: {  	_ =	shalt  }
0x56: {  	_ =	shalt  }
0x57: {  	_ =	shalt  }
0x58: {  	_ =	shalt  }
0x59: {  	_ =	shalt  }
0x5a: {  	_ =	shalt  }
0x5b: {  	_ =	shalt  }
0x5c: {  	_ =	shalt  }
0x5d: {  	_ =	shalt  }
0x5e: {  	_ =	shalt  }
0x5f: {  	_ =	shalt  }
0x60: {  	_ =	shalt  }
0x61: {  	_ =	shalt  }
0x62: {  	_ =	shalt  }
0x63: {  	_ =	shalt  }
0x64: {  	_ =	shalt  }
0x65: {  	_ =	shalt  }
0x66: {  	_ =	shalt  }
0x67: {  	_ =	shalt  }
0x68: {  	_ =	shalt  }
0x69: {  	_ =	shalt  }
0x6a: {  	_ =	shalt  }
0x6b: {  	_ =	shalt  }
0x6c: {  	_ =	shalt  }
0x6d: {  	_ =	shalt  }
0x6e: {  	_ =	shalt  }
0x6f: {  	_ =	shalt  }
0x70: {  	_ =	shalt  }
0x71: {  	_ =	shalt  }
0x72: {  	_ =	shalt  }
0x73: {  	_ =	shalt  }
0x74: {  	_ =	shalt  }
0x75: {  	_ =	shalt  }
0x76: {  	_ =	shalt  }
0x77: {  	_ =	shalt  }
0x78: {  	_ =	shalt  }
0x79: {  	_ =	shalt  }
0x7a: {  	_ =	shalt  }
0x7b: {  	_ =	shalt  }
0x7c: {  	_ =	shalt  }
0x7d: {  	_ =	shalt  }
0x7e: {  	_ =	shalt  }
0x7f: {  	_ =	shalt  }
0x80: {  	_ =	shalt  }
0x81: {  	_ =	shalt  }
0x82: {  	_ =	shalt  }
0x83: {  	_ =	shalt  }
0x84: {  	_ =	shalt  }
0x85: {  	_ =	shalt  }
0x86: {  	_ =	shalt  }
0x87: {  	_ =	shalt  }
.Lfunc_end0:
.L_simem_size_0:
called_computation_lowered:
.L_overlay_start_0:
0x88: {  	s2 =	sld [smem:$0x3FD9]  }
0x89: {  	s3 =	sld [smem:$0x3FFE];
	_ =	sdelay $0x1  }
0x8a: {  	s1 =	srdreg.scid  }
0x8b: {  	s0 =	sand.u32 $0x1, s1  }
0x8c: {  	s18 =	sshll.u32 s0, $0xA;
	s2 =	sadd.s32 s3, s2  }
0x8d: {  	s2 =	sadd.s32 s2, s18  }
0x8e: {  	[smem:$0x3FC7] =	sst s2  }
0x8f: {  	_ = 	snop  }
0x90: {  	s2 =	sld [smem:$0x3FC9]  }
0x91: {  	s19 =	sld [smem:$0x3FD0];
	(tm) =	ssettm $0x1  }
0x92: {  	s4 =	sld [smem:$0x3FFB];
	_ =	sdelay $0x3  }
0x93: {  	_ =	strace s4  }
0x94: {  	s4 =	sld [smem:$0x3FFC];
	_ =	sdelay $0x3  }
0x95: {  	_ =	strace s4  }
0x96: {  	s4 =	sld [smem:$0x3FFD];
	_ =	sdelay $0x3  }
0x97: {  	_ =	strace s4  }
0x98: {  	_ =	strace $0x8FFFFFFF  }
0x99: {  	s20 =	sld [smem:$0x3FDB];
	_ =	sdelay $0x1  }
0x9a: {  	s5 =	simm.s32 $_scs_section_size  }
0x9b: {  	s6 =	simm.s32 $_size__tile_overlayer_lowered;
	s7 =	simm.s32 $_tile_overlayer_lowered  }
0x9c: {  	s23 =	simm.s32 $0x1BFF;
	s22 =	sshll.u32 s7, $0x1;
	s4 =	sadd.s32 s5, s20  }
0x9d: {  	s8 =	simm.s32 $0x0;
	s21 =	sshll.u32 s6, $0x1;
	s6 =	sadd.s32 s22, s4  }
0x9e: {  	[timem:s8], [sflag:s23] =	dma.local [hbm:s6], s21  }
0x9f: {  	_ =	swait.ge [sflag:s23], s21  }
0xa0: {  	s5 =	ssub.s32 $0x0, s21;
	[sflag:s23] =	ssyncset.done $0x0  }
0xa1: {  	[sflag:s23] =	ssyncadd.s32 s5;
	_ =	sdelay $0x1  }
0xa2: {  	s24 =	simm.s32 $0x1B8B  }
0xa3: {  	_ =	swait.ge [sflag:s24], $0x1  }
0xa4: {  	[sflag:s24] =	ssyncset.done $0x0  }
0xa5: {  	s25 =	simm.s32 $0x1B8E;
	[sflag:s24] =	ssyncadd.s32 $0xFFFFFFFF  }
0xa6: {  	s26 =	simm.s32 $execute0_lowered;
	[smem:$0x3FD2] =	sst s25  }
0xa7: {  	s5 =	sshll.u32 s26, $0x1;
	_ =	strace $0x80000046;
	[dreg:$0x1] =	wrdreg $0xFFFFFFFF  }
0xa8: {  	s28 =	simm.s32 $_size_execute0_lowered;
	s4 =	sadd.s32 s4, s5;
	[dreg:$0x0] =	wrdreg $0x0  }
0xa9: {  	s5 =	sshll.u32 s28, $0x1;
	[dreg:$0x2] =	wrdreg s4  }
0xaa: {  	[dreg:$0x3] =	wrdreg s5  }
0xab: {  	[dreg:$0x4] =	wrdreg $0xC0  }
0xac: {  	_ =	task [dreg:s8], $0x5FFFF  }
0xad: {  	[dreg:$0x1] =	wrdreg $0xFFFFFFFF  }
0xae: {  	[dreg:$0x0] =	wrdreg $0x60  }
0xaf: {  	[dreg:$0x2] =	wrdreg s2  }
0xb0: {  	[dreg:$0x3] =	wrdreg s19  }
0xb1: {  	[dreg:$0x4] =	wrdreg $0x40800  }
0xb2: {  	[dreg:$0x5] =	wrdreg $0x9  }
0xb3: {  	_ =	task.clear_ibuf [dreg:s8], $0x6FFFF;
	_ =	strace $0x90000046  }
0xb4: {  	s29 =	simm.s32 $0x9;
	_ =	strace $0x80000048  }
0xb5: {  	_ =	swait.ge [sflag:s29], $0x1  }
0xb6: {  	[sflag:s29] =	ssyncadd.s32 $0xFFFFFFFF  }
0xb7: {  	_ =	strace $0x90000048  }
0xb8: {  	_ =	sfence  }
0xb9: {  	s30 =	sld [smem:$0x0];
	_ =	sdelay $0x2  }
0xba: {  	s31 =	sshll.u32 s1, $0xD;
	s1 =	sshrl.u32 s1, $0x2  }
0xbb: {  	s3 =	sand.u32 $0x4000, s31;
	s1 =	sadd.s32 s1, s30  }
0xbc: {  	s0 =	sor.u32 s3, s0;
	s1 =	sshll.u32 s1, $0x11  }
0xbd: {  	s0 =	sor.u32 s1, s0  }
0xbe: {  	s0 =	sadd.s32 $0x8F2B, s0  }
0xbf: {  	[sflag:s0] =	ssyncadd.remote.s32 $0x1  }
0xc0: {  	_ =	sfence.sel $0xFFFF  }
0xc1: {  	[dreg:$0x0] =	wrdreg $0xFFFFFFFF;
	(pc) =	sbr.abs _section_cstart, $3  }
0xc2: {  	[dreg:$0x1] =	wrdreg $0xFFFFFFFF  }
0xc3: {  	_ =	task.clear_ibuf [dreg:s8], $0x2FFFF;
	_ =	strace $0x9FFFFFFF  }
0xc4: {  	(tm) =	ssettm $0x7FFFFFFF  }
0xc5: {  	_ =	shalt  }
tec
execute0_lowered:
.L_overlay_start_1:
0x0: {  	(tag) =	ssettag $0x1  }
0x1: {  	s1 =	rddreg [dreg:$0x0]  }
0x2: {  	s0 =	rddreg [dreg:$0x1]  }
0x3: {  	s2 =	rddreg [dreg:$0x2];
	s3 =	srdreg.scid  }
0x4: {  	s4 =	simm.s32 $0x0;
	s10 =	stileid.u32;
	s28 =	simm.s32 $0x3  }
0x5: {  	s29 =	simm.s32 $0x5;
	s30 =	simm.s32 $0x4;
	s7 =	smul.u32 $0x6200, s10  }
0x6: {  	s31 =	simm.s32 $0x6;
	s3 =	sand.u32 $0x1, s3;
	s17 =	smul.u32 $0x3100, s10  }
0x7: {  	[smem:$0x7FF] =	sst s4;
	s13 =	smul.u32 $0x186A0, s10;
	s5 =	sshll.u32 s3, $0x4  }
0x8: {  	s6 =	ssub.s32 $0x2, s3;
	_ =	strace $0x80000047;
	s19 =	sshll.u32 s3, $0x7  }
0x9: {  	s3 =	smul.u32 $0x186A00, s3;
	s5 =	sor.u32 s10, s5;
	s8 =	sshrl.u32 s6, $0x1  }
0xa: {  	s16 =	sshrl.u32 s7, $0x2;
	s7 =	sor.u32 s19, s17;
	s19 =	simm.s32 $0x7  }
0xb: {  	s9 =	smul.u32 $0x186A0, s5;
	s8 =	ssub.s32 s6, s8;
	s7 =	sshrl.u32 s7, $0x3  }
0xc: {  	s5 =	sadd.s32 s16, s2;
	s23 =	sadd.s32 s13, s3;
	s10 =	sadd.s32 s0, s7  }
0xd: {  	s11 =	smax.u32 s8, $0x1;
	s3 =	sadd.s32 $0x36B0, s23;
	s24 =	sadd.s32 $0x2EE0, s23  }
0xe: {  	s25 =	sadd.s32 $0x2710, s23;
	s17 =	sadd.s32 $0x1F40, s23;
	s23 =	simm.s32 $0x2000  }
0xf: {  	s0 =	simm.s32 $0x0;
	s18 =	sshrl.u32 s9, $0x3;
	s3 =	sshrl.u32 s3, $0x3  }
0x10: {  	s7 =	sshrl.u32 s24, $0x3;
	s26 =	sshrl.u32 s25, $0x3;
	s24 =	simm.s32 $0x1000  }
0x11: {  	s25 =	simm.s32 $0x2;
	s6 =	sadd.s32 s1, s18;
	s14 =	sadd.s32 s3, s1  }
0x12: {  	s15 =	sadd.s32 s7, s1;
	s16 =	sadd.s32 s26, s1;
	s20 =	sadd.s32 $0xFA, s6  }
0x13: {  	s18 =	simm.s32 $0x2800;
	s21 =	sadd.s32 $0x1F4, s6;
	[dreg:$0x4] =	wrdreg s20  }
0x14: {  	s26 =	simm.s32 $0x1800;
	s22 =	sadd.s32 $0x2EE, s6;
	[dreg:$0x5] =	wrdreg s21  }
0x15: {  	s12 =	sadd.s32 $0x2EE0, s6;
	s13 =	sadd.s32 $0x2FDA, s6;
	[dreg:$0x6] =	wrdreg s22  }
0x16: {  	v0 =	vimm.f32 $1.000000000e+00;
	v1 =	vimm.f32 $0.0e+00;
	s20 =	simm.s32 $0x800;
	s21 =	simm.s32 $0x1;
	s22 =	simm.s32 $0x7D0  }
.LBB2_1:
0x17: {  	[tilespmem:$0x2000] =	vst v0  }
0x18: {  	[tilespmem:$0x2010] =	vst v0  }
0x19: {  	[tilespmem:$0x2020] =	vst v0  }
0x1a: {  	[tilespmem:$0x2030] =	vst v0  }
0x1b: {  	[tilespmem:$0x2040] =	vst v0  }
0x1c: {  	[tilespmem:$0x2050] =	vst v0  }
0x1d: {  	[tilespmem:$0x2060] =	vst v0  }
0x1e: {  	[tilespmem:$0x2070] =	vst v0  }
0x1f: {  	[tilespmem:$0x2080] =	vst v0  }
0x20: {  	[tilespmem:$0x2090] =	vst v0  }
0x21: {  	[tilespmem:$0x20A0] =	vst v0  }
0x22: {  	[tilespmem:$0x20B0] =	vst v0  }
0x23: {  	[tilespmem:$0x20C0] =	vst v0  }
0x24: {  	[tilespmem:$0x20D0] =	vst v0  }
0x25: {  	[tilespmem:$0x20E0] =	vst v0  }
0x26: {  	[tilespmem:$0x20F0] =	vst v0  }
0x27: {  	[tilespmem:$0x2100] =	vst v0  }
0x28: {  	[tilespmem:$0x2110] =	vst v0  }
0x29: {  	[tilespmem:$0x2120] =	vst v0  }
0x2a: {  	[tilespmem:$0x2130] =	vst v0  }
0x2b: {  	[tilespmem:$0x2140] =	vst v0  }
0x2c: {  	[tilespmem:$0x2150] =	vst v0  }
0x2d: {  	[tilespmem:$0x2160] =	vst v0  }
0x2e: {  	[tilespmem:$0x2170] =	vst v0  }
0x2f: {  	[tilespmem:$0x2180] =	vst v0  }
0x30: {  	[tilespmem:$0x2190] =	vst v0  }
0x31: {  	[tilespmem:$0x21A0] =	vst v0  }
0x32: {  	[tilespmem:$0x21B0] =	vst v0  }
0x33: {  	[tilespmem:$0x21C0] =	vst v0  }
0x34: {  	[tilespmem:$0x21D0] =	vst v0  }
0x35: {  	[tilespmem:$0x21E0] =	vst v0  }
0x36: {  	[tilespmem:$0x21F0] =	vst v0  }
0x37: {  	[tilespmem:$0x2200] =	vst v0  }
0x38: {  	[tilespmem:$0x2210] =	vst v0  }
0x39: {  	[tilespmem:$0x2220] =	vst v0  }
0x3a: {  	[tilespmem:$0x2230] =	vst v0  }
0x3b: {  	[tilespmem:$0x2240] =	vst v0  }
0x3c: {  	[tilespmem:$0x2250] =	vst v0  }
0x3d: {  	[tilespmem:$0x2260] =	vst v0  }
0x3e: {  	[tilespmem:$0x2270] =	vst v0  }
0x3f: {  	[tilespmem:$0x2280] =	vst v0  }
0x40: {  	[tilespmem:$0x2290] =	vst v0  }
0x41: {  	[tilespmem:$0x22A0] =	vst v0  }
0x42: {  	[tilespmem:$0x22B0] =	vst v0  }
0x43: {  	[tilespmem:$0x22C0] =	vst v0  }
0x44: {  	[tilespmem:$0x22D0] =	vst v0  }
0x45: {  	[tilespmem:$0x22E0] =	vst v0  }
0x46: {  	[tilespmem:$0x22F0] =	vst v0  }
0x47: {  	[tilespmem:$0x2300] =	vst v0  }
0x48: {  	[tilespmem:$0x2310] =	vst v0  }
0x49: {  	[tilespmem:$0x2320] =	vst v0  }
0x4a: {  	[tilespmem:$0x2330] =	vst v0  }
0x4b: {  	[tilespmem:$0x2340] =	vst v0  }
0x4c: {  	[tilespmem:$0x2350] =	vst v0  }
0x4d: {  	[tilespmem:$0x2360] =	vst v0  }
0x4e: {  	[tilespmem:$0x2370] =	vst v0  }
0x4f: {  	[tilespmem:$0x2380] =	vst v0  }
0x50: {  	[tilespmem:$0x2390] =	vst v0  }
0x51: {  	[tilespmem:$0x23A0] =	vst v0  }
0x52: {  	[tilespmem:$0x23B0] =	vst v0  }
0x53: {  	[tilespmem:$0x23C0] =	vst v0  }
0x54: {  	[tilespmem:$0x23D0] =	vst v0  }
0x55: {  	[tilespmem:$0x23E0] =	vst v0  }
0x56: {  	[tilespmem:$0x23F0] =	vst v0  }
0x57: {  	[tilespmem:$0x2400] =	vst v0  }
0x58: {  	[tilespmem:$0x2410] =	vst v0  }
0x59: {  	[tilespmem:$0x2420] =	vst v0  }
0x5a: {  	[tilespmem:$0x2430] =	vst v0  }
0x5b: {  	[tilespmem:$0x2440] =	vst v0  }
0x5c: {  	[tilespmem:$0x2450] =	vst v0  }
0x5d: {  	[tilespmem:$0x2460] =	vst v0  }
0x5e: {  	[tilespmem:$0x2470] =	vst v0  }
0x5f: {  	[tilespmem:$0x2480] =	vst v0  }
0x60: {  	[tilespmem:$0x2490] =	vst v0  }
0x61: {  	[tilespmem:$0x24A0] =	vst v0  }
0x62: {  	[tilespmem:$0x24B0] =	vst v0  }
0x63: {  	[tilespmem:$0x24C0] =	vst v0  }
0x64: {  	[tilespmem:$0x24D0] =	vst v0  }
0x65: {  	[tilespmem:$0x24E0] =	vst v0  }
0x66: {  	[tilespmem:$0x24F0] =	vst v0  }
0x67: {  	[tilespmem:$0x2500] =	vst v0  }
0x68: {  	[tilespmem:$0x2510] =	vst v0  }
0x69: {  	[tilespmem:$0x2520] =	vst v0  }
0x6a: {  	[tilespmem:$0x2530] =	vst v0  }
0x6b: {  	[tilespmem:$0x2540] =	vst v0  }
0x6c: {  	[tilespmem:$0x2550] =	vst v0  }
0x6d: {  	[tilespmem:$0x2560] =	vst v0  }
0x6e: {  	[tilespmem:$0x2570] =	vst v0  }
0x6f: {  	[tilespmem:$0x2580] =	vst v0  }
0x70: {  	[tilespmem:$0x2590] =	vst v0  }
0x71: {  	[tilespmem:$0x25A0] =	vst v0  }
0x72: {  	[tilespmem:$0x25B0] =	vst v0  }
0x73: {  	[tilespmem:$0x25C0] =	vst v0  }
0x74: {  	[tilespmem:$0x25D0] =	vst v0  }
0x75: {  	[tilespmem:$0x25E0] =	vst v0  }
0x76: {  	[tilespmem:$0x25F0] =	vst v0  }
0x77: {  	[tilespmem:$0x2600] =	vst v0  }
0x78: {  	[tilespmem:$0x2610] =	vst v0  }
0x79: {  	[tilespmem:$0x2620] =	vst v0  }
0x7a: {  	[tilespmem:$0x2630] =	vst v0  }
0x7b: {  	[tilespmem:$0x2640] =	vst v0  }
0x7c: {  	[tilespmem:$0x2650] =	vst v0  }
0x7d: {  	[tilespmem:$0x2660] =	vst v0  }
0x7e: {  	[tilespmem:$0x2670] =	vst v0  }
0x7f: {  	[tilespmem:$0x2680] =	vst v0  }
0x80: {  	[tilespmem:$0x2690] =	vst v0  }
0x81: {  	[tilespmem:$0x26A0] =	vst v0  }
0x82: {  	[tilespmem:$0x26B0] =	vst v0  }
0x83: {  	[tilespmem:$0x26C0] =	vst v0  }
0x84: {  	[tilespmem:$0x26D0] =	vst v0  }
0x85: {  	[tilespmem:$0x26E0] =	vst v0  }
0x86: {  	[tilespmem:$0x26F0] =	vst v0  }
0x87: {  	[tilespmem:$0x2700] =	vst v0  }
0x88: {  	[tilespmem:$0x2710] =	vst v0  }
0x89: {  	[tilespmem:$0x2720] =	vst v0  }
0x8a: {  	[tilespmem:$0x2730] =	vst v0  }
0x8b: {  	[tilespmem:$0x2740] =	vst v0  }
0x8c: {  	[tilespmem:$0x2750] =	vst v0  }
0x8d: {  	[tilespmem:$0x2760] =	vst v0  }
0x8e: {  	[tilespmem:$0x2770] =	vst v0  }
0x8f: {  	[tilespmem:$0x2780] =	vst v0  }
0x90: {  	[tilespmem:$0x2790] =	vst v0  }
0x91: {  	[tilespmem:$0x27A0] =	vst v0  }
0x92: {  	[tilespmem:$0x27B0] =	vst v0  }
0x93: {  	[tilespmem:$0x27C0] =	vst v0  }
0x94: {  	[tilespmem:$0x2800] =	vst v1  }
0x95: {  	[tilespmem:$0x2810] =	vst v1  }
0x96: {  	[tilespmem:$0x2820] =	vst v1  }
0x97: {  	[tilespmem:$0x2830] =	vst v1  }
0x98: {  	[tilespmem:$0x2840] =	vst v1  }
0x99: {  	[tilespmem:$0x2850] =	vst v1  }
0x9a: {  	[tilespmem:$0x2860] =	vst v1  }
0x9b: {  	[tilespmem:$0x2870] =	vst v1  }
0x9c: {  	[tilespmem:$0x2880] =	vst v1  }
0x9d: {  	[tilespmem:$0x2890] =	vst v1  }
0x9e: {  	[tilespmem:$0x28A0] =	vst v1  }
0x9f: {  	[tilespmem:$0x28B0] =	vst v1  }
0xa0: {  	[tilespmem:$0x28C0] =	vst v1  }
0xa1: {  	[tilespmem:$0x28D0] =	vst v1  }
0xa2: {  	[tilespmem:$0x28E0] =	vst v1  }
0xa3: {  	[tilespmem:$0x28F0] =	vst v1  }
0xa4: {  	[tilespmem:$0x2900] =	vst v1  }
0xa5: {  	[tilespmem:$0x2910] =	vst v1  }
0xa6: {  	[tilespmem:$0x2920] =	vst v1  }
0xa7: {  	[tilespmem:$0x2930] =	vst v1  }
0xa8: {  	[tilespmem:$0x2940] =	vst v1  }
0xa9: {  	[tilespmem:$0x2950] =	vst v1  }
0xaa: {  	[tilespmem:$0x2960] =	vst v1  }
0xab: {  	[tilespmem:$0x2970] =	vst v1  }
0xac: {  	[tilespmem:$0x2980] =	vst v1  }
0xad: {  	[tilespmem:$0x2990] =	vst v1  }
0xae: {  	[tilespmem:$0x29A0] =	vst v1  }
0xaf: {  	[tilespmem:$0x29B0] =	vst v1  }
0xb0: {  	[tilespmem:$0x29C0] =	vst v1  }
0xb1: {  	[tilespmem:$0x29D0] =	vst v1  }
0xb2: {  	[tilespmem:$0x29E0] =	vst v1  }
0xb3: {  	[tilespmem:$0x29F0] =	vst v1  }
0xb4: {  	[tilespmem:$0x2A00] =	vst v1  }
0xb5: {  	[tilespmem:$0x2A10] =	vst v1  }
0xb6: {  	[tilespmem:$0x2A20] =	vst v1  }
0xb7: {  	[tilespmem:$0x2A30] =	vst v1  }
0xb8: {  	[tilespmem:$0x2A40] =	vst v1  }
0xb9: {  	[tilespmem:$0x2A50] =	vst v1  }
0xba: {  	[tilespmem:$0x2A60] =	vst v1  }
0xbb: {  	[tilespmem:$0x2A70] =	vst v1  }
0xbc: {  	[tilespmem:$0x2A80] =	vst v1  }
0xbd: {  	[tilespmem:$0x2A90] =	vst v1  }
0xbe: {  	[tilespmem:$0x2AA0] =	vst v1  }
0xbf: {  	[tilespmem:$0x2AB0] =	vst v1  }
0xc0: {  	[tilespmem:$0x2AC0] =	vst v1  }
0xc1: {  	[tilespmem:$0x2AD0] =	vst v1  }
0xc2: {  	[tilespmem:$0x2AE0] =	vst v1  }
0xc3: {  	[tilespmem:$0x2AF0] =	vst v1  }
0xc4: {  	[tilespmem:$0x2B00] =	vst v1  }
0xc5: {  	[tilespmem:$0x2B10] =	vst v1  }
0xc6: {  	[tilespmem:$0x2B20] =	vst v1  }
0xc7: {  	[tilespmem:$0x2B30] =	vst v1  }
0xc8: {  	[tilespmem:$0x2B40] =	vst v1  }
0xc9: {  	[tilespmem:$0x2B50] =	vst v1  }
0xca: {  	[tilespmem:$0x2B60] =	vst v1  }
0xcb: {  	[tilespmem:$0x2B70] =	vst v1  }
0xcc: {  	[tilespmem:$0x2B80] =	vst v1  }
0xcd: {  	[tilespmem:$0x2B90] =	vst v1  }
0xce: {  	[tilespmem:$0x2BA0] =	vst v1  }
0xcf: {  	[tilespmem:$0x2BB0] =	vst v1  }
0xd0: {  	[tilespmem:$0x2BC0] =	vst v1  }
0xd1: {  	[tilespmem:$0x2BD0] =	vst v1  }
0xd2: {  	[tilespmem:$0x2BE0] =	vst v1  }
0xd3: {  	[tilespmem:$0x2BF0] =	vst v1  }
0xd4: {  	[tilespmem:$0x2C00] =	vst v1  }
0xd5: {  	[tilespmem:$0x2C10] =	vst v1  }
0xd6: {  	[tilespmem:$0x2C20] =	vst v1  }
0xd7: {  	[tilespmem:$0x2C30] =	vst v1  }
0xd8: {  	[tilespmem:$0x2C40] =	vst v1  }
0xd9: {  	[tilespmem:$0x2C50] =	vst v1  }
0xda: {  	[tilespmem:$0x2C60] =	vst v1  }
0xdb: {  	[tilespmem:$0x2C70] =	vst v1  }
0xdc: {  	[tilespmem:$0x2C80] =	vst v1  }
0xdd: {  	[tilespmem:$0x2C90] =	vst v1  }
0xde: {  	[tilespmem:$0x2CA0] =	vst v1  }
0xdf: {  	[tilespmem:$0x2CB0] =	vst v1  }
0xe0: {  	[tilespmem:$0x2CC0] =	vst v1  }
0xe1: {  	[tilespmem:$0x2CD0] =	vst v1  }
0xe2: {  	[tilespmem:$0x2CE0] =	vst v1  }
0xe3: {  	[tilespmem:$0x2CF0] =	vst v1  }
0xe4: {  	[tilespmem:$0x2D00] =	vst v1  }
0xe5: {  	[tilespmem:$0x2D10] =	vst v1  }
0xe6: {  	[tilespmem:$0x2D20] =	vst v1  }
0xe7: {  	[tilespmem:$0x2D30] =	vst v1  }
0xe8: {  	[tilespmem:$0x2D40] =	vst v1  }
0xe9: {  	[tilespmem:$0x2D50] =	vst v1  }
0xea: {  	[tilespmem:$0x2D60] =	vst v1  }
0xeb: {  	[tilespmem:$0x2D70] =	vst v1  }
0xec: {  	[tilespmem:$0x2D80] =	vst v1  }
0xed: {  	[tilespmem:$0x2D90] =	vst v1  }
0xee: {  	[tilespmem:$0x2DA0] =	vst v1  }
0xef: {  	[tilespmem:$0x2DB0] =	vst v1  }
0xf0: {  	[tilespmem:$0x2DC0] =	vst v1  }
0xf1: {  	[tilespmem:$0x2DD0] =	vst v1  }
0xf2: {  	[tilespmem:$0x2DE0] =	vst v1  }
0xf3: {  	[tilespmem:$0x2DF0] =	vst v1  }
0xf4: {  	[tilespmem:$0x2E00] =	vst v1  }
0xf5: {  	[tilespmem:$0x2E10] =	vst v1  }
0xf6: {  	[tilespmem:$0x2E20] =	vst v1  }
0xf7: {  	[tilespmem:$0x2E30] =	vst v1  }
0xf8: {  	[tilespmem:$0x2E40] =	vst v1  }
0xf9: {  	[tilespmem:$0x2E50] =	vst v1  }
0xfa: {  	[tilespmem:$0x2E60] =	vst v1  }
0xfb: {  	[tilespmem:$0x2E70] =	vst v1  }
0xfc: {  	[tilespmem:$0x2E80] =	vst v1  }
0xfd: {  	[tilespmem:$0x2E90] =	vst v1  }
0xfe: {  	[tilespmem:$0x2EA0] =	vst v1  }
0xff: {  	[tilespmem:$0x2EB0] =	vst v1  }
0x100: {  	[tilespmem:$0x2EC0] =	vst v1  }
0x101: {  	[tilespmem:$0x2ED0] =	vst v1  }
0x102: {  	[tilespmem:$0x2EE0] =	vst v1  }
0x103: {  	[tilespmem:$0x2EF0] =	vst v1  }
0x104: {  	[tilespmem:$0x2F00] =	vst v1  }
0x105: {  	[tilespmem:$0x2F10] =	vst v1  }
0x106: {  	[tilespmem:$0x2F20] =	vst v1  }
0x107: {  	[tilespmem:$0x2F30] =	vst v1  }
0x108: {  	[tilespmem:$0x2F40] =	vst v1  }
0x109: {  	[tilespmem:$0x2F50] =	vst v1  }
0x10a: {  	[tilespmem:$0x2F60] =	vst v1  }
0x10b: {  	[tilespmem:$0x2F70] =	vst v1  }
0x10c: {  	[tilespmem:$0x2F80] =	vst v1  }
0x10d: {  	[tilespmem:$0x2F90] =	vst v1  }
0x10e: {  	[tilespmem:$0x2FA0] =	vst v1  }
0x10f: {  	[tilespmem:$0x2FB0] =	vst v1  }
0x110: {  	[tilespmem:$0x2FC0] =	vst v1  }
0x111: {  	[tilespmem:$0x2FD0] =	vst v1  }
0x112: {  	[tilespmem:$0x2FE0] =	vst v1  }
0x113: {  	[tilespmem:$0x2FF0] =	vst v1  }
0x114: {  	[tilespmem:$0x3000] =	vst v1  }
0x115: {  	[tilespmem:$0x3010] =	vst v1  }
0x116: {  	[tilespmem:$0x3020] =	vst v1  }
0x117: {  	[tilespmem:$0x3030] =	vst v1  }
0x118: {  	[tilespmem:$0x3040] =	vst v1  }
0x119: {  	[tilespmem:$0x3050] =	vst v1  }
0x11a: {  	[tilespmem:$0x3060] =	vst v1  }
0x11b: {  	[tilespmem:$0x3070] =	vst v1  }
0x11c: {  	[tilespmem:$0x3080] =	vst v1  }
0x11d: {  	[tilespmem:$0x3090] =	vst v1  }
0x11e: {  	[tilespmem:$0x30A0] =	vst v1  }
0x11f: {  	[tilespmem:$0x30B0] =	vst v1  }
0x120: {  	[tilespmem:$0x30C0] =	vst v1  }
0x121: {  	[tilespmem:$0x30D0] =	vst v1  }
0x122: {  	[tilespmem:$0x30E0] =	vst v1  }
0x123: {  	[tilespmem:$0x30F0] =	vst v1  }
0x124: {  	[tilespmem:$0x3100] =	vst v1  }
0x125: {  	[tilespmem:$0x3110] =	vst v1  }
0x126: {  	[tilespmem:$0x3120] =	vst v1  }
0x127: {  	[tilespmem:$0x3130] =	vst v1  }
0x128: {  	[tilespmem:$0x3140] =	vst v1  }
0x129: {  	[tilespmem:$0x3150] =	vst v1  }
0x12a: {  	[tilespmem:$0x3160] =	vst v1  }
0x12b: {  	[tilespmem:$0x3170] =	vst v1  }
0x12c: {  	[tilespmem:$0x3180] =	vst v1  }
0x12d: {  	[tilespmem:$0x3190] =	vst v1  }
0x12e: {  	[tilespmem:$0x31A0] =	vst v1  }
0x12f: {  	[tilespmem:$0x31B0] =	vst v1  }
0x130: {  	[tilespmem:$0x31C0] =	vst v1  }
0x131: {  	[tilespmem:$0x31D0] =	vst v1  }
0x132: {  	[tilespmem:$0x31E0] =	vst v1  }
0x133: {  	[tilespmem:$0x31F0] =	vst v1  }
0x134: {  	[tilespmem:$0x3200] =	vst v1  }
0x135: {  	[tilespmem:$0x3210] =	vst v1  }
0x136: {  	[tilespmem:$0x3220] =	vst v1  }
0x137: {  	[tilespmem:$0x3230] =	vst v1  }
0x138: {  	[tilespmem:$0x3240] =	vst v1  }
0x139: {  	[tilespmem:$0x3250] =	vst v1  }
0x13a: {  	[tilespmem:$0x3260] =	vst v1  }
0x13b: {  	[tilespmem:$0x3270] =	vst v1  }
0x13c: {  	[tilespmem:$0x3280] =	vst v1  }
0x13d: {  	[tilespmem:$0x3290] =	vst v1  }
0x13e: {  	[tilespmem:$0x32A0] =	vst v1  }
0x13f: {  	[tilespmem:$0x32B0] =	vst v1  }
0x140: {  	[tilespmem:$0x32C0] =	vst v1  }
0x141: {  	[tilespmem:$0x32D0] =	vst v1  }
0x142: {  	[tilespmem:$0x32E0] =	vst v1  }
0x143: {  	[tilespmem:$0x32F0] =	vst v1  }
0x144: {  	[tilespmem:$0x3300] =	vst v1  }
0x145: {  	[tilespmem:$0x3310] =	vst v1  }
0x146: {  	[tilespmem:$0x3320] =	vst v1  }
0x147: {  	[tilespmem:$0x3330] =	vst v1  }
0x148: {  	[tilespmem:$0x3340] =	vst v1  }
0x149: {  	[tilespmem:$0x3350] =	vst v1  }
0x14a: {  	[tilespmem:$0x3360] =	vst v1  }
0x14b: {  	[tilespmem:$0x3370] =	vst v1  }
0x14c: {  	[tilespmem:$0x4060] =	vst v1  }
0x14d: {  	[tilespmem:$0x4050] =	vst v1  }
0x14e: {  	[tilespmem:$0x4040] =	vst v1  }
0x14f: {  	[tilespmem:$0x3380] =	vst v1  }
0x150: {  	[tilespmem:$0x3390] =	vst v1  }
0x151: {  	[tilespmem:$0x33A0] =	vst v1  }
0x152: {  	[tilespmem:$0x33B0] =	vst v1  }
0x153: {  	[tilespmem:$0x33C0] =	vst v1  }
0x154: {  	[tilespmem:$0x33D0] =	vst v1  }
0x155: {  	[tilespmem:$0x33E0] =	vst v1  }
0x156: {  	[tilespmem:$0x33F0] =	vst v1  }
0x157: {  	[tilespmem:$0x3400] =	vst v1  }
0x158: {  	[tilespmem:$0x3410] =	vst v1  }
0x159: {  	[tilespmem:$0x3420] =	vst v1  }
0x15a: {  	[tilespmem:$0x3430] =	vst v1  }
0x15b: {  	[tilespmem:$0x3440] =	vst v1  }
0x15c: {  	[tilespmem:$0x3450] =	vst v1  }
0x15d: {  	[tilespmem:$0x3460] =	vst v1  }
0x15e: {  	[tilespmem:$0x3470] =	vst v1  }
0x15f: {  	[tilespmem:$0x3480] =	vst v1  }
0x160: {  	[tilespmem:$0x3490] =	vst v1  }
0x161: {  	[tilespmem:$0x34A0] =	vst v1  }
0x162: {  	[tilespmem:$0x34B0] =	vst v1  }
0x163: {  	[tilespmem:$0x34C0] =	vst v1  }
0x164: {  	[tilespmem:$0x34D0] =	vst v1  }
0x165: {  	[tilespmem:$0x34E0] =	vst v1  }
0x166: {  	[tilespmem:$0x34F0] =	vst v1  }
0x167: {  	[tilespmem:$0x3500] =	vst v1  }
0x168: {  	[tilespmem:$0x3510] =	vst v1  }
0x169: {  	[tilespmem:$0x3520] =	vst v1  }
0x16a: {  	[tilespmem:$0x3530] =	vst v1  }
0x16b: {  	[tilespmem:$0x3540] =	vst v1  }
0x16c: {  	[tilespmem:$0x3550] =	vst v1  }
0x16d: {  	[tilespmem:$0x3560] =	vst v1  }
0x16e: {  	[tilespmem:$0x3570] =	vst v1  }
0x16f: {  	[tilespmem:$0x3580] =	vst v1  }
0x170: {  	[tilespmem:$0x3590] =	vst v1  }
0x171: {  	[tilespmem:$0x35A0] =	vst v1  }
0x172: {  	[tilespmem:$0x35B0] =	vst v1  }
0x173: {  	[tilespmem:$0x35C0] =	vst v1  }
0x174: {  	[tilespmem:$0x35D0] =	vst v1  }
0x175: {  	[tilespmem:$0x35E0] =	vst v1  }
0x176: {  	[tilespmem:$0x35F0] =	vst v1  }
0x177: {  	[tilespmem:$0x3600] =	vst v1  }
0x178: {  	[tilespmem:$0x3610] =	vst v1  }
0x179: {  	[tilespmem:$0x3620] =	vst v1  }
0x17a: {  	[tilespmem:$0x3630] =	vst v1  }
0x17b: {  	[tilespmem:$0x3640] =	vst v1  }
0x17c: {  	[tilespmem:$0x3650] =	vst v1  }
0x17d: {  	[tilespmem:$0x3660] =	vst v1  }
0x17e: {  	[tilespmem:$0x3670] =	vst v1  }
0x17f: {  	[tilespmem:$0x3680] =	vst v1  }
0x180: {  	[tilespmem:$0x3690] =	vst v1  }
0x181: {  	[tilespmem:$0x36A0] =	vst v1  }
0x182: {  	[tilespmem:$0x36B0] =	vst v1  }
0x183: {  	[tilespmem:$0x36C0] =	vst v1  }
0x184: {  	[tilespmem:$0x36D0] =	vst v1  }
0x185: {  	[tilespmem:$0x36E0] =	vst v1  }
0x186: {  	[tilespmem:$0x36F0] =	vst v1  }
0x187: {  	[tilespmem:$0x3700] =	vst v1  }
0x188: {  	[tilespmem:$0x3710] =	vst v1  }
0x189: {  	[tilespmem:$0x3720] =	vst v1  }
0x18a: {  	[tilespmem:$0x3730] =	vst v1  }
0x18b: {  	[tilespmem:$0x3740] =	vst v1  }
0x18c: {  	[tilespmem:$0x3750] =	vst v1  }
0x18d: {  	[tilespmem:$0x3760] =	vst v1  }
0x18e: {  	[tilespmem:$0x3770] =	vst v1  }
0x18f: {  	[tilespmem:$0x3780] =	vst v1  }
0x190: {  	[tilespmem:$0x3790] =	vst v1  }
0x191: {  	[tilespmem:$0x37A0] =	vst v1  }
0x192: {  	[tilespmem:$0x37B0] =	vst v1  }
0x193: {  	[tilespmem:$0x37C0] =	vst v1  }
0x194: {  	[tilespmem:$0x37D0] =	vst v1  }
0x195: {  	[tilespmem:$0x37E0] =	vst v1  }
0x196: {  	[tilespmem:$0x37F0] =	vst v1  }
0x197: {  	[tilespmem:$0x3800] =	vst v1  }
0x198: {  	[tilespmem:$0x3810] =	vst v1  }
0x199: {  	[tilespmem:$0x3820] =	vst v1  }
0x19a: {  	[tilespmem:$0x3830] =	vst v1  }
0x19b: {  	[tilespmem:$0x3840] =	vst v1  }
0x19c: {  	[tilespmem:$0x3850] =	vst v1  }
0x19d: {  	[tilespmem:$0x3860] =	vst v1  }
0x19e: {  	[tilespmem:$0x3870] =	vst v1  }
0x19f: {  	[tilespmem:$0x3880] =	vst v1  }
0x1a0: {  	[tilespmem:$0x3890] =	vst v1  }
0x1a1: {  	[tilespmem:$0x38A0] =	vst v1  }
0x1a2: {  	[tilespmem:$0x38B0] =	vst v1  }
0x1a3: {  	[tilespmem:$0x38C0] =	vst v1  }
0x1a4: {  	[tilespmem:$0x38D0] =	vst v1  }
0x1a5: {  	[tilespmem:$0x38E0] =	vst v1  }
0x1a6: {  	[tilespmem:$0x38F0] =	vst v1  }
0x1a7: {  	[tilespmem:$0x3900] =	vst v1  }
0x1a8: {  	[tilespmem:$0x3910] =	vst v1  }
0x1a9: {  	[tilespmem:$0x3920] =	vst v1  }
0x1aa: {  	[tilespmem:$0x3930] =	vst v1  }
0x1ab: {  	[tilespmem:$0x3940] =	vst v1  }
0x1ac: {  	[tilespmem:$0x3950] =	vst v1  }
0x1ad: {  	[tilespmem:$0x3960] =	vst v1  }
0x1ae: {  	[tilespmem:$0x3970] =	vst v1  }
0x1af: {  	[tilespmem:$0x3980] =	vst v1  }
0x1b0: {  	[tilespmem:$0x3990] =	vst v1  }
0x1b1: {  	[tilespmem:$0x39A0] =	vst v1  }
0x1b2: {  	[tilespmem:$0x39B0] =	vst v1  }
0x1b3: {  	[tilespmem:$0x39C0] =	vst v1  }
0x1b4: {  	[tilespmem:$0x39D0] =	vst v1  }
0x1b5: {  	[tilespmem:$0x39E0] =	vst v1  }
0x1b6: {  	[tilespmem:$0x39F0] =	vst v1  }
0x1b7: {  	[tilespmem:$0x3A00] =	vst v1  }
0x1b8: {  	[tilespmem:$0x3A10] =	vst v1  }
0x1b9: {  	[tilespmem:$0x3A20] =	vst v1  }
0x1ba: {  	[tilespmem:$0x3A30] =	vst v1  }
0x1bb: {  	[tilespmem:$0x3A40] =	vst v1  }
0x1bc: {  	[tilespmem:$0x3A50] =	vst v1  }
0x1bd: {  	[tilespmem:$0x3A60] =	vst v1  }
0x1be: {  	[tilespmem:$0x3A70] =	vst v1  }
0x1bf: {  	[tilespmem:$0x3A80] =	vst v1  }
0x1c0: {  	[tilespmem:$0x3A90] =	vst v1  }
0x1c1: {  	[tilespmem:$0x3AA0] =	vst v1  }
0x1c2: {  	[tilespmem:$0x3AB0] =	vst v1  }
0x1c3: {  	[tilespmem:$0x3AC0] =	vst v1  }
0x1c4: {  	[tilespmem:$0x3AD0] =	vst v1  }
0x1c5: {  	[tilespmem:$0x3AE0] =	vst v1  }
0x1c6: {  	[tilespmem:$0x3AF0] =	vst v1  }
0x1c7: {  	[tilespmem:$0x3B00] =	vst v1  }
0x1c8: {  	[tilespmem:$0x3B10] =	vst v1  }
0x1c9: {  	[tilespmem:$0x3B20] =	vst v1  }
0x1ca: {  	[tilespmem:$0x3B30] =	vst v1  }
0x1cb: {  	[tilespmem:$0x3B40] =	vst v1  }
0x1cc: {  	[tilespmem:$0x3B50] =	vst v1  }
0x1cd: {  	[tilespmem:$0x3B60] =	vst v1  }
0x1ce: {  	[tilespmem:$0x3B70] =	vst v1  }
0x1cf: {  	[tilespmem:$0x3B80] =	vst v1  }
0x1d0: {  	[tilespmem:$0x3B90] =	vst v1  }
0x1d1: {  	[tilespmem:$0x3BA0] =	vst v1  }
0x1d2: {  	[tilespmem:$0x3BB0] =	vst v1  }
0x1d3: {  	[tilespmem:$0x3BC0] =	vst v1  }
0x1d4: {  	[tilespmem:$0x3BD0] =	vst v1  }
0x1d5: {  	[tilespmem:$0x3BE0] =	vst v1  }
0x1d6: {  	[tilespmem:$0x3BF0] =	vst v1  }
0x1d7: {  	[tilespmem:$0x3C00] =	vst v1  }
0x1d8: {  	[tilespmem:$0x3C10] =	vst v1  }
0x1d9: {  	[tilespmem:$0x3C20] =	vst v1  }
0x1da: {  	[tilespmem:$0x3C30] =	vst v1  }
0x1db: {  	[tilespmem:$0x3C40] =	vst v1  }
0x1dc: {  	[tilespmem:$0x3C50] =	vst v1  }
0x1dd: {  	[tilespmem:$0x3C60] =	vst v1  }
0x1de: {  	[tilespmem:$0x3C70] =	vst v1  }
0x1df: {  	[tilespmem:$0x3C80] =	vst v1  }
0x1e0: {  	[tilespmem:$0x3C90] =	vst v1  }
0x1e1: {  	[tilespmem:$0x3CA0] =	vst v1  }
0x1e2: {  	[tilespmem:$0x3CB0] =	vst v1  }
0x1e3: {  	[tilespmem:$0x3CC0] =	vst v1  }
0x1e4: {  	[tilespmem:$0x3CD0] =	vst v1  }
0x1e5: {  	[tilespmem:$0x3CE0] =	vst v1  }
0x1e6: {  	[tilespmem:$0x3CF0] =	vst v1  }
0x1e7: {  	[tilespmem:$0x3D00] =	vst v1  }
0x1e8: {  	[tilespmem:$0x3D10] =	vst v1  }
0x1e9: {  	[tilespmem:$0x3D20] =	vst v1  }
0x1ea: {  	[tilespmem:$0x3D30] =	vst v1  }
0x1eb: {  	[tilespmem:$0x3D40] =	vst v1  }
0x1ec: {  	[tilespmem:$0x3D50] =	vst v1  }
0x1ed: {  	[tilespmem:$0x3D60] =	vst v1  }
0x1ee: {  	[tilespmem:$0x3D70] =	vst v1  }
0x1ef: {  	[tilespmem:$0x3D80] =	vst v1  }
0x1f0: {  	[tilespmem:$0x3D90] =	vst v1  }
0x1f1: {  	[tilespmem:$0x3DA0] =	vst v1  }
0x1f2: {  	[tilespmem:$0x3DB0] =	vst v1  }
0x1f3: {  	[tilespmem:$0x3DC0] =	vst v1  }
0x1f4: {  	[tilespmem:$0x3DD0] =	vst v1  }
0x1f5: {  	[tilespmem:$0x3DE0] =	vst v1  }
0x1f6: {  	[tilespmem:$0x3DF0] =	vst v1  }
0x1f7: {  	[tilespmem:$0x3E00] =	vst v1  }
0x1f8: {  	[tilespmem:$0x3E10] =	vst v1  }
0x1f9: {  	[tilespmem:$0x3E20] =	vst v1  }
0x1fa: {  	[tilespmem:$0x3E30] =	vst v1  }
0x1fb: {  	[tilespmem:$0x3E40] =	vst v1  }
0x1fc: {  	[tilespmem:$0x3E50] =	vst v1  }
0x1fd: {  	[tilespmem:$0x3E60] =	vst v1  }
0x1fe: {  	[tilespmem:$0x3E70] =	vst v1  }
0x1ff: {  	[tilespmem:$0x3E80] =	vst v1  }
0x200: {  	[tilespmem:$0x3E90] =	vst v1  }
0x201: {  	[tilespmem:$0x3EA0] =	vst v1  }
0x202: {  	[tilespmem:$0x3EB0] =	vst v1  }
0x203: {  	[tilespmem:$0x3EC0] =	vst v1  }
0x204: {  	[tilespmem:$0x3ED0] =	vst v1  }
0x205: {  	[tilespmem:$0x3EE0] =	vst v1  }
0x206: {  	[tilespmem:$0x3EF0] =	vst v1  }
0x207: {  	[tilespmem:$0x3F00] =	vst v1  }
0x208: {  	[tilespmem:$0x3F10] =	vst v1  }
0x209: {  	[tilespmem:$0x3F20] =	vst v1  }
0x20a: {  	[tilespmem:$0x3F30] =	vst v1  }
0x20b: {  	[tilespmem:$0x3F40] =	vst v1  }
0x20c: {  	[tilespmem:$0x3F50] =	vst v1  }
0x20d: {  	[tilespmem:$0x3F60] =	vst v1  }
0x20e: {  	[tilespmem:$0x3F70] =	vst v1  }
0x20f: {  	[tilespmem:$0x3F80] =	vst v1  }
0x210: {  	[tilespmem:$0x3F90] =	vst v1  }
0x211: {  	[tilespmem:$0x3FA0] =	vst v1  }
0x212: {  	[tilespmem:$0x3FB0] =	vst v1  }
0x213: {  	[tilespmem:$0x3FC0] =	vst v1  }
0x214: {  	[tilespmem:$0x3FD0] =	vst v1  }
0x215: {  	[tilespmem:$0x3FE0] =	vst v1  }
0x216: {  	[tilespmem:$0x3FF0] =	vst v1  }
0x217: {  	[tilespmem:$0x4000] =	vst v1  }
0x218: {  	[tilespmem:$0x4010] =	vst v1  }
0x219: {  	[tilespmem:$0x4020] =	vst v1  }
0x21a: {  	[tilespmem:$0x4030] =	vst v1  }
0x21b: {  	[tilespmem:$0x4070] =	vst v1  }
0x21c: {  	[spmem:s5] =	stream.linear.scatter [tilespmem:s18], [sflag:$0x7], $0x1880, $0x38;
	[tilespmem:$0x5900] =	vst v63  }
0x21d: {  	_ =	swait.ge [sflag:s19], $0x1880  }
0x21e: {  	[sflag:s19] =	ssyncset.done $0x0  }
0x21f: {  	[sflag:s19] =	ssyncadd.s32 $0xFFFFE780  }
0x220: {  	[bflag:$0x0] =	sbarrier.arrive $0xFFFF  }
0x221: {  	[tilespmem:s4], [sflag:$0x1] =	stream.linear.gather [hbm4b:s6+s4], $0x7D0, $0x38;
	[tilespmem:$0x5900] =	vst v63  }
0x222: {  	s3 =	rddreg [dreg:$0x4]  }
0x223: {  	[tilespmem:s20], [sflag:$0x2] =	stream.linear.gather [hbm4b:s3+s4], $0x7D0, $0x38;
	[tilespmem:$0x5900] =	vst v63  }
0x224: {  	_ =	swait.ge [sflag:s21], $0x7D0  }
0x225: {  	[sflag:s21] =	ssyncset.done $0x0  }
0x226: {  	[sflag:s21] =	ssyncadd.s32 $0xFFFFF830  }
0x227: {  	[spmem:s2] =	stream.indirect.scatter.add.f32 [tilespmem:s23], [sflag:$0x5], $0x1, s4, s22, $0xb8;
	[tilespmem:$0x5900] =	vst v63  }
0x228: {  	s8 =	rddreg [dreg:$0x5]  }
0x229: {  	[tilespmem:s24], [sflag:$0x3] =	stream.linear.gather [hbm4b:s8+s4], $0x7D0, $0x38;
	[tilespmem:$0x5900] =	vst v63  }
0x22a: {  	_ =	swait.ge [sflag:s25], $0x7D0  }
0x22b: {  	[sflag:s25] =	ssyncset.done $0x0  }
0x22c: {  	[sflag:s25] =	ssyncadd.s32 $0xFFFFF830  }
0x22d: {  	[spmem:s2] =	stream.indirect.scatter.add.f32 [tilespmem:s23], [sflag:$0x6], $0x1, s20, s22, $0xb8;
	[tilespmem:$0x5900] =	vst v63  }
0x22e: {  	s9 =	rddreg [dreg:$0x6]  }
0x22f: {  	[tilespmem:s26], [sflag:$0x4] =	stream.linear.gather [hbm4b:s9+s4], $0x7D0, $0x38;
	[tilespmem:$0x5900] =	vst v63  }
0x230: {  	_ =	swait.ge [sflag:s28], $0x7D0  }
0x231: {  	[sflag:s28] =	ssyncset.done $0x0  }
0x232: {  	[sflag:s28] =	ssyncadd.s32 $0xFFFFF830  }
0x233: {  	_ =	swait.ge [sflag:s29], $0x7D0  }
0x234: {  	[sflag:s29] =	ssyncset.done $0x0  }
0x235: {  	s7 =	sshrl.u32 s17, $0x3;
	[sflag:s29] =	ssyncadd.s32 $0xFFFFF830  }
0x236: {  	[spmem:s2] =	stream.indirect.scatter.add.f32 [tilespmem:s23], [sflag:$0x5], $0x1, s24, s22, $0xb8;
	[tilespmem:$0x5900] =	vst v63  }
0x237: {  	s3 =	sadd.s32 s1, s7  }
0x238: {  	[tilespmem:s4], [sflag:$0x1] =	stream.linear.gather [hbm4b:s3+s4], $0x7D0, $0x38;
	[tilespmem:$0x5900] =	vst v63  }
0x239: {  	_ =	swait.ge [sflag:s30], $0x7D0  }
0x23a: {  	[sflag:s30] =	ssyncset.done $0x0  }
0x23b: {  	[sflag:s30] =	ssyncadd.s32 $0xFFFFF830  }
0x23c: {  	_ =	swait.ge [sflag:s31], $0x7D0  }
0x23d: {  	[sflag:s31] =	ssyncset.done $0x0  }
0x23e: {  	[sflag:s31] =	ssyncadd.s32 $0xFFFFF830  }
0x23f: {  	[spmem:s2] =	stream.indirect.scatter.add.f32 [tilespmem:s23], [sflag:$0x6], $0x1, s26, s22, $0xb8;
	[tilespmem:$0x5900] =	vst v63  }
0x240: {  	s8 =	sadd.s32 $0x0, s16  }
0x241: {  	[tilespmem:s20], [sflag:$0x2] =	stream.linear.gather [hbm4b:s8+s4], $0x7D0, $0x38;
	[tilespmem:$0x5900] =	vst v63  }
0x242: {  	_ =	swait.ge [sflag:s21], $0x7D0  }
0x243: {  	[sflag:s21] =	ssyncset.done $0x0  }
0x244: {  	[sflag:s21] =	ssyncadd.s32 $0xFFFFF830  }
0x245: {  	_ =	swait.ge [sflag:s29], $0x7D0  }
0x246: {  	[sflag:s29] =	ssyncset.done $0x0  }
0x247: {  	[sflag:s29] =	ssyncadd.s32 $0xFFFFF830  }
0x248: {  	[spmem:s2] =	stream.indirect.scatter.add.f32 [tilespmem:s23], [sflag:$0x5], $0x1, s4, s22, $0xb8;
	[tilespmem:$0x5900] =	vst v63  }
0x249: {  	s9 =	sadd.s32 $0x0, s15  }
0x24a: {  	[tilespmem:s24], [sflag:$0x3] =	stream.linear.gather [hbm4b:s9+s4], $0x7D0, $0x38;
	[tilespmem:$0x5900] =	vst v63  }
0x24b: {  	_ =	swait.ge [sflag:s25], $0x7D0  }
0x24c: {  	[sflag:s25] =	ssyncset.done $0x0  }
0x24d: {  	[sflag:s25] =	ssyncadd.s32 $0xFFFFF830  }
0x24e: {  	_ =	swait.ge [sflag:s31], $0x7D0  }
0x24f: {  	s7 =	sadd.s32 $0x1F40, s17;
	[sflag:s31] =	ssyncset.done $0x0  }
0x250: {  	s3 =	simm.s32 $0x3E8;
	s8 =	sadd.s32 $0x0, s14;
	[sflag:s31] =	ssyncadd.s32 $0xFFFFF830  }
0x251: {  	[spmem:s2] =	stream.indirect.scatter.add.f32 [tilespmem:s23], [sflag:$0x6], $0x1, s20, s22, $0xb8;
	[tilespmem:$0x5900] =	vst v63  }
.LBB2_2:
0x252: {  	[tilespmem:s26], [sflag:$0x4] =	stream.linear.gather [hbm4b:s8+s4], $0x7D0, $0x38;
	[tilespmem:$0x5900] =	vst v63  }
0x253: {  	s8 =	smov.u32 s3  }
0x254: {  	p0 =	sne.s32 s3, $0x2710;
	s3 =	sadd.s32 $0x3E8, s3;
	_ =	swait.ge [sflag:s28], $0x7D0  }
0x255: {  	[sflag:s28] =	ssyncset.done $0x0  }
0x256: {  	[sflag:s28] =	ssyncadd.s32 $0xFFFFF830  }
0x257: {  	_ =	swait.ge [sflag:s29], $0x7D0  }
0x258: {  	[sflag:s29] =	ssyncset.done $0x0  }
0x259: {  	s9 =	sshrl.u32 s7, $0x3;
	[sflag:s29] =	ssyncadd.s32 $0xFFFFF830  }
0x25a: {  	[spmem:s2] =	stream.indirect.scatter.add.f32 [tilespmem:s23], [sflag:$0x5], $0x1, s24, s22, $0xb8;
	[tilespmem:$0x5900] =	vst v63  }
0x25b: {  	s9 =	sadd.s32 s1, s9  }
0x25c: {  	[tilespmem:s4], [sflag:$0x1] =	stream.linear.gather [hbm4b:s9+s4], $0x7D0, $0x38;
	[tilespmem:$0x5900] =	vst v63  }
0x25d: {  	_ =	swait.ge [sflag:s30], $0x7D0  }
0x25e: {  	[sflag:s30] =	ssyncset.done $0x0  }
0x25f: {  	[sflag:s30] =	ssyncadd.s32 $0xFFFFF830  }
0x260: {  	_ =	swait.ge [sflag:s31], $0x7D0  }
0x261: {  	[sflag:s31] =	ssyncset.done $0x0  }
0x262: {  	[sflag:s31] =	ssyncadd.s32 $0xFFFFF830  }
0x263: {  	[spmem:s2] =	stream.indirect.scatter.add.f32 [tilespmem:s23], [sflag:$0x6], $0x1, s26, s22, $0xb8;
	[tilespmem:$0x5900] =	vst v63  }
0x264: {  	s9 =	sadd.s32 s8, s16  }
0x265: {  	[tilespmem:s20], [sflag:$0x2] =	stream.linear.gather [hbm4b:s9+s4], $0x7D0, $0x38;
	[tilespmem:$0x5900] =	vst v63  }
0x266: {  	_ =	swait.ge [sflag:s21], $0x7D0  }
0x267: {  	[sflag:s21] =	ssyncset.done $0x0  }
0x268: {  	[sflag:s21] =	ssyncadd.s32 $0xFFFFF830  }
0x269: {  	_ =	swait.ge [sflag:s29], $0x7D0  }
0x26a: {  	[sflag:s29] =	ssyncset.done $0x0  }
0x26b: {  	[sflag:s29] =	ssyncadd.s32 $0xFFFFF830  }
0x26c: {  	[spmem:s2] =	stream.indirect.scatter.add.f32 [tilespmem:s23], [sflag:$0x5], $0x1, s4, s22, $0xb8;
	[tilespmem:$0x5900] =	vst v63  }
0x26d: {  	s9 =	sadd.s32 s8, s15  }
0x26e: {  	[tilespmem:s24], [sflag:$0x3] =	stream.linear.gather [hbm4b:s9+s4], $0x7D0, $0x38;
	[tilespmem:$0x5900] =	vst v63  }
0x26f: {  	_ =	swait.ge [sflag:s25], $0x7D0  }
0x270: {  	[sflag:s25] =	ssyncset.done $0x0  }
0x271: {  	[sflag:s25] =	ssyncadd.s32 $0xFFFFF830  }
.Ltmp0:
0x272: {  	_ =	swait.ge [sflag:s31], $0x7D0;
	(pc) =	sbr.rel @p0 .LBB2_2-.Ltmp0, $4  }
0x273: {  	[sflag:s31] =	ssyncset.done $0x0  }
0x274: {  	[sflag:s31] =	ssyncadd.s32 $0xFFFFF830  }
0x275: {  	[spmem:s2] =	stream.indirect.scatter.add.f32 [tilespmem:s23], [sflag:$0x6], $0x1, s20, s22, $0xb8;
	[tilespmem:$0x5900] =	vst v63  }
0x276: {  	s7 =	sadd.s32 $0x1F40, s7;
	s8 =	sadd.s32 s8, s14  }
0x277: {  	[tilespmem:s26], [sflag:$0x4] =	stream.linear.gather [hbm4b:s8+s4], $0x7D0, $0x38;
	[tilespmem:$0x5900] =	vst v63  }
0x278: {  	_ =	swait.ge [sflag:s28], $0x7D0  }
0x279: {  	[sflag:s28] =	ssyncset.done $0x0  }
0x27a: {  	[sflag:s28] =	ssyncadd.s32 $0xFFFFF830  }
0x27b: {  	_ =	swait.ge [sflag:s29], $0x7D0  }
0x27c: {  	[sflag:s29] =	ssyncset.done $0x0  }
0x27d: {  	[sflag:s29] =	ssyncadd.s32 $0xFFFFF830  }
0x27e: {  	[spmem:s2] =	stream.indirect.scatter.add.f32 [tilespmem:s23], [sflag:$0x5], $0x1, s24, s22, $0xb8;
	[tilespmem:$0x5900] =	vst v63  }
0x27f: {  	_ = 	snop  }
0x280: {  	[tilespmem:s4], [sflag:$0x1] =	stream.linear.gather [hbm4b:s12+s4], $0x7D0, $0x38;
	[tilespmem:$0x5900] =	vst v63  }
0x281: {  	_ =	swait.ge [sflag:s30], $0x7D0  }
0x282: {  	[sflag:s30] =	ssyncset.done $0x0  }
0x283: {  	[sflag:s30] =	ssyncadd.s32 $0xFFFFF830  }
0x284: {  	_ =	swait.ge [sflag:s31], $0x7D0  }
0x285: {  	[sflag:s31] =	ssyncset.done $0x0  }
0x286: {  	[sflag:s31] =	ssyncadd.s32 $0xFFFFF830  }
0x287: {  	[spmem:s2] =	stream.indirect.scatter.add.f32 [tilespmem:s23], [sflag:$0x6], $0x1, s26, s22, $0xb8;
	[tilespmem:$0x5900] =	vst v63  }
0x288: {  	_ = 	snop  }
0x289: {  	[tilespmem:s20], [sflag:$0x2] =	stream.linear.gather [hbm4b:s13+s4], $0x7D0, $0x38;
	[tilespmem:$0x5900] =	vst v63  }
0x28a: {  	_ =	swait.ge [sflag:s21], $0x7D0  }
0x28b: {  	[sflag:s21] =	ssyncset.done $0x0  }
0x28c: {  	[sflag:s21] =	ssyncadd.s32 $0xFFFFF830  }
0x28d: {  	_ =	swait.ge [sflag:s29], $0x7D0  }
0x28e: {  	[sflag:s29] =	ssyncset.done $0x0  }
0x28f: {  	[sflag:s29] =	ssyncadd.s32 $0xFFFFF830  }
0x290: {  	[spmem:s2] =	stream.indirect.scatter.add.f32 [tilespmem:s23], [sflag:$0x5], $0x1, s4, s22, $0xb8;
	[tilespmem:$0x5900] =	vst v63  }
0x291: {  	_ =	swait.ge [sflag:s25], $0x7D0  }
0x292: {  	[sflag:s25] =	ssyncset.done $0x0  }
0x293: {  	[sflag:s25] =	ssyncadd.s32 $0xFFFFF830  }
0x294: {  	_ =	swait.ge [sflag:s31], $0x7D0  }
0x295: {  	[sflag:s31] =	ssyncset.done $0x0  }
0x296: {  	[sflag:s31] =	ssyncadd.s32 $0xFFFFF830  }
0x297: {  	[spmem:s2] =	stream.indirect.scatter.add.f32 [tilespmem:s23], [sflag:$0x6], $0x1, s20, s22, $0xb8;
	[tilespmem:$0x5900] =	vst v63  }
0x298: {  	_ =	swait.ge [sflag:s29], $0x7D0  }
0x299: {  	[sflag:s29] =	ssyncset.done $0x0  }
0x29a: {  	[sflag:s29] =	ssyncadd.s32 $0xFFFFF830  }
0x29b: {  	_ =	swait.ge [sflag:s31], $0x7D0  }
0x29c: {  	[sflag:s31] =	ssyncset.done $0x0  }
0x29d: {  	[sflag:s31] =	ssyncadd.s32 $0xFFFFF830  }
0x29e: {  	[bflag:$0x0] =	sbarrier.arrive $0xFFFF  }
0x29f: {  	[tilespmem:s18], [sflag:$0x7] =	stream.linear.gather [spmem:s5], $0x1880, $0x38;
	[tilespmem:$0x5900] =	vst v63  }
0x2a0: {  	s0 =	sadd.s32 $0x1, s0;
	_ =	swait.ge [sflag:s19], $0x1880  }
0x2a1: {  	s3 =	simm.s32 $0x80;
	p0 =	sne.s32 s0, s11;
	[sflag:s19] =	ssyncset.done $0x0  }
.Ltmp1:
0x2a2: {  	s7 =	simm.s32 $0x100;
	[sflag:s19] =	ssyncadd.s32 $0xFFFFE780;
	(pc) =	sbr.rel @p0 .LBB2_1-.Ltmp1, $4  }
0x2a3: {  	[hbm4b:s10+s3] =	stream.strided.scatter [tilespmem:s18], [sflag:$0x7], $0x1880, s7, s3, $0x38;
	[tilespmem:$0x5900] =	vst v63  }
0x2a4: {  	_ =	swait.ge [sflag:s19], $0x1880  }
0x2a5: {  	[sflag:s19] =	ssyncset.done $0x0  }
0x2a6: {  	[sflag:s19] =	ssyncadd.s32 $0xFFFFE780  }
0x2a7: {  	_ =	sfence.sel $0x180000  }
0x2a8: {  	[bflag:$0x0] =	sbarrier.arrive $0xFFFF  }
0x2a9: {  	_ =	strace $0x90000047  }
0x2aa: {  	s0 =	stileid.u32;
	[bflag:$0x2] =	sbarrier.arrive $0xFFFF  }
0x2ab: {  	p0 =	sne.s32 s0, $0x0;
	s0 =	rddreg [dreg:$0x3]  }
0x2ac: {  	s0 =	sadd.s32 @!p0 $0x100000, s0  }
0x2ad: {  	[sflag:s0] =	ssyncadd.tile.s32 @!p0 $0x1;
	_ =	shalt  }
.Lfunc_end2:
_tile_overlayer_lowered:
.L_overlay_start_2:
0x2ae: {  	(tag) =	ssettag $0x2  }
0x2af: {  	s0 =	rddreg [dreg:$0x0];
	s2 =	stileid.u32  }
0x2b0: {  	s1 =	rddreg [dreg:$0x1];
	p0 =	sne.s32 s2, $0x0  }
0x2b1: {  	s3 =	rddreg [dreg:$0x2];
	[bflag:$0x3] =	sbarrier.arrive $0xFFFF;
	s2 =	simm.s32 @!p0 $0x1C07  }
0x2b2: {  	[timem:s3], [sflag:s2] =	dma.local @!p0 [hbm:s0], s1  }
0x2b3: {  	s0 =	simm.s32 @!p0 $0x7  }
0x2b4: {  	_ =	swait.ge @!p0 [sflag:s0], s1  }
0x2b5: {  	s1 =	ssub.s32 @!p0 $0x0, s1;
	[sflag:s0] =	ssyncset.done @!p0 $0x0  }
0x2b6: {  	[sflag:s0] =	ssyncadd.s32 @!p0 s1  }
0x2b7: {  	[bflag:$0x3] =	sbarrier.arrive $0xFFFF  }
0x2b8: {  	_ =	shalt  }

</sc_bundles>
